<compile_context>
chip_gen: v7x
topology: tpu7x:2x2x1
jax: 0.10.2.dev20260603
libtpu: 0.0.44.dev20260713+nightly
codegen_flags: <defaults>
</compile_context>

<pallas_src>
import jax
import jax.numpy as jnp
from jax import lax
from jax.experimental import pallas as pl
from jax.experimental.pallas import tpu as pltpu
from jax.experimental.pallas import tpu_sc as plsc

B = 2
S = 4096
D = 64
H = 8
NB = 64
BKT = 64
CHUNK = 1024
NCHK = S // CHUNK
BINS_PER = 32
ROWS = BINS_PER * BKT
NCH = (H * S) // ROWS
CCH = 512
P = 2 * D

NW = 32
TPT = (B * H * S) // NW
K = 128
NCK = TPT // K

_SC_MESH = dict(core_axis_name="c", subcore_axis_name="s",
                num_cores=2, num_subcores=16)


def _hash_sort_kernel(qk_ref, rot_ref, bkt_ref, fg_ref, qt0_ref, ktl_ref):
    b = pl.program_id(0)
    h = pl.program_id(1)
    qk = qk_ref[0]
    rot = rot_ref[0]
    r = jnp.dot(qk, rot, preferred_element_type=jnp.float32)
    scores = jnp.concatenate([r, -r], axis=1)
    m = jnp.max(scores, axis=1, keepdims=True)
    lane = lax.broadcasted_iota(jnp.int32, (S, NB), 1)
    bkt = jnp.min(jnp.where(scores == m, lane, NB), axis=1, keepdims=True)
    onehot = (bkt == lane).astype(jnp.float32)
    bktf = bkt.astype(jnp.float32)
    counts = jnp.sum(onehot, axis=0, keepdims=True)
    i0 = lax.broadcasted_iota(jnp.int32, (NB, NB), 0)
    i1 = lax.broadcasted_iota(jnp.int32, (NB, NB), 1)
    upper = (i0 < i1).astype(jnp.float32)
    offs = jnp.dot(counts, upper, preferred_element_type=jnp.float32,
                   precision=lax.Precision.HIGHEST)
    c0 = lax.broadcasted_iota(jnp.int32, (CHUNK, CHUNK), 0)
    c1 = lax.broadcasted_iota(jnp.int32, (CHUNK, CHUNK), 1)
    lower = (c0 >= c1).astype(jnp.bfloat16)
    ident = (c0 == c1).astype(jnp.float32)
    flatbase = ((b * H + h) * S).astype(jnp.float32)
    hoff = (h * NB).astype(jnp.float32)
    l64 = lax.broadcasted_iota(jnp.int32, (CHUNK, BKT), 1).astype(jnp.float32)
    tcol = lax.broadcasted_iota(jnp.int32, (CHUNK, 1), 0).astype(jnp.float32)
    carry = jnp.zeros((1, NB), jnp.float32)
    qt0a = jnp.zeros((1, BKT), jnp.float32)
    ktla = jnp.zeros((1, BKT), jnp.float32)
    poscols = []
    for ci in range(NCHK):
        sl = slice(ci * CHUNK, (ci + 1) * CHUNK)
        seg = onehot[sl]
        incl = jnp.dot(lower, seg.astype(jnp.bfloat16),
                       preferred_element_type=jnp.float32)
        base = offs + carry - 1.0
        pos = jnp.sum(seg * (incl + base), axis=1, keepdims=True)
        poscols.append(pos)
        carry = carry + incl[CHUNK - 1:CHUNK, :]
        tvals = tcol + float(ci * CHUNK)
        oh0 = (pos == l64).astype(jnp.float32)
        ohl = (pos == l64 + float(S - BKT)).astype(jnp.float32)
        qt0a = qt0a + lax.dot_general(tvals, oh0, (((0,), (0,)), ((), ())),
                                      preferred_element_type=jnp.float32,
                                      precision=lax.Precision.HIGHEST)
        ktla = ktla + lax.dot_general(tvals, ohl, (((0,), (0,)), ((), ())),
                                      preferred_element_type=jnp.float32,
                                      precision=lax.Precision.HIGHEST)
    bktcols = [bktf[ci * CHUNK:(ci + 1) * CHUNK] for ci in range(NCHK)]
    colm = jnp.concatenate(poscols + bktcols, axis=1)
    rowm = lax.dot_general(colm, ident, (((0,), (0,)), ((), ())),
                           preferred_element_type=jnp.float32,
                           precision=lax.Precision.HIGHEST)
    fg_ref[0, 0] = (rowm[0:NCHK] + flatbase).astype(jnp.int32)
    bkt_ref[0, 0] = (rowm[NCHK:2 * NCHK] + hoff).astype(jnp.int32)
    qt0_ref[0, 0] = qt0a
    ktl_ref[0, 0] = ktla


def _hash_sort(qk, rotw):
    return pl.pallas_call(
        _hash_sort_kernel,
        grid=(B, H),
        in_specs=[
            pl.BlockSpec((1, S, D), lambda b, h: (b, 0, 0)),
            pl.BlockSpec((1, D, NB // 2), lambda b, h: (h, 0, 0)),
        ],
        out_specs=[
            pl.BlockSpec((1, 1, NCHK, CHUNK), lambda b, h: (b, h, 0, 0)),
            pl.BlockSpec((1, 1, NCHK, CHUNK), lambda b, h: (b, h, 0, 0)),
            pl.BlockSpec((1, 1, 1, BKT), lambda b, h: (b, h, 0, 0)),
            pl.BlockSpec((1, 1, 1, BKT), lambda b, h: (b, h, 0, 0)),
        ],
        out_shape=[
            jax.ShapeDtypeStruct((B, H, NCHK, CHUNK), jnp.int32),
            jax.ShapeDtypeStruct((B, H, NCHK, CHUNK), jnp.int32),
            jax.ShapeDtypeStruct((B, H, 1, BKT), jnp.float32),
            jax.ShapeDtypeStruct((B, H, 1, BKT), jnp.float32),
        ],
    )(qk, rotw)


def _sc_wid():
    return lax.axis_index("s") * 2 + lax.axis_index("c")


def _sc_scatter_body(qkv_hbm, fg_hbm, sqkv_hbm,
                     idx0, idx1, rows0, rows1, sem_in, sem_out):
    wid = _sc_wid()
    pair = wid // 2
    half = wid % 2
    b = pair // H
    fgbase = pair * S + half * (S // 2)
    qkbase = b * S + half * (S // 2)
    idx = (idx0, idx1)
    rows = (rows0, rows1)
    pend = {}
    for ck in range(NCK):
        s = ck % 2
        if ck >= 2:
            pend[s].wait()
        t0 = ck * K
        l1 = pltpu.async_copy(fg_hbm.at[pl.ds(fgbase + t0, K)], idx[s], sem_in)
        l2 = pltpu.async_copy(qkv_hbm.at[pl.ds(qkbase + t0, K)], rows[s], sem_in)
        l1.wait()
        l2.wait()
        pend[s] = pltpu.async_copy(rows[s], sqkv_hbm.at[idx[s]], sem_out)
    for s in (0, 1):
        pend[s].wait()


def _sc_scatter(qkv, fg):
    fn = pl.kernel(
        _sc_scatter_body,
        out_type=jax.ShapeDtypeStruct((B * H * S, P), jnp.float32),
        mesh=plsc.VectorSubcoreMesh(**_SC_MESH),
        compiler_params=pltpu.CompilerParams(use_tc_tiling_on_sc=False),
        scratch_types=[
            pltpu.VMEM((K,), jnp.int32),
            pltpu.VMEM((K,), jnp.int32),
            pltpu.VMEM((K, P), jnp.float32),
            pltpu.VMEM((K, P), jnp.float32),
            pltpu.SemaphoreType.DMA,
            pltpu.SemaphoreType.DMA,
        ],
    )
    return fn(qkv, fg)


def _sc_gather_body(sog_hbm, fg_hbm, og_hbm,
                    idx0, idx1, rows0, rows1, sem_in, sem_out):
    wid = _sc_wid()
    base = (wid // 2) * S + (wid % 2) * (S // 2)
    idx = (idx0, idx1)
    rows = (rows0, rows1)
    pend = {}
    for ck in range(NCK):
        s = ck % 2
        if ck >= 2:
            pend[s].wait()
        t0 = ck * K
        l1 = pltpu.async_copy(fg_hbm.at[pl.ds(base + t0, K)], idx[s], sem_in)
        l1.wait()
        g = pltpu.async_copy(sog_hbm.at[idx[s]], rows[s], sem_in)
        g.wait()
        pend[s] = pltpu.async_copy(rows[s], og_hbm.at[pl.ds(base + t0, K)],
                                   sem_out)
    for s in (0, 1):
        pend[s].wait()


def _sc_gather(sog, fg):
    fn = pl.kernel(
        _sc_gather_body,
        out_type=jax.ShapeDtypeStruct((B * H * S, P), jnp.float32),
        mesh=plsc.VectorSubcoreMesh(**_SC_MESH),
        compiler_params=pltpu.CompilerParams(use_tc_tiling_on_sc=False),
        scratch_types=[
            pltpu.VMEM((K,), jnp.int32),
            pltpu.VMEM((K,), jnp.int32),
            pltpu.VMEM((K, P), jnp.float32),
            pltpu.VMEM((K, P), jnp.float32),
            pltpu.SemaphoreType.DMA,
            pltpu.SemaphoreType.DMA,
        ],
    )
    return fn(sog, fg)


def _attn_kernel(kv_ref, kv_last_ref, qt_ref, ktl_ref, sog_ref, kvprev):
    c = pl.program_id(1)

    @pl.when(c == 0)
    def _():
        kvprev[...] = kv_last_ref[0]

    cur = kv_ref[...]
    prev = jnp.concatenate([kvprev[...], cur[:ROWS - BKT]], axis=0)
    kvprev[...] = cur[ROWS - BKT:ROWS]

    cur3 = cur.reshape(BINS_PER, BKT, P)
    prev3 = prev.reshape(BINS_PER, BKT, P)
    q = cur3[:, :, 0:D]
    kk = jnp.concatenate([cur3[:, :, 0:D], prev3[:, :, 0:D]], axis=1)
    vv = jnp.concatenate([cur3[:, :, D:P], prev3[:, :, D:P]], axis=1)
    norm = jnp.sqrt(jnp.sum(kk * kk, axis=2, keepdims=True))
    bk = kk / (norm + 1e-6)
    dots = lax.dot_general(q, bk, (((2,), (2,)), ((0,), (0,))),
                           preferred_element_type=jnp.float32)
    dots = dots * (D ** -0.5)

    i1 = lax.broadcasted_iota(jnp.int32, (BINS_PER, BKT, 2 * BKT), 1)
    i2 = lax.broadcasted_iota(jnp.int32, (BINS_PER, BKT, 2 * BKT), 2)
    mask = i1 == i2
    e0 = lax.broadcasted_iota(jnp.int32, (BKT, BKT), 0)
    e1 = lax.broadcasted_iota(jnp.int32, (BKT, BKT), 1)
    ident = (e0 == e1).astype(jnp.float32)
    qt = qt_ref[0, 0]
    ktl = ktl_ref[0, 0]
    qtT = lax.dot_general(ident, qt, (((1,), (1,)), ((), ())),
                          preferred_element_type=jnp.float32,
                          precision=lax.Precision.HIGHEST)
    ktlp = jnp.concatenate(
        [jnp.full((1, BKT), -1.0, jnp.float32), ktl], axis=1)
    lb = qtT == ktlp
    b0 = lax.broadcasted_iota(jnp.int32, (BINS_PER, BKT, 2 * BKT), 0) == 0
    mask = mask | (b0 & lb[None] & ((c % 2) == 0))
    dots = jnp.where(mask, -100000.0, dots)

    mx = jnp.max(dots, axis=2, keepdims=True)
    p = jnp.exp(dots - mx)
    sm = jnp.sum(p, axis=2, keepdims=True)
    lse = mx + jnp.log(sm)
    w = p / sm
    bo = lax.dot_general(w, vv, (((2,), (1,)), ((0,), (0,))),
                         preferred_element_type=jnp.float32)
    lse_b = jnp.broadcast_to(lse, (BINS_PER, BKT, D))
    sog_ref[...] = jnp.concatenate([bo, lse_b], axis=2).reshape(ROWS, P)


def _attention(sqkv, kv_last, qt0, ktl):
    return pl.pallas_call(
        _attn_kernel,
        grid=(B, NCH),
        in_specs=[
            pl.BlockSpec((ROWS, P), lambda b, c: (b * NCH + c, 0)),
            pl.BlockSpec((1, BKT, P), lambda b, c: (b, 0, 0)),
            pl.BlockSpec((1, 1, 1, BKT), lambda b, c: (b, c // 2, 0, 0)),
            pl.BlockSpec((1, 1, 1, BKT),
                         lambda b, c: (b, (c // 2 + H - 1) % H, 0, 0)),
        ],
        out_specs=pl.BlockSpec((ROWS, P), lambda b, c: (b * NCH + c, 0)),
        out_shape=jax.ShapeDtypeStruct((B * H * S, P), jnp.float32),
        scratch_shapes=[
            pltpu.VMEM((BKT, P), jnp.float32),
        ],
    )(sqkv, kv_last, qt0, ktl)


def _combine_kernel(og_ref, out_ref):
    o = og_ref[:, :, 0:D]
    l = jnp.max(og_ref[:, :, D:P], axis=2, keepdims=True)
    m = jnp.max(l, axis=0, keepdims=True)
    p = jnp.exp(l - m)
    s = jnp.sum(p, axis=0, keepdims=True)
    w = p / s
    out_ref[0] = jnp.sum(o * w, axis=0)


def _combine(og3):
    return pl.pallas_call(
        _combine_kernel,
        grid=(B, S // CCH),
        in_specs=[
            pl.BlockSpec((H, CCH, P), lambda b, c: (b, c, 0)),
        ],
        out_specs=pl.BlockSpec((1, CCH, D), lambda b, c: (b, c, 0)),
        out_shape=jax.ShapeDtypeStruct((B, S, D), jnp.float32),
    )(og3)


def kernel(qk, v, random_rotations):
    rotw = jnp.transpose(random_rotations[0], (1, 0, 2)).reshape(H, D, NB // 2)
    bkt4, fg4, qt04, ktl4 = _hash_sort(qk, rotw)
    buckets = bkt4.reshape(B, H * S)
    fg = fg4.reshape(B * H * S)

    qkv = jnp.concatenate([qk, v], axis=-1).reshape(B * S, P)
    sqkv = _sc_scatter(qkv, fg)

    kv_last = sqkv.reshape(B, H * S, P)[:, -BKT:, :]
    sog = _attention(sqkv, kv_last, qt04, ktl4)

    og = _sc_gather(sog, fg)
    out = _combine(og.reshape(B * H, S, P))
    return out, buckets

# --- scband reference (transcript-rebuilt; emitter-appended) ---
"""Pipeline reference for scband-lshattention-44848048505358 (READ-ONLY COPY).

The authoritative reference and input builder live on the scoring server;
editing this copy changes nothing except your own understanding.
"""

import jax, jax.numpy as jnp
import numpy as np

BATCH = 2
SEQLEN = 4096
DIM = 64
BUCKET_SIZE = 64
N_HASHES = 8


def make_unit_length(x, epsilon=1e-6):
    norm = jnp.sqrt(jnp.sum(x * x, axis=-1, keepdims=True))
    return x / (norm + epsilon)


def sort_key_val(t1, t2):
    perm = jnp.argsort(t1, axis=-1)
    return jnp.take_along_axis(t1, perm, axis=-1), jnp.take_along_axis(t2, perm, axis=-1)


def batched_index_select(values, indices):
    if values.ndim == 3:
        return jnp.take_along_axis(values, indices[:, :, None], axis=1)
    return jnp.take_along_axis(values, indices, axis=1)


def hash_vectors(vecs, random_rotations, n_buckets, n_hashes):
    batch_size, seqlen, dim = vecs.shape
    # rotations_shape = (1, dim, n_hashes, n_buckets // 2), expanded over batch
    rot = jnp.broadcast_to(random_rotations, (batch_size, dim, n_hashes, n_buckets // 2))
    rotated_vecs = jnp.einsum('btf,bfhi->bhti', vecs, rot)
    rotated_vecs = jnp.concatenate([rotated_vecs, -rotated_vecs], axis=-1)
    buckets = jnp.argmax(rotated_vecs, axis=-1)
    offsets = (jnp.arange(n_hashes) * n_buckets).reshape(1, -1, 1)
    buckets = jnp.reshape(buckets + offsets, (batch_size, -1))
    return buckets


def lsh_attention(qk, v, random_rotations, bucket_size=BUCKET_SIZE, n_hashes=N_HASHES):
    batch_size, seqlen, dim = qk.shape
    n_buckets = seqlen // bucket_size
    n_bins = n_buckets
    buckets = hash_vectors(qk, random_rotations, n_buckets, n_hashes)

    ticker = jnp.broadcast_to(jnp.arange(n_hashes * seqlen)[None, :], (batch_size, n_hashes * seqlen))
    buckets_and_t = jax.lax.stop_gradient(seqlen * buckets + ticker % seqlen)
    sbuckets_and_t, sticker = sort_key_val(buckets_and_t, ticker)
    undo_sort = jnp.argsort(sticker, axis=-1)

    st = sticker % seqlen
    sqk = batched_index_select(qk, st)
    sv = batched_index_select(v, st)

    bq_t = bkv_t = jnp.reshape(st, (batch_size, n_hashes * n_bins, -1))
    bqk = jnp.reshape(sqk, (batch_size, n_hashes * n_bins, -1, sqk.shape[-1]))
    bv = jnp.reshape(sv, (batch_size, n_hashes * n_bins, -1, sv.shape[-1]))

    bq = bqk
    bk = make_unit_length(bqk)

    def look_one_back(x):
        x_extra = jnp.concatenate([x[:, -1:, ...], x[:, :-1, ...]], axis=1)
        return jnp.concatenate([x, x_extra], axis=2)

    bk = look_one_back(bk)
    bv = look_one_back(bv)
    bkv_t = look_one_back(bkv_t)

    dots = jnp.einsum('bhie,bhje->bhij', bq, bk) * (bq.shape[-1] ** (-0.5))
    self_mask = bq_t[:, :, :, None] == bkv_t[:, :, None, :]
    dots = jnp.where(self_mask, -100000.0, dots)

    dots_logsumexp = jax.scipy.special.logsumexp(dots, axis=-1, keepdims=True)
    dots = jnp.exp(dots - dots_logsumexp)
    bo = jnp.einsum('buij,buje->buie', dots, bv)
    so = jnp.reshape(bo, (batch_size, -1, bo.shape[-1]))
    slogits = jnp.reshape(dots_logsumexp, (batch_size, -1))

    o = batched_index_select(so, undo_sort)
    logits = jnp.take_along_axis(slogits, undo_sort, axis=-1)

    if n_hashes == 1:
        out = o
    else:
        o = jnp.reshape(o, (batch_size, n_hashes, seqlen, o.shape[-1]))
        logits = jnp.reshape(logits, (batch_size, n_hashes, seqlen, 1))
        probs = jnp.exp(logits - jax.scipy.special.logsumexp(logits, axis=1, keepdims=True))
        out = jnp.sum(o * probs, axis=1)
    return out, buckets


def setup_inputs(seed: int = 0) -> dict:
    key = jax.random.key(seed)
    k1, k2, k3 = jax.random.split(key, 3)
    qk = jax.random.normal(k1, (BATCH, SEQLEN, DIM), dtype=jnp.float32)
    v = jax.random.normal(k2, (BATCH, SEQLEN, DIM), dtype=jnp.float32)
    n_buckets = SEQLEN // BUCKET_SIZE
    random_rotations = jax.random.normal(k3, (1, DIM, N_HASHES, n_buckets // 2), dtype=jnp.float32)
    return {"qk": qk, "v": v, "random_rotations": random_rotations}


def reference(qk, v, random_rotations):
    return lsh_attention(qk, v, random_rotations)

if __name__ == "__main__":
    import jax
    _d = setup_inputs()
    print(jax.jit(kernel)(*tuple(_d.values())))

</pallas_src>

<mosaic_0001>
#map = affine_map<(d0, d1) -> (0, 0)>
#map1 = affine_map<(d0, d1) -> (0)>
module attributes {stable_mosaic.version = 14 : i64} {
  func.func @_sc_gather_body(%arg0: i32, %arg1: i32, %arg2: memref<65536x128xf32, #tpu.memory_space<hbm>>, %arg3: memref<65536xi32, #tpu.memory_space<hbm>>, %arg4: memref<65536x128xf32, #tpu.memory_space<hbm>>, %arg5: memref<128xi32, #tpu.memory_space<vmem>>, %arg6: memref<128xi32, #tpu.memory_space<vmem>>, %arg7: memref<128x128xf32, #tpu.memory_space<vmem>>, %arg8: memref<128x128xf32, #tpu.memory_space<vmem>>, %arg9: memref<!tpu.dma_semaphore, #tpu.memory_space<semaphore_mem>>, %arg10: memref<!tpu.dma_semaphore, #tpu.memory_space<semaphore_mem>>) attributes {dimension_semantics = [#tpu.dimension_semantics<core_parallel>, #tpu.dimension_semantics<subcore_parallel>], iteration_bounds = array<i64: 2, 16>, scalar_prefetch = 0 : i64, scratch_operands = 6 : i64, tpu.core_type = #tpu.core_type<sc_vector_subcore>, window_params = [{transform_indices = #map}, {transform_indices = #map1}, {transform_indices = #map}]} {
    %mul3A = arith.constant 2 : i32
    %mul3A_0 = arith.muli %arg1, %mul3A : i32
    %add3A = arith.addi %mul3A_0, %arg0 : i32
    %jit3A = arith.constant 2 : i32
    %div3A = arith.divsi %add3A, %jit3A : i32
    %sign3A = arith.constant 0 : i32
    %sign3A_1 = arith.cmpi sgt, %add3A, %sign3A : i32
    %sign3A_2 = arith.extui %sign3A_1 : i1 to i32
    %sign3A_3 = arith.constant 0 : i32
    %sign3A_4 = arith.cmpi slt, %add3A, %sign3A_3 : i32
    %sign3A_5 = arith.extui %sign3A_4 : i1 to i32
    %sign3A_6 = arith.subi %sign3A_2, %sign3A_5 : i32
    %sign3A_7 = arith.constant 0 : i32
    %sign3A_8 = arith.cmpi sgt, %jit3A, %sign3A_7 : i32
    %sign3A_9 = arith.extui %sign3A_8 : i1 to i32
    %sign3A_10 = arith.constant 0 : i32
    %sign3A_11 = arith.cmpi slt, %jit3A, %sign3A_10 : i32
    %sign3A_12 = arith.extui %sign3A_11 : i1 to i32
    %sign3A_13 = arith.subi %sign3A_9, %sign3A_12 : i32
    %ne3A = arith.cmpi ne, %sign3A_6, %sign3A_13 : i32
    %rem3A = arith.remsi %add3A, %jit3A : i32
    %ne3A_14 = arith.constant 0 : i32
    %ne3A_15 = arith.cmpi ne, %rem3A, %ne3A_14 : i32
    %and3A = arith.andi %ne3A, %ne3A_15 : i1
    %sub3A = arith.constant 1 : i32
    %sub3A_16 = arith.subi %div3A, %sub3A : i32
    %select_n3A = arith.select %and3A, %sub3A_16, %div3A : i32
    %mul3A_17 = arith.constant 4096 : i32
    %mul3A_18 = arith.muli %select_n3A, %mul3A_17 : i32
    %jit3A_19 = arith.constant 2 : i32
    %eq3A = arith.constant 0 : i32
    %eq3A_20 = arith.cmpi eq, %jit3A_19, %eq3A : i32
    %jit3A_21 = arith.constant 1 : i32
    %select_n3A_22 = arith.select %eq3A_20, %jit3A_21, %jit3A_19 : i32
    %rem3A_23 = arith.remsi %add3A, %select_n3A_22 : i32
    %ne3A_24 = arith.constant 0 : i32
    %ne3A_25 = arith.cmpi ne, %rem3A_23, %ne3A_24 : i32
    %lt3A = arith.constant 0 : i32
    %lt3A_26 = arith.cmpi slt, %rem3A_23, %lt3A : i32
    %lt3A_27 = arith.constant 0 : i32
    %lt3A_28 = arith.cmpi slt, %select_n3A_22, %lt3A_27 : i32
    %ne3A_29 = arith.xori %lt3A_26, %lt3A_28 : i1
    %and3A_30 = arith.andi %ne3A_29, %ne3A_25 : i1
    %add3A_31 = arith.addi %rem3A_23, %select_n3A_22 : i32
    %select_n3A_32 = arith.select %and3A_30, %add3A_31, %rem3A_23 : i32
    %mul3A_33 = arith.constant 2048 : i32
    %mul3A_34 = arith.muli %select_n3A_32, %mul3A_33 : i32
    %add3A_35 = arith.addi %mul3A_18, %mul3A_34 : i32
    %add3A_36 = arith.constant 0 : i32
    %add3A_37 = arith.addi %add3A_35, %add3A_36 : i32
    %dma_start3A = tpu.memref_slice %arg3[%add3A_37] : memref<65536xi32, #tpu.memory_space<hbm>> -> memref<128xi32, #tpu.memory_space<hbm>>
    %dma_start3A_38 = tpu.memref_slice %arg3[%add3A_37] : memref<65536xi32, #tpu.memory_space<hbm>> -> memref<128xi32, #tpu.memory_space<hbm>>
    tpu.enqueue_dma source(%dma_start3A_38 : memref<128xi32, #tpu.memory_space<hbm>>) target(%arg5 : memref<128xi32, #tpu.memory_space<vmem>>) target_semaphore(%arg9 : memref<!tpu.dma_semaphore, #tpu.memory_space<semaphore_mem>>)
    %dma_wait3A = tpu.memref_slice %arg3[%add3A_37] : memref<65536xi32, #tpu.memory_space<hbm>> -> memref<128xi32, #tpu.memory_space<hbm>>
    %dma_wait3A_39 = tpu.memref_slice %arg3[%add3A_37] : memref<65536xi32, #tpu.memory_space<hbm>> -> memref<128xi32, #tpu.memory_space<hbm>>
    tpu.wait_dma2 semaphore(%arg9 : memref<!tpu.dma_semaphore, #tpu.memory_space<semaphore_mem>>) src(%dma_wait3A_39 : memref<128xi32, #tpu.memory_space<hbm>>) dst(%arg5 : memref<128xi32, #tpu.memory_space<vmem>>)
    %dma_start3A_40 = arith.constant 0 : i32
    %dma_start3A_41 = arith.constant 0 : i32
    %dma_start3A_42 = tpu.memref_slice %arg2[%dma_start3A_40, %dma_start3A_41] : memref<65536x128xf32, #tpu.memory_space<hbm>> -> memref<65536x128xf32, #tpu.memory_space<hbm>>
    tpu.enqueue_indirect_dma source(%dma_start3A_42 : memref<65536x128xf32, #tpu.memory_space<hbm>>) target(%arg7 : memref<128x128xf32, #tpu.memory_space<vmem>>) offsets(%arg5 : memref<128xi32, #tpu.memory_space<vmem>>) semaphore(%arg9 : memref<!tpu.dma_semaphore, #tpu.memory_space<semaphore_mem>>)
    %dma_wait3A_43 = arith.constant 0 : i32
    %dma_wait3A_44 = arith.constant 0 : i32
    %dma_wait3A_45 = tpu.memref_slice %arg2[%dma_wait3A_43, %dma_wait3A_44] : memref<65536x128xf32, #tpu.memory_space<hbm>> -> memref<65536x128xf32, #tpu.memory_space<hbm>>
    tpu.wait_indirect_dma semaphore(%arg9 : memref<!tpu.dma_semaphore, #tpu.memory_space<semaphore_mem>>) src(%dma_wait3A_45 : memref<65536x128xf32, #tpu.memory_space<hbm>>) dst(%arg7 : memref<128x128xf32, #tpu.memory_space<vmem>>)
    %add3A_46 = arith.constant 0 : i32
    %add3A_47 = arith.addi %add3A_35, %add3A_46 : i32
    %dma_start3A_48 = arith.constant 0 : i32
    %dma_start3A_49 = tpu.memref_slice %arg4[%add3A_47, %dma_start3A_48] : memref<65536x128xf32, #tpu.memory_space<hbm>> -> memref<128x128xf32, #tpu.memory_space<hbm>>
    %dma_start3A_50 = arith.constant 0 : i32
    %dma_start3A_51 = tpu.memref_slice %arg4[%add3A_47, %dma_start3A_50] : memref<65536x128xf32, #tpu.memory_space<hbm>> -> memref<128x128xf32, #tpu.memory_space<hbm>>
    tpu.enqueue_dma source(%arg7 : memref<128x128xf32, #tpu.memory_space<vmem>>) target(%dma_start3A_51 : memref<128x128xf32, #tpu.memory_space<hbm>>) target_semaphore(%arg10 : memref<!tpu.dma_semaphore, #tpu.memory_space<semaphore_mem>>)
    %add3A_52 = arith.constant 128 : i32
    %add3A_53 = arith.addi %add3A_35, %add3A_52 : i32
    %dma_start3A_54 = tpu.memref_slice %arg3[%add3A_53] : memref<65536xi32, #tpu.memory_space<hbm>> -> memref<128xi32, #tpu.memory_space<hbm>>
    %dma_start3A_55 = tpu.memref_slice %arg3[%add3A_53] : memref<65536xi32, #tpu.memory_space<hbm>> -> memref<128xi32, #tpu.memory_space<hbm>>
    tpu.enqueue_dma source(%dma_start3A_55 : memref<128xi32, #tpu.memory_space<hbm>>) target(%arg6 : memref<128xi32, #tpu.memory_space<vmem>>) target_semaphore(%arg9 : memref<!tpu.dma_semaphore, #tpu.memory_space<semaphore_mem>>)
    %dma_wait3A_56 = tpu.memref_slice %arg3[%add3A_53] : memref<65536xi32, #tpu.memory_space<hbm>> -> memref<128xi32, #tpu.memory_space<hbm>>
    %dma_wait3A_57 = tpu.memref_slice %arg3[%add3A_53] : memref<65536xi32, #tpu.memory_space<hbm>> -> memref<128xi32, #tpu.memory_space<hbm>>
    tpu.wait_dma2 semaphore(%arg9 : memref<!tpu.dma_semaphore, #tpu.memory_space<semaphore_mem>>) src(%dma_wait3A_57 : memref<128xi32, #tpu.memory_space<hbm>>) dst(%arg6 : memref<128xi32, #tpu.memory_space<vmem>>)
    %dma_start3A_58 = arith.constant 0 : i32
    %dma_start3A_59 = arith.constant 0 : i32
    %dma_start3A_60 = tpu.memref_slice %arg2[%dma_start3A_58, %dma_start3A_59] : memref<65536x128xf32, #tpu.memory_space<hbm>> -> memref<65536x128xf32, #tpu.memory_space<hbm>>
    tpu.enqueue_indirect_dma source(%dma_start3A_60 : memref<65536x128xf32, #tpu.memory_space<hbm>>) target(%arg8 : memref<128x128xf32, #tpu.memory_space<vmem>>) offsets(%arg6 : memref<128xi32, #tpu.memory_space<vmem>>) semaphore(%arg9 : memref<!tpu.dma_semaphore, #tpu.memory_space<semaphore_mem>>)
    %dma_wait3A_61 = arith.constant 0 : i32
    %dma_wait3A_62 = arith.constant 0 : i32
    %dma_wait3A_63 = tpu.memref_slice %arg2[%dma_wait3A_61, %dma_wait3A_62] : memref<65536x128xf32, #tpu.memory_space<hbm>> -> memref<65536x128xf32, #tpu.memory_space<hbm>>
    tpu.wait_indirect_dma semaphore(%arg9 : memref<!tpu.dma_semaphore, #tpu.memory_space<semaphore_mem>>) src(%dma_wait3A_63 : memref<65536x128xf32, #tpu.memory_space<hbm>>) dst(%arg8 : memref<128x128xf32, #tpu.memory_space<vmem>>)
    %add3A_64 = arith.constant 128 : i32
    %add3A_65 = arith.addi %add3A_35, %add3A_64 : i32
    %dma_start3A_66 = arith.constant 0 : i32
    %dma_start3A_67 = tpu.memref_slice %arg4[%add3A_65, %dma_start3A_66] : memref<65536x128xf32, #tpu.memory_space<hbm>> -> memref<128x128xf32, #tpu.memory_space<hbm>>
    %dma_start3A_68 = arith.constant 0 : i32
    %dma_start3A_69 = tpu.memref_slice %arg4[%add3A_65, %dma_start3A_68] : memref<65536x128xf32, #tpu.memory_space<hbm>> -> memref<128x128xf32, #tpu.memory_space<hbm>>
    tpu.enqueue_dma source(%arg8 : memref<128x128xf32, #tpu.memory_space<vmem>>) target(%dma_start3A_69 : memref<128x128xf32, #tpu.memory_space<hbm>>) target_semaphore(%arg10 : memref<!tpu.dma_semaphore, #tpu.memory_space<semaphore_mem>>)
    %dma_wait3A_70 = arith.constant 0 : i32
    %dma_wait3A_71 = tpu.memref_slice %arg4[%add3A_47, %dma_wait3A_70] : memref<65536x128xf32, #tpu.memory_space<hbm>> -> memref<128x128xf32, #tpu.memory_space<hbm>>
    %dma_wait3A_72 = arith.constant 0 : i32
    %dma_wait3A_73 = tpu.memref_slice %arg4[%add3A_47, %dma_wait3A_72] : memref<65536x128xf32, #tpu.memory_space<hbm>> -> memref<128x128xf32, #tpu.memory_space<hbm>>
    tpu.wait_dma2 semaphore(%arg10 : memref<!tpu.dma_semaphore, #tpu.memory_space<semaphore_mem>>) src(%arg7 : memref<128x128xf32, #tpu.memory_space<vmem>>) dst(%dma_wait3A_73 : memref<128x128xf32, #tpu.memory_space<hbm>>)
    %add3A_74 = arith.constant 256 : i32
    %add3A_75 = arith.addi %add3A_35, %add3A_74 : i32
    %dma_start3A_76 = tpu.memref_slice %arg3[%add3A_75] : memref<65536xi32, #tpu.memory_space<hbm>> -> memref<128xi32, #tpu.memory_space<hbm>>
    %dma_start3A_77 = tpu.memref_slice %arg3[%add3A_75] : memref<65536xi32, #tpu.memory_space<hbm>> -> memref<128xi32, #tpu.memory_space<hbm>>
    tpu.enqueue_dma source(%dma_start3A_77 : memref<128xi32, #tpu.memory_space<hbm>>) target(%arg5 : memref<128xi32, #tpu.memory_space<vmem>>) target_semaphore(%arg9 : memref<!tpu.dma_semaphore, #tpu.memory_space<semaphore_mem>>)
    %dma_wait3A_78 = tpu.memref_slice %arg3[%add3A_75] : memref<65536xi32, #tpu.memory_space<hbm>> -> memref<128xi32, #tpu.memory_space<hbm>>
    %dma_wait3A_79 = tpu.memref_slice %arg3[%add3A_75] : memref<65536xi32, #tpu.memory_space<hbm>> -> memref<128xi32, #tpu.memory_space<hbm>>
    tpu.wait_dma2 semaphore(%arg9 : memref<!tpu.dma_semaphore, #tpu.memory_space<semaphore_mem>>) src(%dma_wait3A_79 : memref<128xi32, #tpu.memory_space<hbm>>) dst(%arg5 : memref<128xi32, #tpu.memory_space<vmem>>)
    %dma_start3A_80 = arith.constant 0 : i32
    %dma_start3A_81 = arith.constant 0 : i32
    %dma_start3A_82 = tpu.memref_slice %arg2[%dma_start3A_80, %dma_start3A_81] : memref<65536x128xf32, #tpu.memory_space<hbm>> -> memref<65536x128xf32, #tpu.memory_space<hbm>>
    tpu.enqueue_indirect_dma source(%dma_start3A_82 : memref<65536x128xf32, #tpu.memory_space<hbm>>) target(%arg7 : memref<128x128xf32, #tpu.memory_space<vmem>>) offsets(%arg5 : memref<128xi32, #tpu.memory_space<vmem>>) semaphore(%arg9 : memref<!tpu.dma_semaphore, #tpu.memory_space<semaphore_mem>>)
    %dma_wait3A_83 = arith.constant 0 : i32
    %dma_wait3A_84 = arith.constant 0 : i32
    %dma_wait3A_85 = tpu.memref_slice %arg2[%dma_wait3A_83, %dma_wait3A_84] : memref<65536x128xf32, #tpu.memory_space<hbm>> -> memref<65536x128xf32, #tpu.memory_space<hbm>>
    tpu.wait_indirect_dma semaphore(%arg9 : memref<!tpu.dma_semaphore, #tpu.memory_space<semaphore_mem>>) src(%dma_wait3A_85 : memref<65536x128xf32, #tpu.memory_space<hbm>>) dst(%arg7 : memref<128x128xf32, #tpu.memory_space<vmem>>)
    %add3A_86 = arith.constant 256 : i32
    %add3A_87 = arith.addi %add3A_35, %add3A_86 : i32
    %dma_start3A_88 = arith.constant 0 : i32
    %dma_start3A_89 = tpu.memref_slice %arg4[%add3A_87, %dma_start3A_88] : memref<65536x128xf32, #tpu.memory_space<hbm>> -> memref<128x128xf32, #tpu.memory_space<hbm>>
    %dma_start3A_90 = arith.constant 0 : i32
    %dma_start3A_91 = tpu.memref_slice %arg4[%add3A_87, %dma_start3A_90] : memref<65536x128xf32, #tpu.memory_space<hbm>> -> memref<128x128xf32, #tpu.memory_space<hbm>>
    tpu.enqueue_dma source(%arg7 : memref<128x128xf32, #tpu.memory_space<vmem>>) target(%dma_start3A_91 : memref<128x128xf32, #tpu.memory_space<hbm>>) target_semaphore(%arg10 : memref<!tpu.dma_semaphore, #tpu.memory_space<semaphore_mem>>)
    %dma_wait3A_92 = arith.constant 0 : i32
    %dma_wait3A_93 = tpu.memref_slice %arg4[%add3A_65, %dma_wait3A_92] : memref<65536x128xf32, #tpu.memory_space<hbm>> -> memref<128x128xf32, #tpu.memory_space<hbm>>
    %dma_wait3A_94 = arith.constant 0 : i32
    %dma_wait3A_95 = tpu.memref_slice %arg4[%add3A_65, %dma_wait3A_94] : memref<65536x128xf32, #tpu.memory_space<hbm>> -> memref<128x128xf32, #tpu.memory_space<hbm>>
    tpu.wait_dma2 semaphore(%arg10 : memref<!tpu.dma_semaphore, #tpu.memory_space<semaphore_mem>>) src(%arg8 : memref<128x128xf32, #tpu.memory_space<vmem>>) dst(%dma_wait3A_95 : memref<128x128xf32, #tpu.memory_space<hbm>>)
    %add3A_96 = arith.constant 384 : i32
    %add3A_97 = arith.addi %add3A_35, %add3A_96 : i32
    %dma_start3A_98 = tpu.memref_slice %arg3[%add3A_97] : memref<65536xi32, #tpu.memory_space<hbm>> -> memref<128xi32, #tpu.memory_space<hbm>>
    %dma_start3A_99 = tpu.memref_slice %arg3[%add3A_97] : memref<65536xi32, #tpu.memory_space<hbm>> -> memref<128xi32, #tpu.memory_space<hbm>>
    tpu.enqueue_dma source(%dma_start3A_99 : memref<128xi32, #tpu.memory_space<hbm>>) target(%arg6 : memref<128xi32, #tpu.memory_space<vmem>>) target_semaphore(%arg9 : memref<!tpu.dma_semaphore, #tpu.memory_space<semaphore_mem>>)
    %dma_wait3A_100 = tpu.memref_slice %arg3[%add3A_97] : memref<65536xi32, #tpu.memory_space<hbm>> -> memref<128xi32, #tpu.memory_space<hbm>>
    %dma_wait3A_101 = tpu.memref_slice %arg3[%add3A_97] : memref<65536xi32, #tpu.memory_space<hbm>> -> memref<128xi32, #tpu.memory_space<hbm>>
    tpu.wait_dma2 semaphore(%arg9 : memref<!tpu.dma_semaphore, #tpu.memory_space<semaphore_mem>>) src(%dma_wait3A_101 : memref<128xi32, #tpu.memory_space<hbm>>) dst(%arg6 : memref<128xi32, #tpu.memory_space<vmem>>)
    %dma_start3A_102 = arith.constant 0 : i32
    %dma_start3A_103 = arith.constant 0 : i32
    %dma_start3A_104 = tpu.memref_slice %arg2[%dma_start3A_102, %dma_start3A_103] : memref<65536x128xf32, #tpu.memory_space<hbm>> -> memref<65536x128xf32, #tpu.memory_space<hbm>>
    tpu.enqueue_indirect_dma source(%dma_start3A_104 : memref<65536x128xf32, #tpu.memory_space<hbm>>) target(%arg8 : memref<128x128xf32, #tpu.memory_space<vmem>>) offsets(%arg6 : memref<128xi32, #tpu.memory_space<vmem>>) semaphore(%arg9 : memref<!tpu.dma_semaphore, #tpu.memory_space<semaphore_mem>>)
    %dma_wait3A_105 = arith.constant 0 : i32
    %dma_wait3A_106 = arith.constant 0 : i32
    %dma_wait3A_107 = tpu.memref_slice %arg2[%dma_wait3A_105, %dma_wait3A_106] : memref<65536x128xf32, #tpu.memory_space<hbm>> -> memref<65536x128xf32, #tpu.memory_space<hbm>>
    tpu.wait_indirect_dma semaphore(%arg9 : memref<!tpu.dma_semaphore, #tpu.memory_space<semaphore_mem>>) src(%dma_wait3A_107 : memref<65536x128xf32, #tpu.memory_space<hbm>>) dst(%arg8 : memref<128x128xf32, #tpu.memory_space<vmem>>)
    %add3A_108 = arith.constant 384 : i32
    %add3A_109 = arith.addi %add3A_35, %add3A_108 : i32
    %dma_start3A_110 = arith.constant 0 : i32
    %dma_start3A_111 = tpu.memref_slice %arg4[%add3A_109, %dma_start3A_110] : memref<65536x128xf32, #tpu.memory_space<hbm>> -> memref<128x128xf32, #tpu.memory_space<hbm>>
    %dma_start3A_112 = arith.constant 0 : i32
    %dma_start3A_113 = tpu.memref_slice %arg4[%add3A_109, %dma_start3A_112] : memref<65536x128xf32, #tpu.memory_space<hbm>> -> memref<128x128xf32, #tpu.memory_space<hbm>>
    tpu.enqueue_dma source(%arg8 : memref<128x128xf32, #tpu.memory_space<vmem>>) target(%dma_start3A_113 : memref<128x128xf32, #tpu.memory_space<hbm>>) target_semaphore(%arg10 : memref<!tpu.dma_semaphore, #tpu.memory_space<semaphore_mem>>)
    %dma_wait3A_114 = arith.constant 0 : i32
    %dma_wait3A_115 = tpu.memref_slice %arg4[%add3A_87, %dma_wait3A_114] : memref<65536x128xf32, #tpu.memory_space<hbm>> -> memref<128x128xf32, #tpu.memory_space<hbm>>
    %dma_wait3A_116 = arith.constant 0 : i32
    %dma_wait3A_117 = tpu.memref_slice %arg4[%add3A_87, %dma_wait3A_116] : memref<65536x128xf32, #tpu.memory_space<hbm>> -> memref<128x128xf32, #tpu.memory_space<hbm>>
    tpu.wait_dma2 semaphore(%arg10 : memref<!tpu.dma_semaphore, #tpu.memory_space<semaphore_mem>>) src(%arg7 : memref<128x128xf32, #tpu.memory_space<vmem>>) dst(%dma_wait3A_117 : memref<128x128xf32, #tpu.memory_space<hbm>>)
    %add3A_118 = arith.constant 512 : i32
    %add3A_119 = arith.addi %add3A_35, %add3A_118 : i32
    %dma_start3A_120 = tpu.memref_slice %arg3[%add3A_119] : memref<65536xi32, #tpu.memory_space<hbm>> -> memref<128xi32, #tpu.memory_space<hbm>>
    %dma_start3A_121 = tpu.memref_slice %arg3[%add3A_119] : memref<65536xi32, #tpu.memory_space<hbm>> -> memref<128xi32, #tpu.memory_space<hbm>>
    tpu.enqueue_dma source(%dma_start3A_121 : memref<128xi32, #tpu.memory_space<hbm>>) target(%arg5 : memref<128xi32, #tpu.memory_space<vmem>>) target_semaphore(%arg9 : memref<!tpu.dma_semaphore, #tpu.memory_space<semaphore_mem>>)
    %dma_wait3A_122 = tpu.memref_slice %arg3[%add3A_119] : memref<65536xi32, #tpu.memory_space<hbm>> -> memref<128xi32, #tpu.memory_space<hbm>>
    %dma_wait3A_123 = tpu.memref_slice %arg3[%add3A_119] : memref<65536xi32, #tpu.memory_space<hbm>> -> memref<128xi32, #tpu.memory_space<hbm>>
    tpu.wait_dma2 semaphore(%arg9 : memref<!tpu.dma_semaphore, #tpu.memory_space<semaphore_mem>>) src(%dma_wait3A_123 : memref<128xi32, #tpu.memory_space<hbm>>) dst(%arg5 : memref<128xi32, #tpu.memory_space<vmem>>)
    %dma_start3A_124 = arith.constant 0 : i32
    %dma_start3A_125 = arith.constant 0 : i32
    %dma_start3A_126 = tpu.memref_slice %arg2[%dma_start3A_124, %dma_start3A_125] : memref<65536x128xf32, #tpu.memory_space<hbm>> -> memref<65536x128xf32, #tpu.memory_space<hbm>>
    tpu.enqueue_indirect_dma source(%dma_start3A_126 : memref<65536x128xf32, #tpu.memory_space<hbm>>) target(%arg7 : memref<128x128xf32, #tpu.memory_space<vmem>>) offsets(%arg5 : memref<128xi32, #tpu.memory_space<vmem>>) semaphore(%arg9 : memref<!tpu.dma_semaphore, #tpu.memory_space<semaphore_mem>>)
    %dma_wait3A_127 = arith.constant 0 : i32
    %dma_wait3A_128 = arith.constant 0 : i32
    %dma_wait3A_129 = tpu.memref_slice %arg2[%dma_wait3A_127, %dma_wait3A_128] : memref<65536x128xf32, #tpu.memory_space<hbm>> -> memref<65536x128xf32, #tpu.memory_space<hbm>>
    tpu.wait_indirect_dma semaphore(%arg9 : memref<!tpu.dma_semaphore, #tpu.memory_space<semaphore_mem>>) src(%dma_wait3A_129 : memref<65536x128xf32, #tpu.memory_space<hbm>>) dst(%arg7 : memref<128x128xf32, #tpu.memory_space<vmem>>)
    %add3A_130 = arith.constant 512 : i32
    %add3A_131 = arith.addi %add3A_35, %add3A_130 : i32
    %dma_start3A_132 = arith.constant 0 : i32
    %dma_start3A_133 = tpu.memref_slice %arg4[%add3A_131, %dma_start3A_132] : memref<65536x128xf32, #tpu.memory_space<hbm>> -> memref<128x128xf32, #tpu.memory_space<hbm>>
    %dma_start3A_134 = arith.constant 0 : i32
    %dma_start3A_135 = tpu.memref_slice %arg4[%add3A_131, %dma_start3A_134] : memref<65536x128xf32, #tpu.memory_space<hbm>> -> memref<128x128xf32, #tpu.memory_space<hbm>>
    tpu.enqueue_dma source(%arg7 : memref<128x128xf32, #tpu.memory_space<vmem>>) target(%dma_start3A_135 : memref<128x128xf32, #tpu.memory_space<hbm>>) target_semaphore(%arg10 : memref<!tpu.dma_semaphore, #tpu.memory_space<semaphore_mem>>)
    %dma_wait3A_136 = arith.constant 0 : i32
    %dma_wait3A_137 = tpu.memref_slice %arg4[%add3A_109, %dma_wait3A_136] : memref<65536x128xf32, #tpu.memory_space<hbm>> -> memref<128x128xf32, #tpu.memory_space<hbm>>
    %dma_wait3A_138 = arith.constant 0 : i32
    %dma_wait3A_139 = tpu.memref_slice %arg4[%add3A_109, %dma_wait3A_138] : memref<65536x128xf32, #tpu.memory_space<hbm>> -> memref<128x128xf32, #tpu.memory_space<hbm>>
    tpu.wait_dma2 semaphore(%arg10 : memref<!tpu.dma_semaphore, #tpu.memory_space<semaphore_mem>>) src(%arg8 : memref<128x128xf32, #tpu.memory_space<vmem>>) dst(%dma_wait3A_139 : memref<128x128xf32, #tpu.memory_space<hbm>>)
    %add3A_140 = arith.constant 640 : i32
    %add3A_141 = arith.addi %add3A_35, %add3A_140 : i32
    %dma_start3A_142 = tpu.memref_slice %arg3[%add3A_141] : memref<65536xi32, #tpu.memory_space<hbm>> -> memref<128xi32, #tpu.memory_space<hbm>>
    %dma_start3A_143 = tpu.memref_slice %arg3[%add3A_141] : memref<65536xi32, #tpu.memory_space<hbm>> -> memref<128xi32, #tpu.memory_space<hbm>>
    tpu.enqueue_dma source(%dma_start3A_143 : memref<128xi32, #tpu.memory_space<hbm>>) target(%arg6 : memref<128xi32, #tpu.memory_space<vmem>>) target_semaphore(%arg9 : memref<!tpu.dma_semaphore, #tpu.memory_space<semaphore_mem>>)
    %dma_wait3A_144 = tpu.memref_slice %arg3[%add3A_141] : memref<65536xi32, #tpu.memory_space<hbm>> -> memref<128xi32, #tpu.memory_space<hbm>>
    %dma_wait3A_145 = tpu.memref_slice %arg3[%add3A_141] : memref<65536xi32, #tpu.memory_space<hbm>> -> memref<128xi32, #tpu.memory_space<hbm>>
    tpu.wait_dma2 semaphore(%arg9 : memref<!tpu.dma_semaphore, #tpu.memory_space<semaphore_mem>>) src(%dma_wait3A_145 : memref<128xi32, #tpu.memory_space<hbm>>) dst(%arg6 : memref<128xi32, #tpu.memory_space<vmem>>)
    %dma_start3A_146 = arith.constant 0 : i32
    %dma_start3A_147 = arith.constant 0 : i32
    %dma_start3A_148 = tpu.memref_slice %arg2[%dma_start3A_146, %dma_start3A_147] : memref<65536x128xf32, #tpu.memory_space<hbm>> -> memref<65536x128xf32, #tpu.memory_space<hbm>>
    tpu.enqueue_indirect_dma source(%dma_start3A_148 : memref<65536x128xf32, #tpu.memory_space<hbm>>) target(%arg8 : memref<128x128xf32, #tpu.memory_space<vmem>>) offsets(%arg6 : memref<128xi32, #tpu.memory_space<vmem>>) semaphore(%arg9 : memref<!tpu.dma_semaphore, #tpu.memory_space<semaphore_mem>>)
    %dma_wait3A_149 = arith.constant 0 : i32
    %dma_wait3A_150 = arith.constant 0 : i32
    %dma_wait3A_151 = tpu.memref_slice %arg2[%dma_wait3A_149, %dma_wait3A_150] : memref<65536x128xf32, #tpu.memory_space<hbm>> -> memref<65536x128xf32, #tpu.memory_space<hbm>>
    tpu.wait_indirect_dma semaphore(%arg9 : memref<!tpu.dma_semaphore, #tpu.memory_space<semaphore_mem>>) src(%dma_wait3A_151 : memref<65536x128xf32, #tpu.memory_space<hbm>>) dst(%arg8 : memref<128x128xf32, #tpu.memory_space<vmem>>)
    %add3A_152 = arith.constant 640 : i32
    %add3A_153 = arith.addi %add3A_35, %add3A_152 : i32
    %dma_start3A_154 = arith.constant 0 : i32
    %dma_start3A_155 = tpu.memref_slice %arg4[%add3A_153, %dma_start3A_154] : memref<65536x128xf32, #tpu.memory_space<hbm>> -> memref<128x128xf32, #tpu.memory_space<hbm>>
    %dma_start3A_156 = arith.constant 0 : i32
    %dma_start3A_157 = tpu.memref_slice %arg4[%add3A_153, %dma_start3A_156] : memref<65536x128xf32, #tpu.memory_space<hbm>> -> memref<128x128xf32, #tpu.memory_space<hbm>>
    tpu.enqueue_dma source(%arg8 : memref<128x128xf32, #tpu.memory_space<vmem>>) target(%dma_start3A_157 : memref<128x128xf32, #tpu.memory_space<hbm>>) target_semaphore(%arg10 : memref<!tpu.dma_semaphore, #tpu.memory_space<semaphore_mem>>)
    %dma_wait3A_158 = arith.constant 0 : i32
    %dma_wait3A_159 = tpu.memref_slice %arg4[%add3A_131, %dma_wait3A_158] : memref<65536x128xf32, #tpu.memory_space<hbm>> -> memref<128x128xf32, #tpu.memory_space<hbm>>
    %dma_wait3A_160 = arith.constant 0 : i32
    %dma_wait3A_161 = tpu.memref_slice %arg4[%add3A_131, %dma_wait3A_160] : memref<65536x128xf32, #tpu.memory_space<hbm>> -> memref<128x128xf32, #tpu.memory_space<hbm>>
    tpu.wait_dma2 semaphore(%arg10 : memref<!tpu.dma_semaphore, #tpu.memory_space<semaphore_mem>>) src(%arg7 : memref<128x128xf32, #tpu.memory_space<vmem>>) dst(%dma_wait3A_161 : memref<128x128xf32, #tpu.memory_space<hbm>>)
    %add3A_162 = arith.constant 768 : i32
    %add3A_163 = arith.addi %add3A_35, %add3A_162 : i32
    %dma_start3A_164 = tpu.memref_slice %arg3[%add3A_163] : memref<65536xi32, #tpu.memory_space<hbm>> -> memref<128xi32, #tpu.memory_space<hbm>>
    %dma_start3A_165 = tpu.memref_slice %arg3[%add3A_163] : memref<65536xi32, #tpu.memory_space<hbm>> -> memref<128xi32, #tpu.memory_space<hbm>>
    tpu.enqueue_dma source(%dma_start3A_165 : memref<128xi32, #tpu.memory_space<hbm>>) target(%arg5 : memref<128xi32, #tpu.memory_space<vmem>>) target_semaphore(%arg9 : memref<!tpu.dma_semaphore, #tpu.memory_space<semaphore_mem>>)
    %dma_wait3A_166 = tpu.memref_slice %arg3[%add3A_163] : memref<65536xi32, #tpu.memory_space<hbm>> -> memref<128xi32, #tpu.memory_space<hbm>>
    %dma_wait3A_167 = tpu.memref_slice %arg3[%add3A_163] : memref<65536xi32, #tpu.memory_space<hbm>> -> memref<128xi32, #tpu.memory_space<hbm>>
    tpu.wait_dma2 semaphore(%arg9 : memref<!tpu.dma_semaphore, #tpu.memory_space<semaphore_mem>>) src(%dma_wait3A_167 : memref<128xi32, #tpu.memory_space<hbm>>) dst(%arg5 : memref<128xi32, #tpu.memory_space<vmem>>)
    %dma_start3A_168 = arith.constant 0 : i32
    %dma_start3A_169 = arith.constant 0 : i32
    %dma_start3A_170 = tpu.memref_slice %arg2[%dma_start3A_168, %dma_start3A_169] : memref<65536x128xf32, #tpu.memory_space<hbm>> -> memref<65536x128xf32, #tpu.memory_space<hbm>>
    tpu.enqueue_indirect_dma source(%dma_start3A_170 : memref<65536x128xf32, #tpu.memory_space<hbm>>) target(%arg7 : memref<128x128xf32, #tpu.memory_space<vmem>>) offsets(%arg5 : memref<128xi32, #tpu.memory_space<vmem>>) semaphore(%arg9 : memref<!tpu.dma_semaphore, #tpu.memory_space<semaphore_mem>>)
    %dma_wait3A_171 = arith.constant 0 : i32
    %dma_wait3A_172 = arith.constant 0 : i32
    %dma_wait3A_173 = tpu.memref_slice %arg2[%dma_wait3A_171, %dma_wait3A_172] : memref<65536x128xf32, #tpu.memory_space<hbm>> -> memref<65536x128xf32, #tpu.memory_space<hbm>>
    tpu.wait_indirect_dma semaphore(%arg9 : memref<!tpu.dma_semaphore, #tpu.memory_space<semaphore_mem>>) src(%dma_wait3A_173 : memref<65536x128xf32, #tpu.memory_space<hbm>>) dst(%arg7 : memref<128x128xf32, #tpu.memory_space<vmem>>)
    %add3A_174 = arith.constant 768 : i32
    %add3A_175 = arith.addi %add3A_35, %add3A_174 : i32
    %dma_start3A_176 = arith.constant 0 : i32
    %dma_start3A_177 = tpu.memref_slice %arg4[%add3A_175, %dma_start3A_176] : memref<65536x128xf32, #tpu.memory_space<hbm>> -> memref<128x128xf32, #tpu.memory_space<hbm>>
    %dma_start3A_178 = arith.constant 0 : i32
    %dma_start3A_179 = tpu.memref_slice %arg4[%add3A_175, %dma_start3A_178] : memref<65536x128xf32, #tpu.memory_space<hbm>> -> memref<128x128xf32, #tpu.memory_space<hbm>>
    tpu.enqueue_dma source(%arg7 : memref<128x128xf32, #tpu.memory_space<vmem>>) target(%dma_start3A_179 : memref<128x128xf32, #tpu.memory_space<hbm>>) target_semaphore(%arg10 : memref<!tpu.dma_semaphore, #tpu.memory_space<semaphore_mem>>)
    %dma_wait3A_180 = arith.constant 0 : i32
    %dma_wait3A_181 = tpu.memref_slice %arg4[%add3A_153, %dma_wait3A_180] : memref<65536x128xf32, #tpu.memory_space<hbm>> -> memref<128x128xf32, #tpu.memory_space<hbm>>
    %dma_wait3A_182 = arith.constant 0 : i32
    %dma_wait3A_183 = tpu.memref_slice %arg4[%add3A_153, %dma_wait3A_182] : memref<65536x128xf32, #tpu.memory_space<hbm>> -> memref<128x128xf32, #tpu.memory_space<hbm>>
    tpu.wait_dma2 semaphore(%arg10 : memref<!tpu.dma_semaphore, #tpu.memory_space<semaphore_mem>>) src(%arg8 : memref<128x128xf32, #tpu.memory_space<vmem>>) dst(%dma_wait3A_183 : memref<128x128xf32, #tpu.memory_space<hbm>>)
    %add3A_184 = arith.constant 896 : i32
    %add3A_185 = arith.addi %add3A_35, %add3A_184 : i32
    %dma_start3A_186 = tpu.memref_slice %arg3[%add3A_185] : memref<65536xi32, #tpu.memory_space<hbm>> -> memref<128xi32, #tpu.memory_space<hbm>>
    %dma_start3A_187 = tpu.memref_slice %arg3[%add3A_185] : memref<65536xi32, #tpu.memory_space<hbm>> -> memref<128xi32, #tpu.memory_space<hbm>>
    tpu.enqueue_dma source(%dma_start3A_187 : memref<128xi32, #tpu.memory_space<hbm>>) target(%arg6 : memref<128xi32, #tpu.memory_space<vmem>>) target_semaphore(%arg9 : memref<!tpu.dma_semaphore, #tpu.memory_space<semaphore_mem>>)
    %dma_wait3A_188 = tpu.memref_slice %arg3[%add3A_185] : memref<65536xi32, #tpu.memory_space<hbm>> -> memref<128xi32, #tpu.memory_space<hbm>>
    %dma_wait3A_189 = tpu.memref_slice %arg3[%add3A_185] : memref<65536xi32, #tpu.memory_space<hbm>> -> memref<128xi32, #tpu.memory_space<hbm>>
    tpu.wait_dma2 semaphore(%arg9 : memref<!tpu.dma_semaphore, #tpu.memory_space<semaphore_mem>>) src(%dma_wait3A_189 : memref<128xi32, #tpu.memory_space<hbm>>) dst(%arg6 : memref<128xi32, #tpu.memory_space<vmem>>)
    %dma_start3A_190 = arith.constant 0 : i32
    %dma_start3A_191 = arith.constant 0 : i32
    %dma_start3A_192 = tpu.memref_slice %arg2[%dma_start3A_190, %dma_start3A_191] : memref<65536x128xf32, #tpu.memory_space<hbm>> -> memref<65536x128xf32, #tpu.memory_space<hbm>>
    tpu.enqueue_indirect_dma source(%dma_start3A_192 : memref<65536x128xf32, #tpu.memory_space<hbm>>) target(%arg8 : memref<128x128xf32, #tpu.memory_space<vmem>>) offsets(%arg6 : memref<128xi32, #tpu.memory_space<vmem>>) semaphore(%arg9 : memref<!tpu.dma_semaphore, #tpu.memory_space<semaphore_mem>>)
    %dma_wait3A_193 = arith.constant 0 : i32
    %dma_wait3A_194 = arith.constant 0 : i32
    %dma_wait3A_195 = tpu.memref_slice %arg2[%dma_wait3A_193, %dma_wait3A_194] : memref<65536x128xf32, #tpu.memory_space<hbm>> -> memref<65536x128xf32, #tpu.memory_space<hbm>>
    tpu.wait_indirect_dma semaphore(%arg9 : memref<!tpu.dma_semaphore, #tpu.memory_space<semaphore_mem>>) src(%dma_wait3A_195 : memref<65536x128xf32, #tpu.memory_space<hbm>>) dst(%arg8 : memref<128x128xf32, #tpu.memory_space<vmem>>)
    %add3A_196 = arith.constant 896 : i32
    %add3A_197 = arith.addi %add3A_35, %add3A_196 : i32
    %dma_start3A_198 = arith.constant 0 : i32
    %dma_start3A_199 = tpu.memref_slice %arg4[%add3A_197, %dma_start3A_198] : memref<65536x128xf32, #tpu.memory_space<hbm>> -> memref<128x128xf32, #tpu.memory_space<hbm>>
    %dma_start3A_200 = arith.constant 0 : i32
    %dma_start3A_201 = tpu.memref_slice %arg4[%add3A_197, %dma_start3A_200] : memref<65536x128xf32, #tpu.memory_space<hbm>> -> memref<128x128xf32, #tpu.memory_space<hbm>>
    tpu.enqueue_dma source(%arg8 : memref<128x128xf32, #tpu.memory_space<vmem>>) target(%dma_start3A_201 : memref<128x128xf32, #tpu.memory_space<hbm>>) target_semaphore(%arg10 : memref<!tpu.dma_semaphore, #tpu.memory_space<semaphore_mem>>)
    %dma_wait3A_202 = arith.constant 0 : i32
    %dma_wait3A_203 = tpu.memref_slice %arg4[%add3A_175, %dma_wait3A_202] : memref<65536x128xf32, #tpu.memory_space<hbm>> -> memref<128x128xf32, #tpu.memory_space<hbm>>
    %dma_wait3A_204 = arith.constant 0 : i32
    %dma_wait3A_205 = tpu.memref_slice %arg4[%add3A_175, %dma_wait3A_204] : memref<65536x128xf32, #tpu.memory_space<hbm>> -> memref<128x128xf32, #tpu.memory_space<hbm>>
    tpu.wait_dma2 semaphore(%arg10 : memref<!tpu.dma_semaphore, #tpu.memory_space<semaphore_mem>>) src(%arg7 : memref<128x128xf32, #tpu.memory_space<vmem>>) dst(%dma_wait3A_205 : memref<128x128xf32, #tpu.memory_space<hbm>>)
    %add3A_206 = arith.constant 1024 : i32
    %add3A_207 = arith.addi %add3A_35, %add3A_206 : i32
    %dma_start3A_208 = tpu.memref_slice %arg3[%add3A_207] : memref<65536xi32, #tpu.memory_space<hbm>> -> memref<128xi32, #tpu.memory_space<hbm>>
    %dma_start3A_209 = tpu.memref_slice %arg3[%add3A_207] : memref<65536xi32, #tpu.memory_space<hbm>> -> memref<128xi32, #tpu.memory_space<hbm>>
    tpu.enqueue_dma source(%dma_start3A_209 : memref<128xi32, #tpu.memory_space<hbm>>) target(%arg5 : memref<128xi32, #tpu.memory_space<vmem>>) target_semaphore(%arg9 : memref<!tpu.dma_semaphore, #tpu.memory_space<semaphore_mem>>)
    %dma_wait3A_210 = tpu.memref_slice %arg3[%add3A_207] : memref<65536xi32, #tpu.memory_space<hbm>> -> memref<128xi32, #tpu.memory_space<hbm>>
    %dma_wait3A_211 = tpu.memref_slice %arg3[%add3A_207] : memref<65536xi32, #tpu.memory_space<hbm>> -> memref<128xi32, #tpu.memory_space<hbm>>
    tpu.wait_dma2 semaphore(%arg9 : memref<!tpu.dma_semaphore, #tpu.memory_space<semaphore_mem>>) src(%dma_wait3A_211 : memref<128xi32, #tpu.memory_space<hbm>>) dst(%arg5 : memref<128xi32, #tpu.memory_space<vmem>>)
    %dma_start3A_212 = arith.constant 0 : i32
    %dma_start3A_213 = arith.constant 0 : i32
    %dma_start3A_214 = tpu.memref_slice %arg2[%dma_start3A_212, %dma_start3A_213] : memref<65536x128xf32, #tpu.memory_space<hbm>> -> memref<65536x128xf32, #tpu.memory_space<hbm>>
    tpu.enqueue_indirect_dma source(%dma_start3A_214 : memref<65536x128xf32, #tpu.memory_space<hbm>>) target(%arg7 : memref<128x128xf32, #tpu.memory_space<vmem>>) offsets(%arg5 : memref<128xi32, #tpu.memory_space<vmem>>) semaphore(%arg9 : memref<!tpu.dma_semaphore, #tpu.memory_space<semaphore_mem>>)
    %dma_wait3A_215 = arith.constant 0 : i32
    %dma_wait3A_216 = arith.constant 0 : i32
    %dma_wait3A_217 = tpu.memref_slice %arg2[%dma_wait3A_215, %dma_wait3A_216] : memref<65536x128xf32, #tpu.memory_space<hbm>> -> memref<65536x128xf32, #tpu.memory_space<hbm>>
    tpu.wait_indirect_dma semaphore(%arg9 : memref<!tpu.dma_semaphore, #tpu.memory_space<semaphore_mem>>) src(%dma_wait3A_217 : memref<65536x128xf32, #tpu.memory_space<hbm>>) dst(%arg7 : memref<128x128xf32, #tpu.memory_space<vmem>>)
    %add3A_218 = arith.constant 1024 : i32
    %add3A_219 = arith.addi %add3A_35, %add3A_218 : i32
    %dma_start3A_220 = arith.constant 0 : i32
    %dma_start3A_221 = tpu.memref_slice %arg4[%add3A_219, %dma_start3A_220] : memref<65536x128xf32, #tpu.memory_space<hbm>> -> memref<128x128xf32, #tpu.memory_space<hbm>>
    %dma_start3A_222 = arith.constant 0 : i32
    %dma_start3A_223 = tpu.memref_slice %arg4[%add3A_219, %dma_start3A_222] : memref<65536x128xf32, #tpu.memory_space<hbm>> -> memref<128x128xf32, #tpu.memory_space<hbm>>
    tpu.enqueue_dma source(%arg7 : memref<128x128xf32, #tpu.memory_space<vmem>>) target(%dma_start3A_223 : memref<128x128xf32, #tpu.memory_space<hbm>>) target_semaphore(%arg10 : memref<!tpu.dma_semaphore, #tpu.memory_space<semaphore_mem>>)
    %dma_wait3A_224 = arith.constant 0 : i32
    %dma_wait3A_225 = tpu.memref_slice %arg4[%add3A_197, %dma_wait3A_224] : memref<65536x128xf32, #tpu.memory_space<hbm>> -> memref<128x128xf32, #tpu.memory_space<hbm>>
    %dma_wait3A_226 = arith.constant 0 : i32
    %dma_wait3A_227 = tpu.memref_slice %arg4[%add3A_197, %dma_wait3A_226] : memref<65536x128xf32, #tpu.memory_space<hbm>> -> memref<128x128xf32, #tpu.memory_space<hbm>>
    tpu.wait_dma2 semaphore(%arg10 : memref<!tpu.dma_semaphore, #tpu.memory_space<semaphore_mem>>) src(%arg8 : memref<128x128xf32, #tpu.memory_space<vmem>>) dst(%dma_wait3A_227 : memref<128x128xf32, #tpu.memory_space<hbm>>)
    %add3A_228 = arith.constant 1152 : i32
    %add3A_229 = arith.addi %add3A_35, %add3A_228 : i32
    %dma_start3A_230 = tpu.memref_slice %arg3[%add3A_229] : memref<65536xi32, #tpu.memory_space<hbm>> -> memref<128xi32, #tpu.memory_space<hbm>>
    %dma_start3A_231 = tpu.memref_slice %arg3[%add3A_229] : memref<65536xi32, #tpu.memory_space<hbm>> -> memref<128xi32, #tpu.memory_space<hbm>>
    tpu.enqueue_dma source(%dma_start3A_231 : memref<128xi32, #tpu.memory_space<hbm>>) target(%arg6 : memref<128xi32, #tpu.memory_space<vmem>>) target_semaphore(%arg9 : memref<!tpu.dma_semaphore, #tpu.memory_space<semaphore_mem>>)
    %dma_wait3A_232 = tpu.memref_slice %arg3[%add3A_229] : memref<65536xi32, #tpu.memory_space<hbm>> -> memref<128xi32, #tpu.memory_space<hbm>>
    %dma_wait3A_233 = tpu.memref_slice %arg3[%add3A_229] : memref<65536xi32, #tpu.memory_space<hbm>> -> memref<128xi32, #tpu.memory_space<hbm>>
    tpu.wait_dma2 semaphore(%arg9 : memref<!tpu.dma_semaphore, #tpu.memory_space<semaphore_mem>>) src(%dma_wait3A_233 : memref<128xi32, #tpu.memory_space<hbm>>) dst(%arg6 : memref<128xi32, #tpu.memory_space<vmem>>)
    %dma_start3A_234 = arith.constant 0 : i32
    %dma_start3A_235 = arith.constant 0 : i32
    %dma_start3A_236 = tpu.memref_slice %arg2[%dma_start3A_234, %dma_start3A_235] : memref<65536x128xf32, #tpu.memory_space<hbm>> -> memref<65536x128xf32, #tpu.memory_space<hbm>>
    tpu.enqueue_indirect_dma source(%dma_start3A_236 : memref<65536x128xf32, #tpu.memory_space<hbm>>) target(%arg8 : memref<128x128xf32, #tpu.memory_space<vmem>>) offsets(%arg6 : memref<128xi32, #tpu.memory_space<vmem>>) semaphore(%arg9 : memref<!tpu.dma_semaphore, #tpu.memory_space<semaphore_mem>>)
    %dma_wait3A_237 = arith.constant 0 : i32
    %dma_wait3A_238 = arith.constant 0 : i32
    %dma_wait3A_239 = tpu.memref_slice %arg2[%dma_wait3A_237, %dma_wait3A_238] : memref<65536x128xf32, #tpu.memory_space<hbm>> -> memref<65536x128xf32, #tpu.memory_space<hbm>>
    tpu.wait_indirect_dma semaphore(%arg9 : memref<!tpu.dma_semaphore, #tpu.memory_space<semaphore_mem>>) src(%dma_wait3A_239 : memref<65536x128xf32, #tpu.memory_space<hbm>>) dst(%arg8 : memref<128x128xf32, #tpu.memory_space<vmem>>)
    %add3A_240 = arith.constant 1152 : i32
    %add3A_241 = arith.addi %add3A_35, %add3A_240 : i32
    %dma_start3A_242 = arith.constant 0 : i32
    %dma_start3A_243 = tpu.memref_slice %arg4[%add3A_241, %dma_start3A_242] : memref<65536x128xf32, #tpu.memory_space<hbm>> -> memref<128x128xf32, #tpu.memory_space<hbm>>
    %dma_start3A_244 = arith.constant 0 : i32
    %dma_start3A_245 = tpu.memref_slice %arg4[%add3A_241, %dma_start3A_244] : memref<65536x128xf32, #tpu.memory_space<hbm>> -> memref<128x128xf32, #tpu.memory_space<hbm>>
    tpu.enqueue_dma source(%arg8 : memref<128x128xf32, #tpu.memory_space<vmem>>) target(%dma_start3A_245 : memref<128x128xf32, #tpu.memory_space<hbm>>) target_semaphore(%arg10 : memref<!tpu.dma_semaphore, #tpu.memory_space<semaphore_mem>>)
    %dma_wait3A_246 = arith.constant 0 : i32
    %dma_wait3A_247 = tpu.memref_slice %arg4[%add3A_219, %dma_wait3A_246] : memref<65536x128xf32, #tpu.memory_space<hbm>> -> memref<128x128xf32, #tpu.memory_space<hbm>>
    %dma_wait3A_248 = arith.constant 0 : i32
    %dma_wait3A_249 = tpu.memref_slice %arg4[%add3A_219, %dma_wait3A_248] : memref<65536x128xf32, #tpu.memory_space<hbm>> -> memref<128x128xf32, #tpu.memory_space<hbm>>
    tpu.wait_dma2 semaphore(%arg10 : memref<!tpu.dma_semaphore, #tpu.memory_space<semaphore_mem>>) src(%arg7 : memref<128x128xf32, #tpu.memory_space<vmem>>) dst(%dma_wait3A_249 : memref<128x128xf32, #tpu.memory_space<hbm>>)
    %add3A_250 = arith.constant 1280 : i32
    %add3A_251 = arith.addi %add3A_35, %add3A_250 : i32
    %dma_start3A_252 = tpu.memref_slice %arg3[%add3A_251] : memref<65536xi32, #tpu.memory_space<hbm>> -> memref<128xi32, #tpu.memory_space<hbm>>
    %dma_start3A_253 = tpu.memref_slice %arg3[%add3A_251] : memref<65536xi32, #tpu.memory_space<hbm>> -> memref<128xi32, #tpu.memory_space<hbm>>
    tpu.enqueue_dma source(%dma_start3A_253 : memref<128xi32, #tpu.memory_space<hbm>>) target(%arg5 : memref<128xi32, #tpu.memory_space<vmem>>) target_semaphore(%arg9 : memref<!tpu.dma_semaphore, #tpu.memory_space<semaphore_mem>>)
    %dma_wait3A_254 = tpu.memref_slice %arg3[%add3A_251] : memref<65536xi32, #tpu.memory_space<hbm>> -> memref<128xi32, #tpu.memory_space<hbm>>
    %dma_wait3A_255 = tpu.memref_slice %arg3[%add3A_251] : memref<65536xi32, #tpu.memory_space<hbm>> -> memref<128xi32, #tpu.memory_space<hbm>>
    tpu.wait_dma2 semaphore(%arg9 : memref<!tpu.dma_semaphore, #tpu.memory_space<semaphore_mem>>) src(%dma_wait3A_255 : memref<128xi32, #tpu.memory_space<hbm>>) dst(%arg5 : memref<128xi32, #tpu.memory_space<vmem>>)
    %dma_start3A_256 = arith.constant 0 : i32
    %dma_start3A_257 = arith.constant 0 : i32
    %dma_start3A_258 = tpu.memref_slice %arg2[%dma_start3A_256, %dma_start3A_257] : memref<65536x128xf32, #tpu.memory_space<hbm>> -> memref<65536x128xf32, #tpu.memory_space<hbm>>
    tpu.enqueue_indirect_dma source(%dma_start3A_258 : memref<65536x128xf32, #tpu.memory_space<hbm>>) target(%arg7 : memref<128x128xf32, #tpu.memory_space<vmem>>) offsets(%arg5 : memref<128xi32, #tpu.memory_space<vmem>>) semaphore(%arg9 : memref<!tpu.dma_semaphore, #tpu.memory_space<semaphore_mem>>)
    %dma_wait3A_259 = arith.constant 0 : i32
    %dma_wait3A_260 = arith.constant 0 : i32
    %dma_wait3A_261 = tpu.memref_slice %arg2[%dma_wait3A_259, %dma_wait3A_260] : memref<65536x128xf32, #tpu.memory_space<hbm>> -> memref<65536x128xf32, #tpu.memory_space<hbm>>
    tpu.wait_indirect_dma semaphore(%arg9 : memref<!tpu.dma_semaphore, #tpu.memory_space<semaphore_mem>>) src(%dma_wait3A_261 : memref<65536x128xf32, #tpu.memory_space<hbm>>) dst(%arg7 : memref<128x128xf32, #tpu.memory_space<vmem>>)
    %add3A_262 = arith.constant 1280 : i32
    %add3A_263 = arith.addi %add3A_35, %add3A_262 : i32
    %dma_start3A_264 = arith.constant 0 : i32
    %dma_start3A_265 = tpu.memref_slice %arg4[%add3A_263, %dma_start3A_264] : memref<65536x128xf32, #tpu.memory_space<hbm>> -> memref<128x128xf32, #tpu.memory_space<hbm>>
    %dma_start3A_266 = arith.constant 0 : i32
    %dma_start3A_267 = tpu.memref_slice %arg4[%add3A_263, %dma_start3A_266] : memref<65536x128xf32, #tpu.memory_space<hbm>> -> memref<128x128xf32, #tpu.memory_space<hbm>>
    tpu.enqueue_dma source(%arg7 : memref<128x128xf32, #tpu.memory_space<vmem>>) target(%dma_start3A_267 : memref<128x128xf32, #tpu.memory_space<hbm>>) target_semaphore(%arg10 : memref<!tpu.dma_semaphore, #tpu.memory_space<semaphore_mem>>)
    %dma_wait3A_268 = arith.constant 0 : i32
    %dma_wait3A_269 = tpu.memref_slice %arg4[%add3A_241, %dma_wait3A_268] : memref<65536x128xf32, #tpu.memory_space<hbm>> -> memref<128x128xf32, #tpu.memory_space<hbm>>
    %dma_wait3A_270 = arith.constant 0 : i32
    %dma_wait3A_271 = tpu.memref_slice %arg4[%add3A_241, %dma_wait3A_270] : memref<65536x128xf32, #tpu.memory_space<hbm>> -> memref<128x128xf32, #tpu.memory_space<hbm>>
    tpu.wait_dma2 semaphore(%arg10 : memref<!tpu.dma_semaphore, #tpu.memory_space<semaphore_mem>>) src(%arg8 : memref<128x128xf32, #tpu.memory_space<vmem>>) dst(%dma_wait3A_271 : memref<128x128xf32, #tpu.memory_space<hbm>>)
    %add3A_272 = arith.constant 1408 : i32
    %add3A_273 = arith.addi %add3A_35, %add3A_272 : i32
    %dma_start3A_274 = tpu.memref_slice %arg3[%add3A_273] : memref<65536xi32, #tpu.memory_space<hbm>> -> memref<128xi32, #tpu.memory_space<hbm>>
    %dma_start3A_275 = tpu.memref_slice %arg3[%add3A_273] : memref<65536xi32, #tpu.memory_space<hbm>> -> memref<128xi32, #tpu.memory_space<hbm>>
    tpu.enqueue_dma source(%dma_start3A_275 : memref<128xi32, #tpu.memory_space<hbm>>) target(%arg6 : memref<128xi32, #tpu.memory_space<vmem>>) target_semaphore(%arg9 : memref<!tpu.dma_semaphore, #tpu.memory_space<semaphore_mem>>)
    %dma_wait3A_276 = tpu.memref_slice %arg3[%add3A_273] : memref<65536xi32, #tpu.memory_space<hbm>> -> memref<128xi32, #tpu.memory_space<hbm>>
    %dma_wait3A_277 = tpu.memref_slice %arg3[%add3A_273] : memref<65536xi32, #tpu.memory_space<hbm>> -> memref<128xi32, #tpu.memory_space<hbm>>
    tpu.wait_dma2 semaphore(%arg9 : memref<!tpu.dma_semaphore, #tpu.memory_space<semaphore_mem>>) src(%dma_wait3A_277 : memref<128xi32, #tpu.memory_space<hbm>>) dst(%arg6 : memref<128xi32, #tpu.memory_space<vmem>>)
    %dma_start3A_278 = arith.constant 0 : i32
    %dma_start3A_279 = arith.constant 0 : i32
    %dma_start3A_280 = tpu.memref_slice %arg2[%dma_start3A_278, %dma_start3A_279] : memref<65536x128xf32, #tpu.memory_space<hbm>> -> memref<65536x128xf32, #tpu.memory_space<hbm>>
    tpu.enqueue_indirect_dma source(%dma_start3A_280 : memref<65536x128xf32, #tpu.memory_space<hbm>>) target(%arg8 : memref<128x128xf32, #tpu.memory_space<vmem>>) offsets(%arg6 : memref<128xi32, #tpu.memory_space<vmem>>) semaphore(%arg9 : memref<!tpu.dma_semaphore, #tpu.memory_space<semaphore_mem>>)
    %dma_wait3A_281 = arith.constant 0 : i32
    %dma_wait3A_282 = arith.constant 0 : i32
    %dma_wait3A_283 = tpu.memref_slice %arg2[%dma_wait3A_281, %dma_wait3A_282] : memref<65536x128xf32, #tpu.memory_space<hbm>> -> memref<65536x128xf32, #tpu.memory_space<hbm>>
    tpu.wait_indirect_dma semaphore(%arg9 : memref<!tpu.dma_semaphore, #tpu.memory_space<semaphore_mem>>) src(%dma_wait3A_283 : memref<65536x128xf32, #tpu.memory_space<hbm>>) dst(%arg8 : memref<128x128xf32, #tpu.memory_space<vmem>>)
    %add3A_284 = arith.constant 1408 : i32
    %add3A_285 = arith.addi %add3A_35, %add3A_284 : i32
    %dma_start3A_286 = arith.constant 0 : i32
    %dma_start3A_287 = tpu.memref_slice %arg4[%add3A_285, %dma_start3A_286] : memref<65536x128xf32, #tpu.memory_space<hbm>> -> memref<128x128xf32, #tpu.memory_space<hbm>>
    %dma_start3A_288 = arith.constant 0 : i32
    %dma_start3A_289 = tpu.memref_slice %arg4[%add3A_285, %dma_start3A_288] : memref<65536x128xf32, #tpu.memory_space<hbm>> -> memref<128x128xf32, #tpu.memory_space<hbm>>
    tpu.enqueue_dma source(%arg8 : memref<128x128xf32, #tpu.memory_space<vmem>>) target(%dma_start3A_289 : memref<128x128xf32, #tpu.memory_space<hbm>>) target_semaphore(%arg10 : memref<!tpu.dma_semaphore, #tpu.memory_space<semaphore_mem>>)
    %dma_wait3A_290 = arith.constant 0 : i32
    %dma_wait3A_291 = tpu.memref_slice %arg4[%add3A_263, %dma_wait3A_290] : memref<65536x128xf32, #tpu.memory_space<hbm>> -> memref<128x128xf32, #tpu.memory_space<hbm>>
    %dma_wait3A_292 = arith.constant 0 : i32
    %dma_wait3A_293 = tpu.memref_slice %arg4[%add3A_263, %dma_wait3A_292] : memref<65536x128xf32, #tpu.memory_space<hbm>> -> memref<128x128xf32, #tpu.memory_space<hbm>>
    tpu.wait_dma2 semaphore(%arg10 : memref<!tpu.dma_semaphore, #tpu.memory_space<semaphore_mem>>) src(%arg7 : memref<128x128xf32, #tpu.memory_space<vmem>>) dst(%dma_wait3A_293 : memref<128x128xf32, #tpu.memory_space<hbm>>)
    %add3A_294 = arith.constant 1536 : i32
    %add3A_295 = arith.addi %add3A_35, %add3A_294 : i32
    %dma_start3A_296 = tpu.memref_slice %arg3[%add3A_295] : memref<65536xi32, #tpu.memory_space<hbm>> -> memref<128xi32, #tpu.memory_space<hbm>>
    %dma_start3A_297 = tpu.memref_slice %arg3[%add3A_295] : memref<65536xi32, #tpu.memory_space<hbm>> -> memref<128xi32, #tpu.memory_space<hbm>>
    tpu.enqueue_dma source(%dma_start3A_297 : memref<128xi32, #tpu.memory_space<hbm>>) target(%arg5 : memref<128xi32, #tpu.memory_space<vmem>>) target_semaphore(%arg9 : memref<!tpu.dma_semaphore, #tpu.memory_space<semaphore_mem>>)
    %dma_wait3A_298 = tpu.memref_slice %arg3[%add3A_295] : memref<65536xi32, #tpu.memory_space<hbm>> -> memref<128xi32, #tpu.memory_space<hbm>>
    %dma_wait3A_299 = tpu.memref_slice %arg3[%add3A_295] : memref<65536xi32, #tpu.memory_space<hbm>> -> memref<128xi32, #tpu.memory_space<hbm>>
    tpu.wait_dma2 semaphore(%arg9 : memref<!tpu.dma_semaphore, #tpu.memory_space<semaphore_mem>>) src(%dma_wait3A_299 : memref<128xi32, #tpu.memory_space<hbm>>) dst(%arg5 : memref<128xi32, #tpu.memory_space<vmem>>)
    %dma_start3A_300 = arith.constant 0 : i32
    %dma_start3A_301 = arith.constant 0 : i32
    %dma_start3A_302 = tpu.memref_slice %arg2[%dma_start3A_300, %dma_start3A_301] : memref<65536x128xf32, #tpu.memory_space<hbm>> -> memref<65536x128xf32, #tpu.memory_space<hbm>>
    tpu.enqueue_indirect_dma source(%dma_start3A_302 : memref<65536x128xf32, #tpu.memory_space<hbm>>) target(%arg7 : memref<128x128xf32, #tpu.memory_space<vmem>>) offsets(%arg5 : memref<128xi32, #tpu.memory_space<vmem>>) semaphore(%arg9 : memref<!tpu.dma_semaphore, #tpu.memory_space<semaphore_mem>>)
    %dma_wait3A_303 = arith.constant 0 : i32
    %dma_wait3A_304 = arith.constant 0 : i32
    %dma_wait3A_305 = tpu.memref_slice %arg2[%dma_wait3A_303, %dma_wait3A_304] : memref<65536x128xf32, #tpu.memory_space<hbm>> -> memref<65536x128xf32, #tpu.memory_space<hbm>>
    tpu.wait_indirect_dma semaphore(%arg9 : memref<!tpu.dma_semaphore, #tpu.memory_space<semaphore_mem>>) src(%dma_wait3A_305 : memref<65536x128xf32, #tpu.memory_space<hbm>>) dst(%arg7 : memref<128x128xf32, #tpu.memory_space<vmem>>)
    %add3A_306 = arith.constant 1536 : i32
    %add3A_307 = arith.addi %add3A_35, %add3A_306 : i32
    %dma_start3A_308 = arith.constant 0 : i32
    %dma_start3A_309 = tpu.memref_slice %arg4[%add3A_307, %dma_start3A_308] : memref<65536x128xf32, #tpu.memory_space<hbm>> -> memref<128x128xf32, #tpu.memory_space<hbm>>
    %dma_start3A_310 = arith.constant 0 : i32
    %dma_start3A_311 = tpu.memref_slice %arg4[%add3A_307, %dma_start3A_310] : memref<65536x128xf32, #tpu.memory_space<hbm>> -> memref<128x128xf32, #tpu.memory_space<hbm>>
    tpu.enqueue_dma source(%arg7 : memref<128x128xf32, #tpu.memory_space<vmem>>) target(%dma_start3A_311 : memref<128x128xf32, #tpu.memory_space<hbm>>) target_semaphore(%arg10 : memref<!tpu.dma_semaphore, #tpu.memory_space<semaphore_mem>>)
    %dma_wait3A_312 = arith.constant 0 : i32
    %dma_wait3A_313 = tpu.memref_slice %arg4[%add3A_285, %dma_wait3A_312] : memref<65536x128xf32, #tpu.memory_space<hbm>> -> memref<128x128xf32, #tpu.memory_space<hbm>>
    %dma_wait3A_314 = arith.constant 0 : i32
    %dma_wait3A_315 = tpu.memref_slice %arg4[%add3A_285, %dma_wait3A_314] : memref<65536x128xf32, #tpu.memory_space<hbm>> -> memref<128x128xf32, #tpu.memory_space<hbm>>
    tpu.wait_dma2 semaphore(%arg10 : memref<!tpu.dma_semaphore, #tpu.memory_space<semaphore_mem>>) src(%arg8 : memref<128x128xf32, #tpu.memory_space<vmem>>) dst(%dma_wait3A_315 : memref<128x128xf32, #tpu.memory_space<hbm>>)
    %add3A_316 = arith.constant 1664 : i32
    %add3A_317 = arith.addi %add3A_35, %add3A_316 : i32
    %dma_start3A_318 = tpu.memref_slice %arg3[%add3A_317] : memref<65536xi32, #tpu.memory_space<hbm>> -> memref<128xi32, #tpu.memory_space<hbm>>
    %dma_start3A_319 = tpu.memref_slice %arg3[%add3A_317] : memref<65536xi32, #tpu.memory_space<hbm>> -> memref<128xi32, #tpu.memory_space<hbm>>
    tpu.enqueue_dma source(%dma_start3A_319 : memref<128xi32, #tpu.memory_space<hbm>>) target(%arg6 : memref<128xi32, #tpu.memory_space<vmem>>) target_semaphore(%arg9 : memref<!tpu.dma_semaphore, #tpu.memory_space<semaphore_mem>>)
    %dma_wait3A_320 = tpu.memref_slice %arg3[%add3A_317] : memref<65536xi32, #tpu.memory_space<hbm>> -> memref<128xi32, #tpu.memory_space<hbm>>
    %dma_wait3A_321 = tpu.memref_slice %arg3[%add3A_317] : memref<65536xi32, #tpu.memory_space<hbm>> -> memref<128xi32, #tpu.memory_space<hbm>>
    tpu.wait_dma2 semaphore(%arg9 : memref<!tpu.dma_semaphore, #tpu.memory_space<semaphore_mem>>) src(%dma_wait3A_321 : memref<128xi32, #tpu.memory_space<hbm>>) dst(%arg6 : memref<128xi32, #tpu.memory_space<vmem>>)
    %dma_start3A_322 = arith.constant 0 : i32
    %dma_start3A_323 = arith.constant 0 : i32
    %dma_start3A_324 = tpu.memref_slice %arg2[%dma_start3A_322, %dma_start3A_323] : memref<65536x128xf32, #tpu.memory_space<hbm>> -> memref<65536x128xf32, #tpu.memory_space<hbm>>
    tpu.enqueue_indirect_dma source(%dma_start3A_324 : memref<65536x128xf32, #tpu.memory_space<hbm>>) target(%arg8 : memref<128x128xf32, #tpu.memory_space<vmem>>) offsets(%arg6 : memref<128xi32, #tpu.memory_space<vmem>>) semaphore(%arg9 : memref<!tpu.dma_semaphore, #tpu.memory_space<semaphore_mem>>)
    %dma_wait3A_325 = arith.constant 0 : i32
    %dma_wait3A_326 = arith.constant 0 : i32
    %dma_wait3A_327 = tpu.memref_slice %arg2[%dma_wait3A_325, %dma_wait3A_326] : memref<65536x128xf32, #tpu.memory_space<hbm>> -> memref<65536x128xf32, #tpu.memory_space<hbm>>
    tpu.wait_indirect_dma semaphore(%arg9 : memref<!tpu.dma_semaphore, #tpu.memory_space<semaphore_mem>>) src(%dma_wait3A_327 : memref<65536x128xf32, #tpu.memory_space<hbm>>) dst(%arg8 : memref<128x128xf32, #tpu.memory_space<vmem>>)
    %add3A_328 = arith.constant 1664 : i32
    %add3A_329 = arith.addi %add3A_35, %add3A_328 : i32
    %dma_start3A_330 = arith.constant 0 : i32
    %dma_start3A_331 = tpu.memref_slice %arg4[%add3A_329, %dma_start3A_330] : memref<65536x128xf32, #tpu.memory_space<hbm>> -> memref<128x128xf32, #tpu.memory_space<hbm>>
    %dma_start3A_332 = arith.constant 0 : i32
    %dma_start3A_333 = tpu.memref_slice %arg4[%add3A_329, %dma_start3A_332] : memref<65536x128xf32, #tpu.memory_space<hbm>> -> memref<128x128xf32, #tpu.memory_space<hbm>>
    tpu.enqueue_dma source(%arg8 : memref<128x128xf32, #tpu.memory_space<vmem>>) target(%dma_start3A_333 : memref<128x128xf32, #tpu.memory_space<hbm>>) target_semaphore(%arg10 : memref<!tpu.dma_semaphore, #tpu.memory_space<semaphore_mem>>)
    %dma_wait3A_334 = arith.constant 0 : i32
    %dma_wait3A_335 = tpu.memref_slice %arg4[%add3A_307, %dma_wait3A_334] : memref<65536x128xf32, #tpu.memory_space<hbm>> -> memref<128x128xf32, #tpu.memory_space<hbm>>
    %dma_wait3A_336 = arith.constant 0 : i32
    %dma_wait3A_337 = tpu.memref_slice %arg4[%add3A_307, %dma_wait3A_336] : memref<65536x128xf32, #tpu.memory_space<hbm>> -> memref<128x128xf32, #tpu.memory_space<hbm>>
    tpu.wait_dma2 semaphore(%arg10 : memref<!tpu.dma_semaphore, #tpu.memory_space<semaphore_mem>>) src(%arg7 : memref<128x128xf32, #tpu.memory_space<vmem>>) dst(%dma_wait3A_337 : memref<128x128xf32, #tpu.memory_space<hbm>>)
    %add3A_338 = arith.constant 1792 : i32
    %add3A_339 = arith.addi %add3A_35, %add3A_338 : i32
    %dma_start3A_340 = tpu.memref_slice %arg3[%add3A_339] : memref<65536xi32, #tpu.memory_space<hbm>> -> memref<128xi32, #tpu.memory_space<hbm>>
    %dma_start3A_341 = tpu.memref_slice %arg3[%add3A_339] : memref<65536xi32, #tpu.memory_space<hbm>> -> memref<128xi32, #tpu.memory_space<hbm>>
    tpu.enqueue_dma source(%dma_start3A_341 : memref<128xi32, #tpu.memory_space<hbm>>) target(%arg5 : memref<128xi32, #tpu.memory_space<vmem>>) target_semaphore(%arg9 : memref<!tpu.dma_semaphore, #tpu.memory_space<semaphore_mem>>)
    %dma_wait3A_342 = tpu.memref_slice %arg3[%add3A_339] : memref<65536xi32, #tpu.memory_space<hbm>> -> memref<128xi32, #tpu.memory_space<hbm>>
    %dma_wait3A_343 = tpu.memref_slice %arg3[%add3A_339] : memref<65536xi32, #tpu.memory_space<hbm>> -> memref<128xi32, #tpu.memory_space<hbm>>
    tpu.wait_dma2 semaphore(%arg9 : memref<!tpu.dma_semaphore, #tpu.memory_space<semaphore_mem>>) src(%dma_wait3A_343 : memref<128xi32, #tpu.memory_space<hbm>>) dst(%arg5 : memref<128xi32, #tpu.memory_space<vmem>>)
    %dma_start3A_344 = arith.constant 0 : i32
    %dma_start3A_345 = arith.constant 0 : i32
    %dma_start3A_346 = tpu.memref_slice %arg2[%dma_start3A_344, %dma_start3A_345] : memref<65536x128xf32, #tpu.memory_space<hbm>> -> memref<65536x128xf32, #tpu.memory_space<hbm>>
    tpu.enqueue_indirect_dma source(%dma_start3A_346 : memref<65536x128xf32, #tpu.memory_space<hbm>>) target(%arg7 : memref<128x128xf32, #tpu.memory_space<vmem>>) offsets(%arg5 : memref<128xi32, #tpu.memory_space<vmem>>) semaphore(%arg9 : memref<!tpu.dma_semaphore, #tpu.memory_space<semaphore_mem>>)
    %dma_wait3A_347 = arith.constant 0 : i32
    %dma_wait3A_348 = arith.constant 0 : i32
    %dma_wait3A_349 = tpu.memref_slice %arg2[%dma_wait3A_347, %dma_wait3A_348] : memref<65536x128xf32, #tpu.memory_space<hbm>> -> memref<65536x128xf32, #tpu.memory_space<hbm>>
    tpu.wait_indirect_dma semaphore(%arg9 : memref<!tpu.dma_semaphore, #tpu.memory_space<semaphore_mem>>) src(%dma_wait3A_349 : memref<65536x128xf32, #tpu.memory_space<hbm>>) dst(%arg7 : memref<128x128xf32, #tpu.memory_space<vmem>>)
    %add3A_350 = arith.constant 1792 : i32
    %add3A_351 = arith.addi %add3A_35, %add3A_350 : i32
    %dma_start3A_352 = arith.constant 0 : i32
    %dma_start3A_353 = tpu.memref_slice %arg4[%add3A_351, %dma_start3A_352] : memref<65536x128xf32, #tpu.memory_space<hbm>> -> memref<128x128xf32, #tpu.memory_space<hbm>>
    %dma_start3A_354 = arith.constant 0 : i32
    %dma_start3A_355 = tpu.memref_slice %arg4[%add3A_351, %dma_start3A_354] : memref<65536x128xf32, #tpu.memory_space<hbm>> -> memref<128x128xf32, #tpu.memory_space<hbm>>
    tpu.enqueue_dma source(%arg7 : memref<128x128xf32, #tpu.memory_space<vmem>>) target(%dma_start3A_355 : memref<128x128xf32, #tpu.memory_space<hbm>>) target_semaphore(%arg10 : memref<!tpu.dma_semaphore, #tpu.memory_space<semaphore_mem>>)
    %dma_wait3A_356 = arith.constant 0 : i32
    %dma_wait3A_357 = tpu.memref_slice %arg4[%add3A_329, %dma_wait3A_356] : memref<65536x128xf32, #tpu.memory_space<hbm>> -> memref<128x128xf32, #tpu.memory_space<hbm>>
    %dma_wait3A_358 = arith.constant 0 : i32
    %dma_wait3A_359 = tpu.memref_slice %arg4[%add3A_329, %dma_wait3A_358] : memref<65536x128xf32, #tpu.memory_space<hbm>> -> memref<128x128xf32, #tpu.memory_space<hbm>>
    tpu.wait_dma2 semaphore(%arg10 : memref<!tpu.dma_semaphore, #tpu.memory_space<semaphore_mem>>) src(%arg8 : memref<128x128xf32, #tpu.memory_space<vmem>>) dst(%dma_wait3A_359 : memref<128x128xf32, #tpu.memory_space<hbm>>)
    %add3A_360 = arith.constant 1920 : i32
    %add3A_361 = arith.addi %add3A_35, %add3A_360 : i32
    %dma_start3A_362 = tpu.memref_slice %arg3[%add3A_361] : memref<65536xi32, #tpu.memory_space<hbm>> -> memref<128xi32, #tpu.memory_space<hbm>>
    %dma_start3A_363 = tpu.memref_slice %arg3[%add3A_361] : memref<65536xi32, #tpu.memory_space<hbm>> -> memref<128xi32, #tpu.memory_space<hbm>>
    tpu.enqueue_dma source(%dma_start3A_363 : memref<128xi32, #tpu.memory_space<hbm>>) target(%arg6 : memref<128xi32, #tpu.memory_space<vmem>>) target_semaphore(%arg9 : memref<!tpu.dma_semaphore, #tpu.memory_space<semaphore_mem>>)
    %dma_wait3A_364 = tpu.memref_slice %arg3[%add3A_361] : memref<65536xi32, #tpu.memory_space<hbm>> -> memref<128xi32, #tpu.memory_space<hbm>>
    %dma_wait3A_365 = tpu.memref_slice %arg3[%add3A_361] : memref<65536xi32, #tpu.memory_space<hbm>> -> memref<128xi32, #tpu.memory_space<hbm>>
    tpu.wait_dma2 semaphore(%arg9 : memref<!tpu.dma_semaphore, #tpu.memory_space<semaphore_mem>>) src(%dma_wait3A_365 : memref<128xi32, #tpu.memory_space<hbm>>) dst(%arg6 : memref<128xi32, #tpu.memory_space<vmem>>)
    %dma_start3A_366 = arith.constant 0 : i32
    %dma_start3A_367 = arith.constant 0 : i32
    %dma_start3A_368 = tpu.memref_slice %arg2[%dma_start3A_366, %dma_start3A_367] : memref<65536x128xf32, #tpu.memory_space<hbm>> -> memref<65536x128xf32, #tpu.memory_space<hbm>>
    tpu.enqueue_indirect_dma source(%dma_start3A_368 : memref<65536x128xf32, #tpu.memory_space<hbm>>) target(%arg8 : memref<128x128xf32, #tpu.memory_space<vmem>>) offsets(%arg6 : memref<128xi32, #tpu.memory_space<vmem>>) semaphore(%arg9 : memref<!tpu.dma_semaphore, #tpu.memory_space<semaphore_mem>>)
    %dma_wait3A_369 = arith.constant 0 : i32
    %dma_wait3A_370 = arith.constant 0 : i32
    %dma_wait3A_371 = tpu.memref_slice %arg2[%dma_wait3A_369, %dma_wait3A_370] : memref<65536x128xf32, #tpu.memory_space<hbm>> -> memref<65536x128xf32, #tpu.memory_space<hbm>>
    tpu.wait_indirect_dma semaphore(%arg9 : memref<!tpu.dma_semaphore, #tpu.memory_space<semaphore_mem>>) src(%dma_wait3A_371 : memref<65536x128xf32, #tpu.memory_space<hbm>>) dst(%arg8 : memref<128x128xf32, #tpu.memory_space<vmem>>)
    %add3A_372 = arith.constant 1920 : i32
    %add3A_373 = arith.addi %add3A_35, %add3A_372 : i32
    %dma_start3A_374 = arith.constant 0 : i32
    %dma_start3A_375 = tpu.memref_slice %arg4[%add3A_373, %dma_start3A_374] : memref<65536x128xf32, #tpu.memory_space<hbm>> -> memref<128x128xf32, #tpu.memory_space<hbm>>
    %dma_start3A_376 = arith.constant 0 : i32
    %dma_start3A_377 = tpu.memref_slice %arg4[%add3A_373, %dma_start3A_376] : memref<65536x128xf32, #tpu.memory_space<hbm>> -> memref<128x128xf32, #tpu.memory_space<hbm>>
    tpu.enqueue_dma source(%arg8 : memref<128x128xf32, #tpu.memory_space<vmem>>) target(%dma_start3A_377 : memref<128x128xf32, #tpu.memory_space<hbm>>) target_semaphore(%arg10 : memref<!tpu.dma_semaphore, #tpu.memory_space<semaphore_mem>>)
    %dma_wait3A_378 = arith.constant 0 : i32
    %dma_wait3A_379 = tpu.memref_slice %arg4[%add3A_351, %dma_wait3A_378] : memref<65536x128xf32, #tpu.memory_space<hbm>> -> memref<128x128xf32, #tpu.memory_space<hbm>>
    %dma_wait3A_380 = arith.constant 0 : i32
    %dma_wait3A_381 = tpu.memref_slice %arg4[%add3A_351, %dma_wait3A_380] : memref<65536x128xf32, #tpu.memory_space<hbm>> -> memref<128x128xf32, #tpu.memory_space<hbm>>
    tpu.wait_dma2 semaphore(%arg10 : memref<!tpu.dma_semaphore, #tpu.memory_space<semaphore_mem>>) src(%arg7 : memref<128x128xf32, #tpu.memory_space<vmem>>) dst(%dma_wait3A_381 : memref<128x128xf32, #tpu.memory_space<hbm>>)
    %dma_wait3A_382 = arith.constant 0 : i32
    %dma_wait3A_383 = tpu.memref_slice %arg4[%add3A_373, %dma_wait3A_382] : memref<65536x128xf32, #tpu.memory_space<hbm>> -> memref<128x128xf32, #tpu.memory_space<hbm>>
    %dma_wait3A_384 = arith.constant 0 : i32
    %dma_wait3A_385 = tpu.memref_slice %arg4[%add3A_373, %dma_wait3A_384] : memref<65536x128xf32, #tpu.memory_space<hbm>> -> memref<128x128xf32, #tpu.memory_space<hbm>>
    tpu.wait_dma2 semaphore(%arg10 : memref<!tpu.dma_semaphore, #tpu.memory_space<semaphore_mem>>) src(%arg8 : memref<128x128xf32, #tpu.memory_space<vmem>>) dst(%dma_wait3A_385 : memref<128x128xf32, #tpu.memory_space<hbm>>)
    return
  }
}

#map = affine_map<(d0, d1) -> (0, 0)>
#map1 = affine_map<(d0, d1) -> (0)>
module attributes {stable_mosaic.version = 14 : i64} {
  func.func @_sc_scatter_body(%arg0: i32, %arg1: i32, %arg2: memref<8192x128xf32, #tpu.memory_space<hbm>>, %arg3: memref<65536xi32, #tpu.memory_space<hbm>>, %arg4: memref<65536x128xf32, #tpu.memory_space<hbm>>, %arg5: memref<128xi32, #tpu.memory_space<vmem>>, %arg6: memref<128xi32, #tpu.memory_space<vmem>>, %arg7: memref<128x128xf32, #tpu.memory_space<vmem>>, %arg8: memref<128x128xf32, #tpu.memory_space<vmem>>, %arg9: memref<!tpu.dma_semaphore, #tpu.memory_space<semaphore_mem>>, %arg10: memref<!tpu.dma_semaphore, #tpu.memory_space<semaphore_mem>>) attributes {dimension_semantics = [#tpu.dimension_semantics<core_parallel>, #tpu.dimension_semantics<subcore_parallel>], iteration_bounds = array<i64: 2, 16>, scalar_prefetch = 0 : i64, scratch_operands = 6 : i64, tpu.core_type = #tpu.core_type<sc_vector_subcore>, window_params = [{transform_indices = #map}, {transform_indices = #map1}, {transform_indices = #map}]} {
    %mul3A = arith.constant 2 : i32
    %mul3A_0 = arith.muli %arg1, %mul3A : i32
    %add3A = arith.addi %mul3A_0, %arg0 : i32
    %jit3A = arith.constant 2 : i32
    %div3A = arith.divsi %add3A, %jit3A : i32
    %sign3A = arith.constant 0 : i32
    %sign3A_1 = arith.cmpi sgt, %add3A, %sign3A : i32
    %sign3A_2 = arith.extui %sign3A_1 : i1 to i32
    %sign3A_3 = arith.constant 0 : i32
    %sign3A_4 = arith.cmpi slt, %add3A, %sign3A_3 : i32
    %sign3A_5 = arith.extui %sign3A_4 : i1 to i32
    %sign3A_6 = arith.subi %sign3A_2, %sign3A_5 : i32
    %sign3A_7 = arith.constant 0 : i32
    %sign3A_8 = arith.cmpi sgt, %jit3A, %sign3A_7 : i32
    %sign3A_9 = arith.extui %sign3A_8 : i1 to i32
    %sign3A_10 = arith.constant 0 : i32
    %sign3A_11 = arith.cmpi slt, %jit3A, %sign3A_10 : i32
    %sign3A_12 = arith.extui %sign3A_11 : i1 to i32
    %sign3A_13 = arith.subi %sign3A_9, %sign3A_12 : i32
    %ne3A = arith.cmpi ne, %sign3A_6, %sign3A_13 : i32
    %rem3A = arith.remsi %add3A, %jit3A : i32
    %ne3A_14 = arith.constant 0 : i32
    %ne3A_15 = arith.cmpi ne, %rem3A, %ne3A_14 : i32
    %and3A = arith.andi %ne3A, %ne3A_15 : i1
    %sub3A = arith.constant 1 : i32
    %sub3A_16 = arith.subi %div3A, %sub3A : i32
    %select_n3A = arith.select %and3A, %sub3A_16, %div3A : i32
    %jit3A_17 = arith.constant 2 : i32
    %eq3A = arith.constant 0 : i32
    %eq3A_18 = arith.cmpi eq, %jit3A_17, %eq3A : i32
    %jit3A_19 = arith.constant 1 : i32
    %select_n3A_20 = arith.select %eq3A_18, %jit3A_19, %jit3A_17 : i32
    %rem3A_21 = arith.remsi %add3A, %select_n3A_20 : i32
    %ne3A_22 = arith.constant 0 : i32
    %ne3A_23 = arith.cmpi ne, %rem3A_21, %ne3A_22 : i32
    %lt3A = arith.constant 0 : i32
    %lt3A_24 = arith.cmpi slt, %rem3A_21, %lt3A : i32
    %lt3A_25 = arith.constant 0 : i32
    %lt3A_26 = arith.cmpi slt, %select_n3A_20, %lt3A_25 : i32
    %ne3A_27 = arith.xori %lt3A_24, %lt3A_26 : i1
    %and3A_28 = arith.andi %ne3A_27, %ne3A_23 : i1
    %add3A_29 = arith.addi %rem3A_21, %select_n3A_20 : i32
    %select_n3A_30 = arith.select %and3A_28, %add3A_29, %rem3A_21 : i32
    %jit3A_31 = arith.constant 8 : i32
    %div3A_32 = arith.divsi %select_n3A, %jit3A_31 : i32
    %sign3A_33 = arith.constant 0 : i32
    %sign3A_34 = arith.cmpi sgt, %select_n3A, %sign3A_33 : i32
    %sign3A_35 = arith.extui %sign3A_34 : i1 to i32
    %sign3A_36 = arith.constant 0 : i32
    %sign3A_37 = arith.cmpi slt, %select_n3A, %sign3A_36 : i32
    %sign3A_38 = arith.extui %sign3A_37 : i1 to i32
    %sign3A_39 = arith.subi %sign3A_35, %sign3A_38 : i32
    %sign3A_40 = arith.constant 0 : i32
    %sign3A_41 = arith.cmpi sgt, %jit3A_31, %sign3A_40 : i32
    %sign3A_42 = arith.extui %sign3A_41 : i1 to i32
    %sign3A_43 = arith.constant 0 : i32
    %sign3A_44 = arith.cmpi slt, %jit3A_31, %sign3A_43 : i32
    %sign3A_45 = arith.extui %sign3A_44 : i1 to i32
    %sign3A_46 = arith.subi %sign3A_42, %sign3A_45 : i32
    %ne3A_47 = arith.cmpi ne, %sign3A_39, %sign3A_46 : i32
    %rem3A_48 = arith.remsi %select_n3A, %jit3A_31 : i32
    %ne3A_49 = arith.constant 0 : i32
    %ne3A_50 = arith.cmpi ne, %rem3A_48, %ne3A_49 : i32
    %and3A_51 = arith.andi %ne3A_47, %ne3A_50 : i1
    %sub3A_52 = arith.constant 1 : i32
    %sub3A_53 = arith.subi %div3A_32, %sub3A_52 : i32
    %select_n3A_54 = arith.select %and3A_51, %sub3A_53, %div3A_32 : i32
    %mul3A_55 = arith.constant 4096 : i32
    %mul3A_56 = arith.muli %select_n3A, %mul3A_55 : i32
    %mul3A_57 = arith.constant 2048 : i32
    %mul3A_58 = arith.muli %select_n3A_30, %mul3A_57 : i32
    %add3A_59 = arith.addi %mul3A_56, %mul3A_58 : i32
    %mul3A_60 = arith.constant 4096 : i32
    %mul3A_61 = arith.muli %select_n3A_54, %mul3A_60 : i32
    %mul3A_62 = arith.constant 2048 : i32
    %mul3A_63 = arith.muli %select_n3A_30, %mul3A_62 : i32
    %add3A_64 = arith.addi %mul3A_61, %mul3A_63 : i32
    %add3A_65 = arith.constant 0 : i32
    %add3A_66 = arith.addi %add3A_59, %add3A_65 : i32
    %dma_start3A = tpu.memref_slice %arg3[%add3A_66] : memref<65536xi32, #tpu.memory_space<hbm>> -> memref<128xi32, #tpu.memory_space<hbm>>
    %dma_start3A_67 = tpu.memref_slice %arg3[%add3A_66] : memref<65536xi32, #tpu.memory_space<hbm>> -> memref<128xi32, #tpu.memory_space<hbm>>
    tpu.enqueue_dma source(%dma_start3A_67 : memref<128xi32, #tpu.memory_space<hbm>>) target(%arg5 : memref<128xi32, #tpu.memory_space<vmem>>) target_semaphore(%arg9 : memref<!tpu.dma_semaphore, #tpu.memory_space<semaphore_mem>>)
    %add3A_68 = arith.constant 0 : i32
    %add3A_69 = arith.addi %add3A_64, %add3A_68 : i32
    %dma_start3A_70 = arith.constant 0 : i32
    %dma_start3A_71 = tpu.memref_slice %arg2[%add3A_69, %dma_start3A_70] : memref<8192x128xf32, #tpu.memory_space<hbm>> -> memref<128x128xf32, #tpu.memory_space<hbm>>
    %dma_start3A_72 = arith.constant 0 : i32
    %dma_start3A_73 = tpu.memref_slice %arg2[%add3A_69, %dma_start3A_72] : memref<8192x128xf32, #tpu.memory_space<hbm>> -> memref<128x128xf32, #tpu.memory_space<hbm>>
    tpu.enqueue_dma source(%dma_start3A_73 : memref<128x128xf32, #tpu.memory_space<hbm>>) target(%arg7 : memref<128x128xf32, #tpu.memory_space<vmem>>) target_semaphore(%arg9 : memref<!tpu.dma_semaphore, #tpu.memory_space<semaphore_mem>>)
    %dma_wait3A = tpu.memref_slice %arg3[%add3A_66] : memref<65536xi32, #tpu.memory_space<hbm>> -> memref<128xi32, #tpu.memory_space<hbm>>
    %dma_wait3A_74 = tpu.memref_slice %arg3[%add3A_66] : memref<65536xi32, #tpu.memory_space<hbm>> -> memref<128xi32, #tpu.memory_space<hbm>>
    tpu.wait_dma2 semaphore(%arg9 : memref<!tpu.dma_semaphore, #tpu.memory_space<semaphore_mem>>) src(%dma_wait3A_74 : memref<128xi32, #tpu.memory_space<hbm>>) dst(%arg5 : memref<128xi32, #tpu.memory_space<vmem>>)
    %dma_wait3A_75 = arith.constant 0 : i32
    %dma_wait3A_76 = tpu.memref_slice %arg2[%add3A_69, %dma_wait3A_75] : memref<8192x128xf32, #tpu.memory_space<hbm>> -> memref<128x128xf32, #tpu.memory_space<hbm>>
    %dma_wait3A_77 = arith.constant 0 : i32
    %dma_wait3A_78 = tpu.memref_slice %arg2[%add3A_69, %dma_wait3A_77] : memref<8192x128xf32, #tpu.memory_space<hbm>> -> memref<128x128xf32, #tpu.memory_space<hbm>>
    tpu.wait_dma2 semaphore(%arg9 : memref<!tpu.dma_semaphore, #tpu.memory_space<semaphore_mem>>) src(%dma_wait3A_78 : memref<128x128xf32, #tpu.memory_space<hbm>>) dst(%arg7 : memref<128x128xf32, #tpu.memory_space<vmem>>)
    %dma_start3A_79 = arith.constant 0 : i32
    %dma_start3A_80 = arith.constant 0 : i32
    %dma_start3A_81 = tpu.memref_slice %arg4[%dma_start3A_79, %dma_start3A_80] : memref<65536x128xf32, #tpu.memory_space<hbm>> -> memref<65536x128xf32, #tpu.memory_space<hbm>>
    tpu.enqueue_indirect_dma source(%arg7 : memref<128x128xf32, #tpu.memory_space<vmem>>) target(%dma_start3A_81 : memref<65536x128xf32, #tpu.memory_space<hbm>>) offsets(%arg5 : memref<128xi32, #tpu.memory_space<vmem>>) semaphore(%arg10 : memref<!tpu.dma_semaphore, #tpu.memory_space<semaphore_mem>>)
    %add3A_82 = arith.constant 128 : i32
    %add3A_83 = arith.addi %add3A_59, %add3A_82 : i32
    %dma_start3A_84 = tpu.memref_slice %arg3[%add3A_83] : memref<65536xi32, #tpu.memory_space<hbm>> -> memref<128xi32, #tpu.memory_space<hbm>>
    %dma_start3A_85 = tpu.memref_slice %arg3[%add3A_83] : memref<65536xi32, #tpu.memory_space<hbm>> -> memref<128xi32, #tpu.memory_space<hbm>>
    tpu.enqueue_dma source(%dma_start3A_85 : memref<128xi32, #tpu.memory_space<hbm>>) target(%arg6 : memref<128xi32, #tpu.memory_space<vmem>>) target_semaphore(%arg9 : memref<!tpu.dma_semaphore, #tpu.memory_space<semaphore_mem>>)
    %add3A_86 = arith.constant 128 : i32
    %add3A_87 = arith.addi %add3A_64, %add3A_86 : i32
    %dma_start3A_88 = arith.constant 0 : i32
    %dma_start3A_89 = tpu.memref_slice %arg2[%add3A_87, %dma_start3A_88] : memref<8192x128xf32, #tpu.memory_space<hbm>> -> memref<128x128xf32, #tpu.memory_space<hbm>>
    %dma_start3A_90 = arith.constant 0 : i32
    %dma_start3A_91 = tpu.memref_slice %arg2[%add3A_87, %dma_start3A_90] : memref<8192x128xf32, #tpu.memory_space<hbm>> -> memref<128x128xf32, #tpu.memory_space<hbm>>
    tpu.enqueue_dma source(%dma_start3A_91 : memref<128x128xf32, #tpu.memory_space<hbm>>) target(%arg8 : memref<128x128xf32, #tpu.memory_space<vmem>>) target_semaphore(%arg9 : memref<!tpu.dma_semaphore, #tpu.memory_space<semaphore_mem>>)
    %dma_wait3A_92 = tpu.memref_slice %arg3[%add3A_83] : memref<65536xi32, #tpu.memory_space<hbm>> -> memref<128xi32, #tpu.memory_space<hbm>>
    %dma_wait3A_93 = tpu.memref_slice %arg3[%add3A_83] : memref<65536xi32, #tpu.memory_space<hbm>> -> memref<128xi32, #tpu.memory_space<hbm>>
    tpu.wait_dma2 semaphore(%arg9 : memref<!tpu.dma_semaphore, #tpu.memory_space<semaphore_mem>>) src(%dma_wait3A_93 : memref<128xi32, #tpu.memory_space<hbm>>) dst(%arg6 : memref<128xi32, #tpu.memory_space<vmem>>)
    %dma_wait3A_94 = arith.constant 0 : i32
    %dma_wait3A_95 = tpu.memref_slice %arg2[%add3A_87, %dma_wait3A_94] : memref<8192x128xf32, #tpu.memory_space<hbm>> -> memref<128x128xf32, #tpu.memory_space<hbm>>
    %dma_wait3A_96 = arith.constant 0 : i32
    %dma_wait3A_97 = tpu.memref_slice %arg2[%add3A_87, %dma_wait3A_96] : memref<8192x128xf32, #tpu.memory_space<hbm>> -> memref<128x128xf32, #tpu.memory_space<hbm>>
    tpu.wait_dma2 semaphore(%arg9 : memref<!tpu.dma_semaphore, #tpu.memory_space<semaphore_mem>>) src(%dma_wait3A_97 : memref<128x128xf32, #tpu.memory_space<hbm>>) dst(%arg8 : memref<128x128xf32, #tpu.memory_space<vmem>>)
    %dma_start3A_98 = arith.constant 0 : i32
    %dma_start3A_99 = arith.constant 0 : i32
    %dma_start3A_100 = tpu.memref_slice %arg4[%dma_start3A_98, %dma_start3A_99] : memref<65536x128xf32, #tpu.memory_space<hbm>> -> memref<65536x128xf32, #tpu.memory_space<hbm>>
    tpu.enqueue_indirect_dma source(%arg8 : memref<128x128xf32, #tpu.memory_space<vmem>>) target(%dma_start3A_100 : memref<65536x128xf32, #tpu.memory_space<hbm>>) offsets(%arg6 : memref<128xi32, #tpu.memory_space<vmem>>) semaphore(%arg10 : memref<!tpu.dma_semaphore, #tpu.memory_space<semaphore_mem>>)
    %dma_wait3A_101 = arith.constant 0 : i32
    %dma_wait3A_102 = arith.constant 0 : i32
    %dma_wait3A_103 = tpu.memref_slice %arg4[%dma_wait3A_101, %dma_wait3A_102] : memref<65536x128xf32, #tpu.memory_space<hbm>> -> memref<65536x128xf32, #tpu.memory_space<hbm>>
    tpu.wait_indirect_dma semaphore(%arg10 : memref<!tpu.dma_semaphore, #tpu.memory_space<semaphore_mem>>) src(%arg7 : memref<128x128xf32, #tpu.memory_space<vmem>>) dst(%dma_wait3A_103 : memref<65536x128xf32, #tpu.memory_space<hbm>>)
    %add3A_104 = arith.constant 256 : i32
    %add3A_105 = arith.addi %add3A_59, %add3A_104 : i32
    %dma_start3A_106 = tpu.memref_slice %arg3[%add3A_105] : memref<65536xi32, #tpu.memory_space<hbm>> -> memref<128xi32, #tpu.memory_space<hbm>>
    %dma_start3A_107 = tpu.memref_slice %arg3[%add3A_105] : memref<65536xi32, #tpu.memory_space<hbm>> -> memref<128xi32, #tpu.memory_space<hbm>>
    tpu.enqueue_dma source(%dma_start3A_107 : memref<128xi32, #tpu.memory_space<hbm>>) target(%arg5 : memref<128xi32, #tpu.memory_space<vmem>>) target_semaphore(%arg9 : memref<!tpu.dma_semaphore, #tpu.memory_space<semaphore_mem>>)
    %add3A_108 = arith.constant 256 : i32
    %add3A_109 = arith.addi %add3A_64, %add3A_108 : i32
    %dma_start3A_110 = arith.constant 0 : i32
    %dma_start3A_111 = tpu.memref_slice %arg2[%add3A_109, %dma_start3A_110] : memref<8192x128xf32, #tpu.memory_space<hbm>> -> memref<128x128xf32, #tpu.memory_space<hbm>>
    %dma_start3A_112 = arith.constant 0 : i32
    %dma_start3A_113 = tpu.memref_slice %arg2[%add3A_109, %dma_start3A_112] : memref<8192x128xf32, #tpu.memory_space<hbm>> -> memref<128x128xf32, #tpu.memory_space<hbm>>
    tpu.enqueue_dma source(%dma_start3A_113 : memref<128x128xf32, #tpu.memory_space<hbm>>) target(%arg7 : memref<128x128xf32, #tpu.memory_space<vmem>>) target_semaphore(%arg9 : memref<!tpu.dma_semaphore, #tpu.memory_space<semaphore_mem>>)
    %dma_wait3A_114 = tpu.memref_slice %arg3[%add3A_105] : memref<65536xi32, #tpu.memory_space<hbm>> -> memref<128xi32, #tpu.memory_space<hbm>>
    %dma_wait3A_115 = tpu.memref_slice %arg3[%add3A_105] : memref<65536xi32, #tpu.memory_space<hbm>> -> memref<128xi32, #tpu.memory_space<hbm>>
    tpu.wait_dma2 semaphore(%arg9 : memref<!tpu.dma_semaphore, #tpu.memory_space<semaphore_mem>>) src(%dma_wait3A_115 : memref<128xi32, #tpu.memory_space<hbm>>) dst(%arg5 : memref<128xi32, #tpu.memory_space<vmem>>)
    %dma_wait3A_116 = arith.constant 0 : i32
    %dma_wait3A_117 = tpu.memref_slice %arg2[%add3A_109, %dma_wait3A_116] : memref<8192x128xf32, #tpu.memory_space<hbm>> -> memref<128x128xf32, #tpu.memory_space<hbm>>
    %dma_wait3A_118 = arith.constant 0 : i32
    %dma_wait3A_119 = tpu.memref_slice %arg2[%add3A_109, %dma_wait3A_118] : memref<8192x128xf32, #tpu.memory_space<hbm>> -> memref<128x128xf32, #tpu.memory_space<hbm>>
    tpu.wait_dma2 semaphore(%arg9 : memref<!tpu.dma_semaphore, #tpu.memory_space<semaphore_mem>>) src(%dma_wait3A_119 : memref<128x128xf32, #tpu.memory_space<hbm>>) dst(%arg7 : memref<128x128xf32, #tpu.memory_space<vmem>>)
    %dma_start3A_120 = arith.constant 0 : i32
    %dma_start3A_121 = arith.constant 0 : i32
    %dma_start3A_122 = tpu.memref_slice %arg4[%dma_start3A_120, %dma_start3A_121] : memref<65536x128xf32, #tpu.memory_space<hbm>> -> memref<65536x128xf32, #tpu.memory_space<hbm>>
    tpu.enqueue_indirect_dma source(%arg7 : memref<128x128xf32, #tpu.memory_space<vmem>>) target(%dma_start3A_122 : memref<65536x128xf32, #tpu.memory_space<hbm>>) offsets(%arg5 : memref<128xi32, #tpu.memory_space<vmem>>) semaphore(%arg10 : memref<!tpu.dma_semaphore, #tpu.memory_space<semaphore_mem>>)
    %dma_wait3A_123 = arith.constant 0 : i32
    %dma_wait3A_124 = arith.constant 0 : i32
    %dma_wait3A_125 = tpu.memref_slice %arg4[%dma_wait3A_123, %dma_wait3A_124] : memref<65536x128xf32, #tpu.memory_space<hbm>> -> memref<65536x128xf32, #tpu.memory_space<hbm>>
    tpu.wait_indirect_dma semaphore(%arg10 : memref<!tpu.dma_semaphore, #tpu.memory_space<semaphore_mem>>) src(%arg8 : memref<128x128xf32, #tpu.memory_space<vmem>>) dst(%dma_wait3A_125 : memref<65536x128xf32, #tpu.memory_space<hbm>>)
    %add3A_126 = arith.constant 384 : i32
    %add3A_127 = arith.addi %add3A_59, %add3A_126 : i32
    %dma_start3A_128 = tpu.memref_slice %arg3[%add3A_127] : memref<65536xi32, #tpu.memory_space<hbm>> -> memref<128xi32, #tpu.memory_space<hbm>>
    %dma_start3A_129 = tpu.memref_slice %arg3[%add3A_127] : memref<65536xi32, #tpu.memory_space<hbm>> -> memref<128xi32, #tpu.memory_space<hbm>>
    tpu.enqueue_dma source(%dma_start3A_129 : memref<128xi32, #tpu.memory_space<hbm>>) target(%arg6 : memref<128xi32, #tpu.memory_space<vmem>>) target_semaphore(%arg9 : memref<!tpu.dma_semaphore, #tpu.memory_space<semaphore_mem>>)
    %add3A_130 = arith.constant 384 : i32
    %add3A_131 = arith.addi %add3A_64, %add3A_130 : i32
    %dma_start3A_132 = arith.constant 0 : i32
    %dma_start3A_133 = tpu.memref_slice %arg2[%add3A_131, %dma_start3A_132] : memref<8192x128xf32, #tpu.memory_space<hbm>> -> memref<128x128xf32, #tpu.memory_space<hbm>>
    %dma_start3A_134 = arith.constant 0 : i32
    %dma_start3A_135 = tpu.memref_slice %arg2[%add3A_131, %dma_start3A_134] : memref<8192x128xf32, #tpu.memory_space<hbm>> -> memref<128x128xf32, #tpu.memory_space<hbm>>
    tpu.enqueue_dma source(%dma_start3A_135 : memref<128x128xf32, #tpu.memory_space<hbm>>) target(%arg8 : memref<128x128xf32, #tpu.memory_space<vmem>>) target_semaphore(%arg9 : memref<!tpu.dma_semaphore, #tpu.memory_space<semaphore_mem>>)
    %dma_wait3A_136 = tpu.memref_slice %arg3[%add3A_127] : memref<65536xi32, #tpu.memory_space<hbm>> -> memref<128xi32, #tpu.memory_space<hbm>>
    %dma_wait3A_137 = tpu.memref_slice %arg3[%add3A_127] : memref<65536xi32, #tpu.memory_space<hbm>> -> memref<128xi32, #tpu.memory_space<hbm>>
    tpu.wait_dma2 semaphore(%arg9 : memref<!tpu.dma_semaphore, #tpu.memory_space<semaphore_mem>>) src(%dma_wait3A_137 : memref<128xi32, #tpu.memory_space<hbm>>) dst(%arg6 : memref<128xi32, #tpu.memory_space<vmem>>)
    %dma_wait3A_138 = arith.constant 0 : i32
    %dma_wait3A_139 = tpu.memref_slice %arg2[%add3A_131, %dma_wait3A_138] : memref<8192x128xf32, #tpu.memory_space<hbm>> -> memref<128x128xf32, #tpu.memory_space<hbm>>
    %dma_wait3A_140 = arith.constant 0 : i32
    %dma_wait3A_141 = tpu.memref_slice %arg2[%add3A_131, %dma_wait3A_140] : memref<8192x128xf32, #tpu.memory_space<hbm>> -> memref<128x128xf32, #tpu.memory_space<hbm>>
    tpu.wait_dma2 semaphore(%arg9 : memref<!tpu.dma_semaphore, #tpu.memory_space<semaphore_mem>>) src(%dma_wait3A_141 : memref<128x128xf32, #tpu.memory_space<hbm>>) dst(%arg8 : memref<128x128xf32, #tpu.memory_space<vmem>>)
    %dma_start3A_142 = arith.constant 0 : i32
    %dma_start3A_143 = arith.constant 0 : i32
    %dma_start3A_144 = tpu.memref_slice %arg4[%dma_start3A_142, %dma_start3A_143] : memref<65536x128xf32, #tpu.memory_space<hbm>> -> memref<65536x128xf32, #tpu.memory_space<hbm>>
    tpu.enqueue_indirect_dma source(%arg8 : memref<128x128xf32, #tpu.memory_space<vmem>>) target(%dma_start3A_144 : memref<65536x128xf32, #tpu.memory_space<hbm>>) offsets(%arg6 : memref<128xi32, #tpu.memory_space<vmem>>) semaphore(%arg10 : memref<!tpu.dma_semaphore, #tpu.memory_space<semaphore_mem>>)
    %dma_wait3A_145 = arith.constant 0 : i32
    %dma_wait3A_146 = arith.constant 0 : i32
    %dma_wait3A_147 = tpu.memref_slice %arg4[%dma_wait3A_145, %dma_wait3A_146] : memref<65536x128xf32, #tpu.memory_space<hbm>> -> memref<65536x128xf32, #tpu.memory_space<hbm>>
    tpu.wait_indirect_dma semaphore(%arg10 : memref<!tpu.dma_semaphore, #tpu.memory_space<semaphore_mem>>) src(%arg7 : memref<128x128xf32, #tpu.memory_space<vmem>>) dst(%dma_wait3A_147 : memref<65536x128xf32, #tpu.memory_space<hbm>>)
    %add3A_148 = arith.constant 512 : i32
    %add3A_149 = arith.addi %add3A_59, %add3A_148 : i32
    %dma_start3A_150 = tpu.memref_slice %arg3[%add3A_149] : memref<65536xi32, #tpu.memory_space<hbm>> -> memref<128xi32, #tpu.memory_space<hbm>>
    %dma_start3A_151 = tpu.memref_slice %arg3[%add3A_149] : memref<65536xi32, #tpu.memory_space<hbm>> -> memref<128xi32, #tpu.memory_space<hbm>>
    tpu.enqueue_dma source(%dma_start3A_151 : memref<128xi32, #tpu.memory_space<hbm>>) target(%arg5 : memref<128xi32, #tpu.memory_space<vmem>>) target_semaphore(%arg9 : memref<!tpu.dma_semaphore, #tpu.memory_space<semaphore_mem>>)
    %add3A_152 = arith.constant 512 : i32
    %add3A_153 = arith.addi %add3A_64, %add3A_152 : i32
    %dma_start3A_154 = arith.constant 0 : i32
    %dma_start3A_155 = tpu.memref_slice %arg2[%add3A_153, %dma_start3A_154] : memref<8192x128xf32, #tpu.memory_space<hbm>> -> memref<128x128xf32, #tpu.memory_space<hbm>>
    %dma_start3A_156 = arith.constant 0 : i32
    %dma_start3A_157 = tpu.memref_slice %arg2[%add3A_153, %dma_start3A_156] : memref<8192x128xf32, #tpu.memory_space<hbm>> -> memref<128x128xf32, #tpu.memory_space<hbm>>
    tpu.enqueue_dma source(%dma_start3A_157 : memref<128x128xf32, #tpu.memory_space<hbm>>) target(%arg7 : memref<128x128xf32, #tpu.memory_space<vmem>>) target_semaphore(%arg9 : memref<!tpu.dma_semaphore, #tpu.memory_space<semaphore_mem>>)
    %dma_wait3A_158 = tpu.memref_slice %arg3[%add3A_149] : memref<65536xi32, #tpu.memory_space<hbm>> -> memref<128xi32, #tpu.memory_space<hbm>>
    %dma_wait3A_159 = tpu.memref_slice %arg3[%add3A_149] : memref<65536xi32, #tpu.memory_space<hbm>> -> memref<128xi32, #tpu.memory_space<hbm>>
    tpu.wait_dma2 semaphore(%arg9 : memref<!tpu.dma_semaphore, #tpu.memory_space<semaphore_mem>>) src(%dma_wait3A_159 : memref<128xi32, #tpu.memory_space<hbm>>) dst(%arg5 : memref<128xi32, #tpu.memory_space<vmem>>)
    %dma_wait3A_160 = arith.constant 0 : i32
    %dma_wait3A_161 = tpu.memref_slice %arg2[%add3A_153, %dma_wait3A_160] : memref<8192x128xf32, #tpu.memory_space<hbm>> -> memref<128x128xf32, #tpu.memory_space<hbm>>
    %dma_wait3A_162 = arith.constant 0 : i32
    %dma_wait3A_163 = tpu.memref_slice %arg2[%add3A_153, %dma_wait3A_162] : memref<8192x128xf32, #tpu.memory_space<hbm>> -> memref<128x128xf32, #tpu.memory_space<hbm>>
    tpu.wait_dma2 semaphore(%arg9 : memref<!tpu.dma_semaphore, #tpu.memory_space<semaphore_mem>>) src(%dma_wait3A_163 : memref<128x128xf32, #tpu.memory_space<hbm>>) dst(%arg7 : memref<128x128xf32, #tpu.memory_space<vmem>>)
    %dma_start3A_164 = arith.constant 0 : i32
    %dma_start3A_165 = arith.constant 0 : i32
    %dma_start3A_166 = tpu.memref_slice %arg4[%dma_start3A_164, %dma_start3A_165] : memref<65536x128xf32, #tpu.memory_space<hbm>> -> memref<65536x128xf32, #tpu.memory_space<hbm>>
    tpu.enqueue_indirect_dma source(%arg7 : memref<128x128xf32, #tpu.memory_space<vmem>>) target(%dma_start3A_166 : memref<65536x128xf32, #tpu.memory_space<hbm>>) offsets(%arg5 : memref<128xi32, #tpu.memory_space<vmem>>) semaphore(%arg10 : memref<!tpu.dma_semaphore, #tpu.memory_space<semaphore_mem>>)
    %dma_wait3A_167 = arith.constant 0 : i32
    %dma_wait3A_168 = arith.constant 0 : i32
    %dma_wait3A_169 = tpu.memref_slice %arg4[%dma_wait3A_167, %dma_wait3A_168] : memref<65536x128xf32, #tpu.memory_space<hbm>> -> memref<65536x128xf32, #tpu.memory_space<hbm>>
    tpu.wait_indirect_dma semaphore(%arg10 : memref<!tpu.dma_semaphore, #tpu.memory_space<semaphore_mem>>) src(%arg8 : memref<128x128xf32, #tpu.memory_space<vmem>>) dst(%dma_wait3A_169 : memref<65536x128xf32, #tpu.memory_space<hbm>>)
    %add3A_170 = arith.constant 640 : i32
    %add3A_171 = arith.addi %add3A_59, %add3A_170 : i32
    %dma_start3A_172 = tpu.memref_slice %arg3[%add3A_171] : memref<65536xi32, #tpu.memory_space<hbm>> -> memref<128xi32, #tpu.memory_space<hbm>>
    %dma_start3A_173 = tpu.memref_slice %arg3[%add3A_171] : memref<65536xi32, #tpu.memory_space<hbm>> -> memref<128xi32, #tpu.memory_space<hbm>>
    tpu.enqueue_dma source(%dma_start3A_173 : memref<128xi32, #tpu.memory_space<hbm>>) target(%arg6 : memref<128xi32, #tpu.memory_space<vmem>>) target_semaphore(%arg9 : memref<!tpu.dma_semaphore, #tpu.memory_space<semaphore_mem>>)
    %add3A_174 = arith.constant 640 : i32
    %add3A_175 = arith.addi %add3A_64, %add3A_174 : i32
    %dma_start3A_176 = arith.constant 0 : i32
    %dma_start3A_177 = tpu.memref_slice %arg2[%add3A_175, %dma_start3A_176] : memref<8192x128xf32, #tpu.memory_space<hbm>> -> memref<128x128xf32, #tpu.memory_space<hbm>>
    %dma_start3A_178 = arith.constant 0 : i32
    %dma_start3A_179 = tpu.memref_slice %arg2[%add3A_175, %dma_start3A_178] : memref<8192x128xf32, #tpu.memory_space<hbm>> -> memref<128x128xf32, #tpu.memory_space<hbm>>
    tpu.enqueue_dma source(%dma_start3A_179 : memref<128x128xf32, #tpu.memory_space<hbm>>) target(%arg8 : memref<128x128xf32, #tpu.memory_space<vmem>>) target_semaphore(%arg9 : memref<!tpu.dma_semaphore, #tpu.memory_space<semaphore_mem>>)
    %dma_wait3A_180 = tpu.memref_slice %arg3[%add3A_171] : memref<65536xi32, #tpu.memory_space<hbm>> -> memref<128xi32, #tpu.memory_space<hbm>>
    %dma_wait3A_181 = tpu.memref_slice %arg3[%add3A_171] : memref<65536xi32, #tpu.memory_space<hbm>> -> memref<128xi32, #tpu.memory_space<hbm>>
    tpu.wait_dma2 semaphore(%arg9 : memref<!tpu.dma_semaphore, #tpu.memory_space<semaphore_mem>>) src(%dma_wait3A_181 : memref<128xi32, #tpu.memory_space<hbm>>) dst(%arg6 : memref<128xi32, #tpu.memory_space<vmem>>)
    %dma_wait3A_182 = arith.constant 0 : i32
    %dma_wait3A_183 = tpu.memref_slice %arg2[%add3A_175, %dma_wait3A_182] : memref<8192x128xf32, #tpu.memory_space<hbm>> -> memref<128x128xf32, #tpu.memory_space<hbm>>
    %dma_wait3A_184 = arith.constant 0 : i32
    %dma_wait3A_185 = tpu.memref_slice %arg2[%add3A_175, %dma_wait3A_184] : memref<8192x128xf32, #tpu.memory_space<hbm>> -> memref<128x128xf32, #tpu.memory_space<hbm>>
    tpu.wait_dma2 semaphore(%arg9 : memref<!tpu.dma_semaphore, #tpu.memory_space<semaphore_mem>>) src(%dma_wait3A_185 : memref<128x128xf32, #tpu.memory_space<hbm>>) dst(%arg8 : memref<128x128xf32, #tpu.memory_space<vmem>>)
    %dma_start3A_186 = arith.constant 0 : i32
    %dma_start3A_187 = arith.constant 0 : i32
    %dma_start3A_188 = tpu.memref_slice %arg4[%dma_start3A_186, %dma_start3A_187] : memref<65536x128xf32, #tpu.memory_space<hbm>> -> memref<65536x128xf32, #tpu.memory_space<hbm>>
    tpu.enqueue_indirect_dma source(%arg8 : memref<128x128xf32, #tpu.memory_space<vmem>>) target(%dma_start3A_188 : memref<65536x128xf32, #tpu.memory_space<hbm>>) offsets(%arg6 : memref<128xi32, #tpu.memory_space<vmem>>) semaphore(%arg10 : memref<!tpu.dma_semaphore, #tpu.memory_space<semaphore_mem>>)
    %dma_wait3A_189 = arith.constant 0 : i32
    %dma_wait3A_190 = arith.constant 0 : i32
    %dma_wait3A_191 = tpu.memref_slice %arg4[%dma_wait3A_189, %dma_wait3A_190] : memref<65536x128xf32, #tpu.memory_space<hbm>> -> memref<65536x128xf32, #tpu.memory_space<hbm>>
    tpu.wait_indirect_dma semaphore(%arg10 : memref<!tpu.dma_semaphore, #tpu.memory_space<semaphore_mem>>) src(%arg7 : memref<128x128xf32, #tpu.memory_space<vmem>>) dst(%dma_wait3A_191 : memref<65536x128xf32, #tpu.memory_space<hbm>>)
    %add3A_192 = arith.constant 768 : i32
    %add3A_193 = arith.addi %add3A_59, %add3A_192 : i32
    %dma_start3A_194 = tpu.memref_slice %arg3[%add3A_193] : memref<65536xi32, #tpu.memory_space<hbm>> -> memref<128xi32, #tpu.memory_space<hbm>>
    %dma_start3A_195 = tpu.memref_slice %arg3[%add3A_193] : memref<65536xi32, #tpu.memory_space<hbm>> -> memref<128xi32, #tpu.memory_space<hbm>>
    tpu.enqueue_dma source(%dma_start3A_195 : memref<128xi32, #tpu.memory_space<hbm>>) target(%arg5 : memref<128xi32, #tpu.memory_space<vmem>>) target_semaphore(%arg9 : memref<!tpu.dma_semaphore, #tpu.memory_space<semaphore_mem>>)
    %add3A_196 = arith.constant 768 : i32
    %add3A_197 = arith.addi %add3A_64, %add3A_196 : i32
    %dma_start3A_198 = arith.constant 0 : i32
    %dma_start3A_199 = tpu.memref_slice %arg2[%add3A_197, %dma_start3A_198] : memref<8192x128xf32, #tpu.memory_space<hbm>> -> memref<128x128xf32, #tpu.memory_space<hbm>>
    %dma_start3A_200 = arith.constant 0 : i32
    %dma_start3A_201 = tpu.memref_slice %arg2[%add3A_197, %dma_start3A_200] : memref<8192x128xf32, #tpu.memory_space<hbm>> -> memref<128x128xf32, #tpu.memory_space<hbm>>
    tpu.enqueue_dma source(%dma_start3A_201 : memref<128x128xf32, #tpu.memory_space<hbm>>) target(%arg7 : memref<128x128xf32, #tpu.memory_space<vmem>>) target_semaphore(%arg9 : memref<!tpu.dma_semaphore, #tpu.memory_space<semaphore_mem>>)
    %dma_wait3A_202 = tpu.memref_slice %arg3[%add3A_193] : memref<65536xi32, #tpu.memory_space<hbm>> -> memref<128xi32, #tpu.memory_space<hbm>>
    %dma_wait3A_203 = tpu.memref_slice %arg3[%add3A_193] : memref<65536xi32, #tpu.memory_space<hbm>> -> memref<128xi32, #tpu.memory_space<hbm>>
    tpu.wait_dma2 semaphore(%arg9 : memref<!tpu.dma_semaphore, #tpu.memory_space<semaphore_mem>>) src(%dma_wait3A_203 : memref<128xi32, #tpu.memory_space<hbm>>) dst(%arg5 : memref<128xi32, #tpu.memory_space<vmem>>)
    %dma_wait3A_204 = arith.constant 0 : i32
    %dma_wait3A_205 = tpu.memref_slice %arg2[%add3A_197, %dma_wait3A_204] : memref<8192x128xf32, #tpu.memory_space<hbm>> -> memref<128x128xf32, #tpu.memory_space<hbm>>
    %dma_wait3A_206 = arith.constant 0 : i32
    %dma_wait3A_207 = tpu.memref_slice %arg2[%add3A_197, %dma_wait3A_206] : memref<8192x128xf32, #tpu.memory_space<hbm>> -> memref<128x128xf32, #tpu.memory_space<hbm>>
    tpu.wait_dma2 semaphore(%arg9 : memref<!tpu.dma_semaphore, #tpu.memory_space<semaphore_mem>>) src(%dma_wait3A_207 : memref<128x128xf32, #tpu.memory_space<hbm>>) dst(%arg7 : memref<128x128xf32, #tpu.memory_space<vmem>>)
    %dma_start3A_208 = arith.constant 0 : i32
    %dma_start3A_209 = arith.constant 0 : i32
    %dma_start3A_210 = tpu.memref_slice %arg4[%dma_start3A_208, %dma_start3A_209] : memref<65536x128xf32, #tpu.memory_space<hbm>> -> memref<65536x128xf32, #tpu.memory_space<hbm>>
    tpu.enqueue_indirect_dma source(%arg7 : memref<128x128xf32, #tpu.memory_space<vmem>>) target(%dma_start3A_210 : memref<65536x128xf32, #tpu.memory_space<hbm>>) offsets(%arg5 : memref<128xi32, #tpu.memory_space<vmem>>) semaphore(%arg10 : memref<!tpu.dma_semaphore, #tpu.memory_space<semaphore_mem>>)
    %dma_wait3A_211 = arith.constant 0 : i32
    %dma_wait3A_212 = arith.constant 0 : i32
    %dma_wait3A_213 = tpu.memref_slice %arg4[%dma_wait3A_211, %dma_wait3A_212] : memref<65536x128xf32, #tpu.memory_space<hbm>> -> memref<65536x128xf32, #tpu.memory_space<hbm>>
    tpu.wait_indirect_dma semaphore(%arg10 : memref<!tpu.dma_semaphore, #tpu.memory_space<semaphore_mem>>) src(%arg8 : memref<128x128xf32, #tpu.memory_space<vmem>>) dst(%dma_wait3A_213 : memref<65536x128xf32, #tpu.memory_space<hbm>>)
    %add3A_214 = arith.constant 896 : i32
    %add3A_215 = arith.addi %add3A_59, %add3A_214 : i32
    %dma_start3A_216 = tpu.memref_slice %arg3[%add3A_215] : memref<65536xi32, #tpu.memory_space<hbm>> -> memref<128xi32, #tpu.memory_space<hbm>>
    %dma_start3A_217 = tpu.memref_slice %arg3[%add3A_215] : memref<65536xi32, #tpu.memory_space<hbm>> -> memref<128xi32, #tpu.memory_space<hbm>>
    tpu.enqueue_dma source(%dma_start3A_217 : memref<128xi32, #tpu.memory_space<hbm>>) target(%arg6 : memref<128xi32, #tpu.memory_space<vmem>>) target_semaphore(%arg9 : memref<!tpu.dma_semaphore, #tpu.memory_space<semaphore_mem>>)
    %add3A_218 = arith.constant 896 : i32
    %add3A_219 = arith.addi %add3A_64, %add3A_218 : i32
    %dma_start3A_220 = arith.constant 0 : i32
    %dma_start3A_221 = tpu.memref_slice %arg2[%add3A_219, %dma_start3A_220] : memref<8192x128xf32, #tpu.memory_space<hbm>> -> memref<128x128xf32, #tpu.memory_space<hbm>>
    %dma_start3A_222 = arith.constant 0 : i32
    %dma_start3A_223 = tpu.memref_slice %arg2[%add3A_219, %dma_start3A_222] : memref<8192x128xf32, #tpu.memory_space<hbm>> -> memref<128x128xf32, #tpu.memory_space<hbm>>
    tpu.enqueue_dma source(%dma_start3A_223 : memref<128x128xf32, #tpu.memory_space<hbm>>) target(%arg8 : memref<128x128xf32, #tpu.memory_space<vmem>>) target_semaphore(%arg9 : memref<!tpu.dma_semaphore, #tpu.memory_space<semaphore_mem>>)
    %dma_wait3A_224 = tpu.memref_slice %arg3[%add3A_215] : memref<65536xi32, #tpu.memory_space<hbm>> -> memref<128xi32, #tpu.memory_space<hbm>>
    %dma_wait3A_225 = tpu.memref_slice %arg3[%add3A_215] : memref<65536xi32, #tpu.memory_space<hbm>> -> memref<128xi32, #tpu.memory_space<hbm>>
    tpu.wait_dma2 semaphore(%arg9 : memref<!tpu.dma_semaphore, #tpu.memory_space<semaphore_mem>>) src(%dma_wait3A_225 : memref<128xi32, #tpu.memory_space<hbm>>) dst(%arg6 : memref<128xi32, #tpu.memory_space<vmem>>)
    %dma_wait3A_226 = arith.constant 0 : i32
    %dma_wait3A_227 = tpu.memref_slice %arg2[%add3A_219, %dma_wait3A_226] : memref<8192x128xf32, #tpu.memory_space<hbm>> -> memref<128x128xf32, #tpu.memory_space<hbm>>
    %dma_wait3A_228 = arith.constant 0 : i32
    %dma_wait3A_229 = tpu.memref_slice %arg2[%add3A_219, %dma_wait3A_228] : memref<8192x128xf32, #tpu.memory_space<hbm>> -> memref<128x128xf32, #tpu.memory_space<hbm>>
    tpu.wait_dma2 semaphore(%arg9 : memref<!tpu.dma_semaphore, #tpu.memory_space<semaphore_mem>>) src(%dma_wait3A_229 : memref<128x128xf32, #tpu.memory_space<hbm>>) dst(%arg8 : memref<128x128xf32, #tpu.memory_space<vmem>>)
    %dma_start3A_230 = arith.constant 0 : i32
    %dma_start3A_231 = arith.constant 0 : i32
    %dma_start3A_232 = tpu.memref_slice %arg4[%dma_start3A_230, %dma_start3A_231] : memref<65536x128xf32, #tpu.memory_space<hbm>> -> memref<65536x128xf32, #tpu.memory_space<hbm>>
    tpu.enqueue_indirect_dma source(%arg8 : memref<128x128xf32, #tpu.memory_space<vmem>>) target(%dma_start3A_232 : memref<65536x128xf32, #tpu.memory_space<hbm>>) offsets(%arg6 : memref<128xi32, #tpu.memory_space<vmem>>) semaphore(%arg10 : memref<!tpu.dma_semaphore, #tpu.memory_space<semaphore_mem>>)
    %dma_wait3A_233 = arith.constant 0 : i32
    %dma_wait3A_234 = arith.constant 0 : i32
    %dma_wait3A_235 = tpu.memref_slice %arg4[%dma_wait3A_233, %dma_wait3A_234] : memref<65536x128xf32, #tpu.memory_space<hbm>> -> memref<65536x128xf32, #tpu.memory_space<hbm>>
    tpu.wait_indirect_dma semaphore(%arg10 : memref<!tpu.dma_semaphore, #tpu.memory_space<semaphore_mem>>) src(%arg7 : memref<128x128xf32, #tpu.memory_space<vmem>>) dst(%dma_wait3A_235 : memref<65536x128xf32, #tpu.memory_space<hbm>>)
    %add3A_236 = arith.constant 1024 : i32
    %add3A_237 = arith.addi %add3A_59, %add3A_236 : i32
    %dma_start3A_238 = tpu.memref_slice %arg3[%add3A_237] : memref<65536xi32, #tpu.memory_space<hbm>> -> memref<128xi32, #tpu.memory_space<hbm>>
    %dma_start3A_239 = tpu.memref_slice %arg3[%add3A_237] : memref<65536xi32, #tpu.memory_space<hbm>> -> memref<128xi32, #tpu.memory_space<hbm>>
    tpu.enqueue_dma source(%dma_start3A_239 : memref<128xi32, #tpu.memory_space<hbm>>) target(%arg5 : memref<128xi32, #tpu.memory_space<vmem>>) target_semaphore(%arg9 : memref<!tpu.dma_semaphore, #tpu.memory_space<semaphore_mem>>)
    %add3A_240 = arith.constant 1024 : i32
    %add3A_241 = arith.addi %add3A_64, %add3A_240 : i32
    %dma_start3A_242 = arith.constant 0 : i32
    %dma_start3A_243 = tpu.memref_slice %arg2[%add3A_241, %dma_start3A_242] : memref<8192x128xf32, #tpu.memory_space<hbm>> -> memref<128x128xf32, #tpu.memory_space<hbm>>
    %dma_start3A_244 = arith.constant 0 : i32
    %dma_start3A_245 = tpu.memref_slice %arg2[%add3A_241, %dma_start3A_244] : memref<8192x128xf32, #tpu.memory_space<hbm>> -> memref<128x128xf32, #tpu.memory_space<hbm>>
    tpu.enqueue_dma source(%dma_start3A_245 : memref<128x128xf32, #tpu.memory_space<hbm>>) target(%arg7 : memref<128x128xf32, #tpu.memory_space<vmem>>) target_semaphore(%arg9 : memref<!tpu.dma_semaphore, #tpu.memory_space<semaphore_mem>>)
    %dma_wait3A_246 = tpu.memref_slice %arg3[%add3A_237] : memref<65536xi32, #tpu.memory_space<hbm>> -> memref<128xi32, #tpu.memory_space<hbm>>
    %dma_wait3A_247 = tpu.memref_slice %arg3[%add3A_237] : memref<65536xi32, #tpu.memory_space<hbm>> -> memref<128xi32, #tpu.memory_space<hbm>>
    tpu.wait_dma2 semaphore(%arg9 : memref<!tpu.dma_semaphore, #tpu.memory_space<semaphore_mem>>) src(%dma_wait3A_247 : memref<128xi32, #tpu.memory_space<hbm>>) dst(%arg5 : memref<128xi32, #tpu.memory_space<vmem>>)
    %dma_wait3A_248 = arith.constant 0 : i32
    %dma_wait3A_249 = tpu.memref_slice %arg2[%add3A_241, %dma_wait3A_248] : memref<8192x128xf32, #tpu.memory_space<hbm>> -> memref<128x128xf32, #tpu.memory_space<hbm>>
    %dma_wait3A_250 = arith.constant 0 : i32
    %dma_wait3A_251 = tpu.memref_slice %arg2[%add3A_241, %dma_wait3A_250] : memref<8192x128xf32, #tpu.memory_space<hbm>> -> memref<128x128xf32, #tpu.memory_space<hbm>>
    tpu.wait_dma2 semaphore(%arg9 : memref<!tpu.dma_semaphore, #tpu.memory_space<semaphore_mem>>) src(%dma_wait3A_251 : memref<128x128xf32, #tpu.memory_space<hbm>>) dst(%arg7 : memref<128x128xf32, #tpu.memory_space<vmem>>)
    %dma_start3A_252 = arith.constant 0 : i32
    %dma_start3A_253 = arith.constant 0 : i32
    %dma_start3A_254 = tpu.memref_slice %arg4[%dma_start3A_252, %dma_start3A_253] : memref<65536x128xf32, #tpu.memory_space<hbm>> -> memref<65536x128xf32, #tpu.memory_space<hbm>>
    tpu.enqueue_indirect_dma source(%arg7 : memref<128x128xf32, #tpu.memory_space<vmem>>) target(%dma_start3A_254 : memref<65536x128xf32, #tpu.memory_space<hbm>>) offsets(%arg5 : memref<128xi32, #tpu.memory_space<vmem>>) semaphore(%arg10 : memref<!tpu.dma_semaphore, #tpu.memory_space<semaphore_mem>>)
    %dma_wait3A_255 = arith.constant 0 : i32
    %dma_wait3A_256 = arith.constant 0 : i32
    %dma_wait3A_257 = tpu.memref_slice %arg4[%dma_wait3A_255, %dma_wait3A_256] : memref<65536x128xf32, #tpu.memory_space<hbm>> -> memref<65536x128xf32, #tpu.memory_space<hbm>>
    tpu.wait_indirect_dma semaphore(%arg10 : memref<!tpu.dma_semaphore, #tpu.memory_space<semaphore_mem>>) src(%arg8 : memref<128x128xf32, #tpu.memory_space<vmem>>) dst(%dma_wait3A_257 : memref<65536x128xf32, #tpu.memory_space<hbm>>)
    %add3A_258 = arith.constant 1152 : i32
    %add3A_259 = arith.addi %add3A_59, %add3A_258 : i32
    %dma_start3A_260 = tpu.memref_slice %arg3[%add3A_259] : memref<65536xi32, #tpu.memory_space<hbm>> -> memref<128xi32, #tpu.memory_space<hbm>>
    %dma_start3A_261 = tpu.memref_slice %arg3[%add3A_259] : memref<65536xi32, #tpu.memory_space<hbm>> -> memref<128xi32, #tpu.memory_space<hbm>>
    tpu.enqueue_dma source(%dma_start3A_261 : memref<128xi32, #tpu.memory_space<hbm>>) target(%arg6 : memref<128xi32, #tpu.memory_space<vmem>>) target_semaphore(%arg9 : memref<!tpu.dma_semaphore, #tpu.memory_space<semaphore_mem>>)
    %add3A_262 = arith.constant 1152 : i32
    %add3A_263 = arith.addi %add3A_64, %add3A_262 : i32
    %dma_start3A_264 = arith.constant 0 : i32
    %dma_start3A_265 = tpu.memref_slice %arg2[%add3A_263, %dma_start3A_264] : memref<8192x128xf32, #tpu.memory_space<hbm>> -> memref<128x128xf32, #tpu.memory_space<hbm>>
    %dma_start3A_266 = arith.constant 0 : i32
    %dma_start3A_267 = tpu.memref_slice %arg2[%add3A_263, %dma_start3A_266] : memref<8192x128xf32, #tpu.memory_space<hbm>> -> memref<128x128xf32, #tpu.memory_space<hbm>>
    tpu.enqueue_dma source(%dma_start3A_267 : memref<128x128xf32, #tpu.memory_space<hbm>>) target(%arg8 : memref<128x128xf32, #tpu.memory_space<vmem>>) target_semaphore(%arg9 : memref<!tpu.dma_semaphore, #tpu.memory_space<semaphore_mem>>)
    %dma_wait3A_268 = tpu.memref_slice %arg3[%add3A_259] : memref<65536xi32, #tpu.memory_space<hbm>> -> memref<128xi32, #tpu.memory_space<hbm>>
    %dma_wait3A_269 = tpu.memref_slice %arg3[%add3A_259] : memref<65536xi32, #tpu.memory_space<hbm>> -> memref<128xi32, #tpu.memory_space<hbm>>
    tpu.wait_dma2 semaphore(%arg9 : memref<!tpu.dma_semaphore, #tpu.memory_space<semaphore_mem>>) src(%dma_wait3A_269 : memref<128xi32, #tpu.memory_space<hbm>>) dst(%arg6 : memref<128xi32, #tpu.memory_space<vmem>>)
    %dma_wait3A_270 = arith.constant 0 : i32
    %dma_wait3A_271 = tpu.memref_slice %arg2[%add3A_263, %dma_wait3A_270] : memref<8192x128xf32, #tpu.memory_space<hbm>> -> memref<128x128xf32, #tpu.memory_space<hbm>>
    %dma_wait3A_272 = arith.constant 0 : i32
    %dma_wait3A_273 = tpu.memref_slice %arg2[%add3A_263, %dma_wait3A_272] : memref<8192x128xf32, #tpu.memory_space<hbm>> -> memref<128x128xf32, #tpu.memory_space<hbm>>
    tpu.wait_dma2 semaphore(%arg9 : memref<!tpu.dma_semaphore, #tpu.memory_space<semaphore_mem>>) src(%dma_wait3A_273 : memref<128x128xf32, #tpu.memory_space<hbm>>) dst(%arg8 : memref<128x128xf32, #tpu.memory_space<vmem>>)
    %dma_start3A_274 = arith.constant 0 : i32
    %dma_start3A_275 = arith.constant 0 : i32
    %dma_start3A_276 = tpu.memref_slice %arg4[%dma_start3A_274, %dma_start3A_275] : memref<65536x128xf32, #tpu.memory_space<hbm>> -> memref<65536x128xf32, #tpu.memory_space<hbm>>
    tpu.enqueue_indirect_dma source(%arg8 : memref<128x128xf32, #tpu.memory_space<vmem>>) target(%dma_start3A_276 : memref<65536x128xf32, #tpu.memory_space<hbm>>) offsets(%arg6 : memref<128xi32, #tpu.memory_space<vmem>>) semaphore(%arg10 : memref<!tpu.dma_semaphore, #tpu.memory_space<semaphore_mem>>)
    %dma_wait3A_277 = arith.constant 0 : i32
    %dma_wait3A_278 = arith.constant 0 : i32
    %dma_wait3A_279 = tpu.memref_slice %arg4[%dma_wait3A_277, %dma_wait3A_278] : memref<65536x128xf32, #tpu.memory_space<hbm>> -> memref<65536x128xf32, #tpu.memory_space<hbm>>
    tpu.wait_indirect_dma semaphore(%arg10 : memref<!tpu.dma_semaphore, #tpu.memory_space<semaphore_mem>>) src(%arg7 : memref<128x128xf32, #tpu.memory_space<vmem>>) dst(%dma_wait3A_279 : memref<65536x128xf32, #tpu.memory_space<hbm>>)
    %add3A_280 = arith.constant 1280 : i32
    %add3A_281 = arith.addi %add3A_59, %add3A_280 : i32
    %dma_start3A_282 = tpu.memref_slice %arg3[%add3A_281] : memref<65536xi32, #tpu.memory_space<hbm>> -> memref<128xi32, #tpu.memory_space<hbm>>
    %dma_start3A_283 = tpu.memref_slice %arg3[%add3A_281] : memref<65536xi32, #tpu.memory_space<hbm>> -> memref<128xi32, #tpu.memory_space<hbm>>
    tpu.enqueue_dma source(%dma_start3A_283 : memref<128xi32, #tpu.memory_space<hbm>>) target(%arg5 : memref<128xi32, #tpu.memory_space<vmem>>) target_semaphore(%arg9 : memref<!tpu.dma_semaphore, #tpu.memory_space<semaphore_mem>>)
    %add3A_284 = arith.constant 1280 : i32
    %add3A_285 = arith.addi %add3A_64, %add3A_284 : i32
    %dma_start3A_286 = arith.constant 0 : i32
    %dma_start3A_287 = tpu.memref_slice %arg2[%add3A_285, %dma_start3A_286] : memref<8192x128xf32, #tpu.memory_space<hbm>> -> memref<128x128xf32, #tpu.memory_space<hbm>>
    %dma_start3A_288 = arith.constant 0 : i32
    %dma_start3A_289 = tpu.memref_slice %arg2[%add3A_285, %dma_start3A_288] : memref<8192x128xf32, #tpu.memory_space<hbm>> -> memref<128x128xf32, #tpu.memory_space<hbm>>
    tpu.enqueue_dma source(%dma_start3A_289 : memref<128x128xf32, #tpu.memory_space<hbm>>) target(%arg7 : memref<128x128xf32, #tpu.memory_space<vmem>>) target_semaphore(%arg9 : memref<!tpu.dma_semaphore, #tpu.memory_space<semaphore_mem>>)
    %dma_wait3A_290 = tpu.memref_slice %arg3[%add3A_281] : memref<65536xi32, #tpu.memory_space<hbm>> -> memref<128xi32, #tpu.memory_space<hbm>>
    %dma_wait3A_291 = tpu.memref_slice %arg3[%add3A_281] : memref<65536xi32, #tpu.memory_space<hbm>> -> memref<128xi32, #tpu.memory_space<hbm>>
    tpu.wait_dma2 semaphore(%arg9 : memref<!tpu.dma_semaphore, #tpu.memory_space<semaphore_mem>>) src(%dma_wait3A_291 : memref<128xi32, #tpu.memory_space<hbm>>) dst(%arg5 : memref<128xi32, #tpu.memory_space<vmem>>)
    %dma_wait3A_292 = arith.constant 0 : i32
    %dma_wait3A_293 = tpu.memref_slice %arg2[%add3A_285, %dma_wait3A_292] : memref<8192x128xf32, #tpu.memory_space<hbm>> -> memref<128x128xf32, #tpu.memory_space<hbm>>
    %dma_wait3A_294 = arith.constant 0 : i32
    %dma_wait3A_295 = tpu.memref_slice %arg2[%add3A_285, %dma_wait3A_294] : memref<8192x128xf32, #tpu.memory_space<hbm>> -> memref<128x128xf32, #tpu.memory_space<hbm>>
    tpu.wait_dma2 semaphore(%arg9 : memref<!tpu.dma_semaphore, #tpu.memory_space<semaphore_mem>>) src(%dma_wait3A_295 : memref<128x128xf32, #tpu.memory_space<hbm>>) dst(%arg7 : memref<128x128xf32, #tpu.memory_space<vmem>>)
    %dma_start3A_296 = arith.constant 0 : i32
    %dma_start3A_297 = arith.constant 0 : i32
    %dma_start3A_298 = tpu.memref_slice %arg4[%dma_start3A_296, %dma_start3A_297] : memref<65536x128xf32, #tpu.memory_space<hbm>> -> memref<65536x128xf32, #tpu.memory_space<hbm>>
    tpu.enqueue_indirect_dma source(%arg7 : memref<128x128xf32, #tpu.memory_space<vmem>>) target(%dma_start3A_298 : memref<65536x128xf32, #tpu.memory_space<hbm>>) offsets(%arg5 : memref<128xi32, #tpu.memory_space<vmem>>) semaphore(%arg10 : memref<!tpu.dma_semaphore, #tpu.memory_space<semaphore_mem>>)
    %dma_wait3A_299 = arith.constant 0 : i32
    %dma_wait3A_300 = arith.constant 0 : i32
    %dma_wait3A_301 = tpu.memref_slice %arg4[%dma_wait3A_299, %dma_wait3A_300] : memref<65536x128xf32, #tpu.memory_space<hbm>> -> memref<65536x128xf32, #tpu.memory_space<hbm>>
    tpu.wait_indirect_dma semaphore(%arg10 : memref<!tpu.dma_semaphore, #tpu.memory_space<semaphore_mem>>) src(%arg8 : memref<128x128xf32, #tpu.memory_space<vmem>>) dst(%dma_wait3A_301 : memref<65536x128xf32, #tpu.memory_space<hbm>>)
    %add3A_302 = arith.constant 1408 : i32
    %add3A_303 = arith.addi %add3A_59, %add3A_302 : i32
    %dma_start3A_304 = tpu.memref_slice %arg3[%add3A_303] : memref<65536xi32, #tpu.memory_space<hbm>> -> memref<128xi32, #tpu.memory_space<hbm>>
    %dma_start3A_305 = tpu.memref_slice %arg3[%add3A_303] : memref<65536xi32, #tpu.memory_space<hbm>> -> memref<128xi32, #tpu.memory_space<hbm>>
    tpu.enqueue_dma source(%dma_start3A_305 : memref<128xi32, #tpu.memory_space<hbm>>) target(%arg6 : memref<128xi32, #tpu.memory_space<vmem>>) target_semaphore(%arg9 : memref<!tpu.dma_semaphore, #tpu.memory_space<semaphore_mem>>)
    %add3A_306 = arith.constant 1408 : i32
    %add3A_307 = arith.addi %add3A_64, %add3A_306 : i32
    %dma_start3A_308 = arith.constant 0 : i32
    %dma_start3A_309 = tpu.memref_slice %arg2[%add3A_307, %dma_start3A_308] : memref<8192x128xf32, #tpu.memory_space<hbm>> -> memref<128x128xf32, #tpu.memory_space<hbm>>
    %dma_start3A_310 = arith.constant 0 : i32
    %dma_start3A_311 = tpu.memref_slice %arg2[%add3A_307, %dma_start3A_310] : memref<8192x128xf32, #tpu.memory_space<hbm>> -> memref<128x128xf32, #tpu.memory_space<hbm>>
    tpu.enqueue_dma source(%dma_start3A_311 : memref<128x128xf32, #tpu.memory_space<hbm>>) target(%arg8 : memref<128x128xf32, #tpu.memory_space<vmem>>) target_semaphore(%arg9 : memref<!tpu.dma_semaphore, #tpu.memory_space<semaphore_mem>>)
    %dma_wait3A_312 = tpu.memref_slice %arg3[%add3A_303] : memref<65536xi32, #tpu.memory_space<hbm>> -> memref<128xi32, #tpu.memory_space<hbm>>
    %dma_wait3A_313 = tpu.memref_slice %arg3[%add3A_303] : memref<65536xi32, #tpu.memory_space<hbm>> -> memref<128xi32, #tpu.memory_space<hbm>>
    tpu.wait_dma2 semaphore(%arg9 : memref<!tpu.dma_semaphore, #tpu.memory_space<semaphore_mem>>) src(%dma_wait3A_313 : memref<128xi32, #tpu.memory_space<hbm>>) dst(%arg6 : memref<128xi32, #tpu.memory_space<vmem>>)
    %dma_wait3A_314 = arith.constant 0 : i32
    %dma_wait3A_315 = tpu.memref_slice %arg2[%add3A_307, %dma_wait3A_314] : memref<8192x128xf32, #tpu.memory_space<hbm>> -> memref<128x128xf32, #tpu.memory_space<hbm>>
    %dma_wait3A_316 = arith.constant 0 : i32
    %dma_wait3A_317 = tpu.memref_slice %arg2[%add3A_307, %dma_wait3A_316] : memref<8192x128xf32, #tpu.memory_space<hbm>> -> memref<128x128xf32, #tpu.memory_space<hbm>>
    tpu.wait_dma2 semaphore(%arg9 : memref<!tpu.dma_semaphore, #tpu.memory_space<semaphore_mem>>) src(%dma_wait3A_317 : memref<128x128xf32, #tpu.memory_space<hbm>>) dst(%arg8 : memref<128x128xf32, #tpu.memory_space<vmem>>)
    %dma_start3A_318 = arith.constant 0 : i32
    %dma_start3A_319 = arith.constant 0 : i32
    %dma_start3A_320 = tpu.memref_slice %arg4[%dma_start3A_318, %dma_start3A_319] : memref<65536x128xf32, #tpu.memory_space<hbm>> -> memref<65536x128xf32, #tpu.memory_space<hbm>>
    tpu.enqueue_indirect_dma source(%arg8 : memref<128x128xf32, #tpu.memory_space<vmem>>) target(%dma_start3A_320 : memref<65536x128xf32, #tpu.memory_space<hbm>>) offsets(%arg6 : memref<128xi32, #tpu.memory_space<vmem>>) semaphore(%arg10 : memref<!tpu.dma_semaphore, #tpu.memory_space<semaphore_mem>>)
    %dma_wait3A_321 = arith.constant 0 : i32
    %dma_wait3A_322 = arith.constant 0 : i32
    %dma_wait3A_323 = tpu.memref_slice %arg4[%dma_wait3A_321, %dma_wait3A_322] : memref<65536x128xf32, #tpu.memory_space<hbm>> -> memref<65536x128xf32, #tpu.memory_space<hbm>>
    tpu.wait_indirect_dma semaphore(%arg10 : memref<!tpu.dma_semaphore, #tpu.memory_space<semaphore_mem>>) src(%arg7 : memref<128x128xf32, #tpu.memory_space<vmem>>) dst(%dma_wait3A_323 : memref<65536x128xf32, #tpu.memory_space<hbm>>)
    %add3A_324 = arith.constant 1536 : i32
    %add3A_325 = arith.addi %add3A_59, %add3A_324 : i32
    %dma_start3A_326 = tpu.memref_slice %arg3[%add3A_325] : memref<65536xi32, #tpu.memory_space<hbm>> -> memref<128xi32, #tpu.memory_space<hbm>>
    %dma_start3A_327 = tpu.memref_slice %arg3[%add3A_325] : memref<65536xi32, #tpu.memory_space<hbm>> -> memref<128xi32, #tpu.memory_space<hbm>>
    tpu.enqueue_dma source(%dma_start3A_327 : memref<128xi32, #tpu.memory_space<hbm>>) target(%arg5 : memref<128xi32, #tpu.memory_space<vmem>>) target_semaphore(%arg9 : memref<!tpu.dma_semaphore, #tpu.memory_space<semaphore_mem>>)
    %add3A_328 = arith.constant 1536 : i32
    %add3A_329 = arith.addi %add3A_64, %add3A_328 : i32
    %dma_start3A_330 = arith.constant 0 : i32
    %dma_start3A_331 = tpu.memref_slice %arg2[%add3A_329, %dma_start3A_330] : memref<8192x128xf32, #tpu.memory_space<hbm>> -> memref<128x128xf32, #tpu.memory_space<hbm>>
    %dma_start3A_332 = arith.constant 0 : i32
    %dma_start3A_333 = tpu.memref_slice %arg2[%add3A_329, %dma_start3A_332] : memref<8192x128xf32, #tpu.memory_space<hbm>> -> memref<128x128xf32, #tpu.memory_space<hbm>>
    tpu.enqueue_dma source(%dma_start3A_333 : memref<128x128xf32, #tpu.memory_space<hbm>>) target(%arg7 : memref<128x128xf32, #tpu.memory_space<vmem>>) target_semaphore(%arg9 : memref<!tpu.dma_semaphore, #tpu.memory_space<semaphore_mem>>)
    %dma_wait3A_334 = tpu.memref_slice %arg3[%add3A_325] : memref<65536xi32, #tpu.memory_space<hbm>> -> memref<128xi32, #tpu.memory_space<hbm>>
    %dma_wait3A_335 = tpu.memref_slice %arg3[%add3A_325] : memref<65536xi32, #tpu.memory_space<hbm>> -> memref<128xi32, #tpu.memory_space<hbm>>
    tpu.wait_dma2 semaphore(%arg9 : memref<!tpu.dma_semaphore, #tpu.memory_space<semaphore_mem>>) src(%dma_wait3A_335 : memref<128xi32, #tpu.memory_space<hbm>>) dst(%arg5 : memref<128xi32, #tpu.memory_space<vmem>>)
    %dma_wait3A_336 = arith.constant 0 : i32
    %dma_wait3A_337 = tpu.memref_slice %arg2[%add3A_329, %dma_wait3A_336] : memref<8192x128xf32, #tpu.memory_space<hbm>> -> memref<128x128xf32, #tpu.memory_space<hbm>>
    %dma_wait3A_338 = arith.constant 0 : i32
    %dma_wait3A_339 = tpu.memref_slice %arg2[%add3A_329, %dma_wait3A_338] : memref<8192x128xf32, #tpu.memory_space<hbm>> -> memref<128x128xf32, #tpu.memory_space<hbm>>
    tpu.wait_dma2 semaphore(%arg9 : memref<!tpu.dma_semaphore, #tpu.memory_space<semaphore_mem>>) src(%dma_wait3A_339 : memref<128x128xf32, #tpu.memory_space<hbm>>) dst(%arg7 : memref<128x128xf32, #tpu.memory_space<vmem>>)
    %dma_start3A_340 = arith.constant 0 : i32
    %dma_start3A_341 = arith.constant 0 : i32
    %dma_start3A_342 = tpu.memref_slice %arg4[%dma_start3A_340, %dma_start3A_341] : memref<65536x128xf32, #tpu.memory_space<hbm>> -> memref<65536x128xf32, #tpu.memory_space<hbm>>
    tpu.enqueue_indirect_dma source(%arg7 : memref<128x128xf32, #tpu.memory_space<vmem>>) target(%dma_start3A_342 : memref<65536x128xf32, #tpu.memory_space<hbm>>) offsets(%arg5 : memref<128xi32, #tpu.memory_space<vmem>>) semaphore(%arg10 : memref<!tpu.dma_semaphore, #tpu.memory_space<semaphore_mem>>)
    %dma_wait3A_343 = arith.constant 0 : i32
    %dma_wait3A_344 = arith.constant 0 : i32
    %dma_wait3A_345 = tpu.memref_slice %arg4[%dma_wait3A_343, %dma_wait3A_344] : memref<65536x128xf32, #tpu.memory_space<hbm>> -> memref<65536x128xf32, #tpu.memory_space<hbm>>
    tpu.wait_indirect_dma semaphore(%arg10 : memref<!tpu.dma_semaphore, #tpu.memory_space<semaphore_mem>>) src(%arg8 : memref<128x128xf32, #tpu.memory_space<vmem>>) dst(%dma_wait3A_345 : memref<65536x128xf32, #tpu.memory_space<hbm>>)
    %add3A_346 = arith.constant 1664 : i32
    %add3A_347 = arith.addi %add3A_59, %add3A_346 : i32
    %dma_start3A_348 = tpu.memref_slice %arg3[%add3A_347] : memref<65536xi32, #tpu.memory_space<hbm>> -> memref<128xi32, #tpu.memory_space<hbm>>
    %dma_start3A_349 = tpu.memref_slice %arg3[%add3A_347] : memref<65536xi32, #tpu.memory_space<hbm>> -> memref<128xi32, #tpu.memory_space<hbm>>
    tpu.enqueue_dma source(%dma_start3A_349 : memref<128xi32, #tpu.memory_space<hbm>>) target(%arg6 : memref<128xi32, #tpu.memory_space<vmem>>) target_semaphore(%arg9 : memref<!tpu.dma_semaphore, #tpu.memory_space<semaphore_mem>>)
    %add3A_350 = arith.constant 1664 : i32
    %add3A_351 = arith.addi %add3A_64, %add3A_350 : i32
    %dma_start3A_352 = arith.constant 0 : i32
    %dma_start3A_353 = tpu.memref_slice %arg2[%add3A_351, %dma_start3A_352] : memref<8192x128xf32, #tpu.memory_space<hbm>> -> memref<128x128xf32, #tpu.memory_space<hbm>>
    %dma_start3A_354 = arith.constant 0 : i32
    %dma_start3A_355 = tpu.memref_slice %arg2[%add3A_351, %dma_start3A_354] : memref<8192x128xf32, #tpu.memory_space<hbm>> -> memref<128x128xf32, #tpu.memory_space<hbm>>
    tpu.enqueue_dma source(%dma_start3A_355 : memref<128x128xf32, #tpu.memory_space<hbm>>) target(%arg8 : memref<128x128xf32, #tpu.memory_space<vmem>>) target_semaphore(%arg9 : memref<!tpu.dma_semaphore, #tpu.memory_space<semaphore_mem>>)
    %dma_wait3A_356 = tpu.memref_slice %arg3[%add3A_347] : memref<65536xi32, #tpu.memory_space<hbm>> -> memref<128xi32, #tpu.memory_space<hbm>>
    %dma_wait3A_357 = tpu.memref_slice %arg3[%add3A_347] : memref<65536xi32, #tpu.memory_space<hbm>> -> memref<128xi32, #tpu.memory_space<hbm>>
    tpu.wait_dma2 semaphore(%arg9 : memref<!tpu.dma_semaphore, #tpu.memory_space<semaphore_mem>>) src(%dma_wait3A_357 : memref<128xi32, #tpu.memory_space<hbm>>) dst(%arg6 : memref<128xi32, #tpu.memory_space<vmem>>)
    %dma_wait3A_358 = arith.constant 0 : i32
    %dma_wait3A_359 = tpu.memref_slice %arg2[%add3A_351, %dma_wait3A_358] : memref<8192x128xf32, #tpu.memory_space<hbm>> -> memref<128x128xf32, #tpu.memory_space<hbm>>
    %dma_wait3A_360 = arith.constant 0 : i32
    %dma_wait3A_361 = tpu.memref_slice %arg2[%add3A_351, %dma_wait3A_360] : memref<8192x128xf32, #tpu.memory_space<hbm>> -> memref<128x128xf32, #tpu.memory_space<hbm>>
    tpu.wait_dma2 semaphore(%arg9 : memref<!tpu.dma_semaphore, #tpu.memory_space<semaphore_mem>>) src(%dma_wait3A_361 : memref<128x128xf32, #tpu.memory_space<hbm>>) dst(%arg8 : memref<128x128xf32, #tpu.memory_space<vmem>>)
    %dma_start3A_362 = arith.constant 0 : i32
    %dma_start3A_363 = arith.constant 0 : i32
    %dma_start3A_364 = tpu.memref_slice %arg4[%dma_start3A_362, %dma_start3A_363] : memref<65536x128xf32, #tpu.memory_space<hbm>> -> memref<65536x128xf32, #tpu.memory_space<hbm>>
    tpu.enqueue_indirect_dma source(%arg8 : memref<128x128xf32, #tpu.memory_space<vmem>>) target(%dma_start3A_364 : memref<65536x128xf32, #tpu.memory_space<hbm>>) offsets(%arg6 : memref<128xi32, #tpu.memory_space<vmem>>) semaphore(%arg10 : memref<!tpu.dma_semaphore, #tpu.memory_space<semaphore_mem>>)
    %dma_wait3A_365 = arith.constant 0 : i32
    %dma_wait3A_366 = arith.constant 0 : i32
    %dma_wait3A_367 = tpu.memref_slice %arg4[%dma_wait3A_365, %dma_wait3A_366] : memref<65536x128xf32, #tpu.memory_space<hbm>> -> memref<65536x128xf32, #tpu.memory_space<hbm>>
    tpu.wait_indirect_dma semaphore(%arg10 : memref<!tpu.dma_semaphore, #tpu.memory_space<semaphore_mem>>) src(%arg7 : memref<128x128xf32, #tpu.memory_space<vmem>>) dst(%dma_wait3A_367 : memref<65536x128xf32, #tpu.memory_space<hbm>>)
    %add3A_368 = arith.constant 1792 : i32
    %add3A_369 = arith.addi %add3A_59, %add3A_368 : i32
    %dma_start3A_370 = tpu.memref_slice %arg3[%add3A_369] : memref<65536xi32, #tpu.memory_space<hbm>> -> memref<128xi32, #tpu.memory_space<hbm>>
    %dma_start3A_371 = tpu.memref_slice %arg3[%add3A_369] : memref<65536xi32, #tpu.memory_space<hbm>> -> memref<128xi32, #tpu.memory_space<hbm>>
    tpu.enqueue_dma source(%dma_start3A_371 : memref<128xi32, #tpu.memory_space<hbm>>) target(%arg5 : memref<128xi32, #tpu.memory_space<vmem>>) target_semaphore(%arg9 : memref<!tpu.dma_semaphore, #tpu.memory_space<semaphore_mem>>)
    %add3A_372 = arith.constant 1792 : i32
    %add3A_373 = arith.addi %add3A_64, %add3A_372 : i32
    %dma_start3A_374 = arith.constant 0 : i32
    %dma_start3A_375 = tpu.memref_slice %arg2[%add3A_373, %dma_start3A_374] : memref<8192x128xf32, #tpu.memory_space<hbm>> -> memref<128x128xf32, #tpu.memory_space<hbm>>
    %dma_start3A_376 = arith.constant 0 : i32
    %dma_start3A_377 = tpu.memref_slice %arg2[%add3A_373, %dma_start3A_376] : memref<8192x128xf32, #tpu.memory_space<hbm>> -> memref<128x128xf32, #tpu.memory_space<hbm>>
    tpu.enqueue_dma source(%dma_start3A_377 : memref<128x128xf32, #tpu.memory_space<hbm>>) target(%arg7 : memref<128x128xf32, #tpu.memory_space<vmem>>) target_semaphore(%arg9 : memref<!tpu.dma_semaphore, #tpu.memory_space<semaphore_mem>>)
    %dma_wait3A_378 = tpu.memref_slice %arg3[%add3A_369] : memref<65536xi32, #tpu.memory_space<hbm>> -> memref<128xi32, #tpu.memory_space<hbm>>
    %dma_wait3A_379 = tpu.memref_slice %arg3[%add3A_369] : memref<65536xi32, #tpu.memory_space<hbm>> -> memref<128xi32, #tpu.memory_space<hbm>>
    tpu.wait_dma2 semaphore(%arg9 : memref<!tpu.dma_semaphore, #tpu.memory_space<semaphore_mem>>) src(%dma_wait3A_379 : memref<128xi32, #tpu.memory_space<hbm>>) dst(%arg5 : memref<128xi32, #tpu.memory_space<vmem>>)
    %dma_wait3A_380 = arith.constant 0 : i32
    %dma_wait3A_381 = tpu.memref_slice %arg2[%add3A_373, %dma_wait3A_380] : memref<8192x128xf32, #tpu.memory_space<hbm>> -> memref<128x128xf32, #tpu.memory_space<hbm>>
    %dma_wait3A_382 = arith.constant 0 : i32
    %dma_wait3A_383 = tpu.memref_slice %arg2[%add3A_373, %dma_wait3A_382] : memref<8192x128xf32, #tpu.memory_space<hbm>> -> memref<128x128xf32, #tpu.memory_space<hbm>>
    tpu.wait_dma2 semaphore(%arg9 : memref<!tpu.dma_semaphore, #tpu.memory_space<semaphore_mem>>) src(%dma_wait3A_383 : memref<128x128xf32, #tpu.memory_space<hbm>>) dst(%arg7 : memref<128x128xf32, #tpu.memory_space<vmem>>)
    %dma_start3A_384 = arith.constant 0 : i32
    %dma_start3A_385 = arith.constant 0 : i32
    %dma_start3A_386 = tpu.memref_slice %arg4[%dma_start3A_384, %dma_start3A_385] : memref<65536x128xf32, #tpu.memory_space<hbm>> -> memref<65536x128xf32, #tpu.memory_space<hbm>>
    tpu.enqueue_indirect_dma source(%arg7 : memref<128x128xf32, #tpu.memory_space<vmem>>) target(%dma_start3A_386 : memref<65536x128xf32, #tpu.memory_space<hbm>>) offsets(%arg5 : memref<128xi32, #tpu.memory_space<vmem>>) semaphore(%arg10 : memref<!tpu.dma_semaphore, #tpu.memory_space<semaphore_mem>>)
    %dma_wait3A_387 = arith.constant 0 : i32
    %dma_wait3A_388 = arith.constant 0 : i32
    %dma_wait3A_389 = tpu.memref_slice %arg4[%dma_wait3A_387, %dma_wait3A_388] : memref<65536x128xf32, #tpu.memory_space<hbm>> -> memref<65536x128xf32, #tpu.memory_space<hbm>>
    tpu.wait_indirect_dma semaphore(%arg10 : memref<!tpu.dma_semaphore, #tpu.memory_space<semaphore_mem>>) src(%arg8 : memref<128x128xf32, #tpu.memory_space<vmem>>) dst(%dma_wait3A_389 : memref<65536x128xf32, #tpu.memory_space<hbm>>)
    %add3A_390 = arith.constant 1920 : i32
    %add3A_391 = arith.addi %add3A_59, %add3A_390 : i32
    %dma_start3A_392 = tpu.memref_slice %arg3[%add3A_391] : memref<65536xi32, #tpu.memory_space<hbm>> -> memref<128xi32, #tpu.memory_space<hbm>>
    %dma_start3A_393 = tpu.memref_slice %arg3[%add3A_391] : memref<65536xi32, #tpu.memory_space<hbm>> -> memref<128xi32, #tpu.memory_space<hbm>>
    tpu.enqueue_dma source(%dma_start3A_393 : memref<128xi32, #tpu.memory_space<hbm>>) target(%arg6 : memref<128xi32, #tpu.memory_space<vmem>>) target_semaphore(%arg9 : memref<!tpu.dma_semaphore, #tpu.memory_space<semaphore_mem>>)
    %add3A_394 = arith.constant 1920 : i32
    %add3A_395 = arith.addi %add3A_64, %add3A_394 : i32
    %dma_start3A_396 = arith.constant 0 : i32
    %dma_start3A_397 = tpu.memref_slice %arg2[%add3A_395, %dma_start3A_396] : memref<8192x128xf32, #tpu.memory_space<hbm>> -> memref<128x128xf32, #tpu.memory_space<hbm>>
    %dma_start3A_398 = arith.constant 0 : i32
    %dma_start3A_399 = tpu.memref_slice %arg2[%add3A_395, %dma_start3A_398] : memref<8192x128xf32, #tpu.memory_space<hbm>> -> memref<128x128xf32, #tpu.memory_space<hbm>>
    tpu.enqueue_dma source(%dma_start3A_399 : memref<128x128xf32, #tpu.memory_space<hbm>>) target(%arg8 : memref<128x128xf32, #tpu.memory_space<vmem>>) target_semaphore(%arg9 : memref<!tpu.dma_semaphore, #tpu.memory_space<semaphore_mem>>)
    %dma_wait3A_400 = tpu.memref_slice %arg3[%add3A_391] : memref<65536xi32, #tpu.memory_space<hbm>> -> memref<128xi32, #tpu.memory_space<hbm>>
    %dma_wait3A_401 = tpu.memref_slice %arg3[%add3A_391] : memref<65536xi32, #tpu.memory_space<hbm>> -> memref<128xi32, #tpu.memory_space<hbm>>
    tpu.wait_dma2 semaphore(%arg9 : memref<!tpu.dma_semaphore, #tpu.memory_space<semaphore_mem>>) src(%dma_wait3A_401 : memref<128xi32, #tpu.memory_space<hbm>>) dst(%arg6 : memref<128xi32, #tpu.memory_space<vmem>>)
    %dma_wait3A_402 = arith.constant 0 : i32
    %dma_wait3A_403 = tpu.memref_slice %arg2[%add3A_395, %dma_wait3A_402] : memref<8192x128xf32, #tpu.memory_space<hbm>> -> memref<128x128xf32, #tpu.memory_space<hbm>>
    %dma_wait3A_404 = arith.constant 0 : i32
    %dma_wait3A_405 = tpu.memref_slice %arg2[%add3A_395, %dma_wait3A_404] : memref<8192x128xf32, #tpu.memory_space<hbm>> -> memref<128x128xf32, #tpu.memory_space<hbm>>
    tpu.wait_dma2 semaphore(%arg9 : memref<!tpu.dma_semaphore, #tpu.memory_space<semaphore_mem>>) src(%dma_wait3A_405 : memref<128x128xf32, #tpu.memory_space<hbm>>) dst(%arg8 : memref<128x128xf32, #tpu.memory_space<vmem>>)
    %dma_start3A_406 = arith.constant 0 : i32
    %dma_start3A_407 = arith.constant 0 : i32
    %dma_start3A_408 = tpu.memref_slice %arg4[%dma_start3A_406, %dma_start3A_407] : memref<65536x128xf32, #tpu.memory_space<hbm>> -> memref<65536x128xf32, #tpu.memory_space<hbm>>
    tpu.enqueue_indirect_dma source(%arg8 : memref<128x128xf32, #tpu.memory_space<vmem>>) target(%dma_start3A_408 : memref<65536x128xf32, #tpu.memory_space<hbm>>) offsets(%arg6 : memref<128xi32, #tpu.memory_space<vmem>>) semaphore(%arg10 : memref<!tpu.dma_semaphore, #tpu.memory_space<semaphore_mem>>)
    %dma_wait3A_409 = arith.constant 0 : i32
    %dma_wait3A_410 = arith.constant 0 : i32
    %dma_wait3A_411 = tpu.memref_slice %arg4[%dma_wait3A_409, %dma_wait3A_410] : memref<65536x128xf32, #tpu.memory_space<hbm>> -> memref<65536x128xf32, #tpu.memory_space<hbm>>
    tpu.wait_indirect_dma semaphore(%arg10 : memref<!tpu.dma_semaphore, #tpu.memory_space<semaphore_mem>>) src(%arg7 : memref<128x128xf32, #tpu.memory_space<vmem>>) dst(%dma_wait3A_411 : memref<65536x128xf32, #tpu.memory_space<hbm>>)
    %dma_wait3A_412 = arith.constant 0 : i32
    %dma_wait3A_413 = arith.constant 0 : i32
    %dma_wait3A_414 = tpu.memref_slice %arg4[%dma_wait3A_412, %dma_wait3A_413] : memref<65536x128xf32, #tpu.memory_space<hbm>> -> memref<65536x128xf32, #tpu.memory_space<hbm>>
    tpu.wait_indirect_dma semaphore(%arg10 : memref<!tpu.dma_semaphore, #tpu.memory_space<semaphore_mem>>) src(%arg8 : memref<128x128xf32, #tpu.memory_space<vmem>>) dst(%dma_wait3A_414 : memref<65536x128xf32, #tpu.memory_space<hbm>>)
    return
  }
}

module attributes {stable_mosaic.version = 14 : i64} {
  func.func @_hash_sort_kernel(%arg0: i32, %arg1: i32, %arg2: memref<1x4096x64xf32, #tpu.memory_space<vmem>>, %arg3: memref<1x64x32xf32, #tpu.memory_space<vmem>>, %arg4: memref<1x1x4x1024xi32, #tpu.memory_space<vmem>>, %arg5: memref<1x1x4x1024xi32, #tpu.memory_space<vmem>>, %arg6: memref<1x1x1x64xf32, #tpu.memory_space<vmem>>, %arg7: memref<1x1x1x64xf32, #tpu.memory_space<vmem>>) attributes {dimension_semantics = [#tpu.dimension_semantics<arbitrary>, #tpu.dimension_semantics<arbitrary>], iteration_bounds = array<i64: 2, 8>, scalar_prefetch = 0 : i64, scratch_operands = 0 : i64, tpu.core_type = #tpu.core_type<tc>, window_params = [{transform_indices = @transform_0, window_bounds = array<i64: 1, 4096, 64>}, {transform_indices = @transform_1, window_bounds = array<i64: 1, 64, 32>}, {transform_indices = @transform_2, window_bounds = array<i64: 1, 1, 4, 1024>}, {transform_indices = @transform_3, window_bounds = array<i64: 1, 1, 4, 1024>}, {transform_indices = @transform_4, window_bounds = array<i64: 1, 1, 1, 64>}, {transform_indices = @transform_5, window_bounds = array<i64: 1, 1, 1, 64>}]} {
    %get3A = arith.constant 0 : index
    %get3A_0 = arith.constant 0 : index
    %get3A_1 = arith.constant 0 : index
    %get3A_2 = vector.load %arg2[%get3A, %get3A_0, %get3A_1] : memref<1x4096x64xf32, #tpu.memory_space<vmem>>, vector<1x4096x64xf32>
    %get3A_3 = vector.shape_cast %get3A_2 : vector<1x4096x64xf32> to vector<4096x64xf32>
    %get3A_4 = arith.constant 0 : index
    %get3A_5 = arith.constant 0 : index
    %get3A_6 = arith.constant 0 : index
    %get3A_7 = vector.load %arg3[%get3A_4, %get3A_5, %get3A_6] : memref<1x64x32xf32, #tpu.memory_space<vmem>>, vector<1x64x32xf32>
    %get3A_8 = vector.shape_cast %get3A_7 : vector<1x64x32xf32> to vector<64x32xf32>
    %dot_general3A = arith.constant dense<0.000000e+00> : vector<4096x32xf32>
    %dot_general3A_9 = tpu.matmul %get3A_3, %get3A_8, %dot_general3A {dimension_numbers = #tpu.dot_dimension_numbers<[1], [0], [0], [1], [0, 0, 1, 1], [], []>, transpose_lhs_hint = false} : vector<4096x64xf32>, vector<64x32xf32>, vector<4096x32xf32> -> vector<4096x32xf32>
    %neg3A = arith.constant 0.000000e+00 : f32
    %neg3A_10 = vector.broadcast %neg3A : f32 to vector<4096x32xf32>
    %neg3A_11 = arith.subf %neg3A_10, %dot_general3A_9 : vector<4096x32xf32>
    %concatenate3A = tpu.concatenate %dot_general3A_9, %neg3A_11 in 1 : vector<4096x32xf32>, vector<4096x32xf32> -> vector<4096x64xf32>
    %reduce_max3A = arith.constant dense<0xFF800000> : vector<4096xf32>
    %reduce_max3A_12 = vector.multi_reduction <maximumf>, %concatenate3A, %reduce_max3A [1] : vector<4096x64xf32> to vector<4096xf32>
    %broadcast_in_dim3A = vector.shape_cast %reduce_max3A_12 : vector<4096xf32> to vector<4096x1xf32>
    %iota3A = tpu.iota {dimensions = array<i32: 1>} : vector<4096x64xi32>
    %eq3A = vector.broadcast %broadcast_in_dim3A : vector<4096x1xf32> to vector<4096x64xf32>
    %eq3A_13 = arith.cmpf oeq, %concatenate3A, %eq3A : vector<4096x64xf32>
    %jit3A = arith.constant 64 : i32
    %broadcast_in_dim3A_14 = vector.broadcast %jit3A : i32 to vector<4096x64xi32>
    %select_n3A = arith.select %eq3A_13, %iota3A, %broadcast_in_dim3A_14 : vector<4096x64xi1>, vector<4096x64xi32>
    %reduce_min3A = arith.constant dense<2147483647> : vector<4096xi32>
    %reduce_min3A_15 = vector.multi_reduction <minsi>, %select_n3A, %reduce_min3A [1] : vector<4096x64xi32> to vector<4096xi32>
    %broadcast_in_dim3A_16 = vector.shape_cast %reduce_min3A_15 : vector<4096xi32> to vector<4096x1xi32>
    %eq3A_17 = vector.broadcast %broadcast_in_dim3A_16 : vector<4096x1xi32> to vector<4096x64xi32>
    %eq3A_18 = arith.cmpi eq, %eq3A_17, %iota3A : vector<4096x64xi32>
    %convert_element_type3A = arith.extui %eq3A_18 : vector<4096x64xi1> to vector<4096x64xi32>
    %convert_element_type3A_19 = arith.sitofp %convert_element_type3A : vector<4096x64xi32> to vector<4096x64xf32>
    %convert_element_type3A_20 = arith.sitofp %broadcast_in_dim3A_16 : vector<4096x1xi32> to vector<4096x1xf32>
    %reduce_sum3A = arith.constant dense<0.000000e+00> : vector<64xf32>
    %reduce_sum3A_21 = vector.multi_reduction <add>, %convert_element_type3A_19, %reduce_sum3A [0] : vector<4096x64xf32> to vector<64xf32>
    %broadcast_in_dim3A_22 = vector.shape_cast %reduce_sum3A_21 : vector<64xf32> to vector<1x64xf32>
    %iota3A_23 = tpu.iota {dimensions = array<i32: 0>} : vector<64x64xi32>
    %iota3A_24 = tpu.iota {dimensions = array<i32: 1>} : vector<64x64xi32>
    %lt3A = arith.cmpi slt, %iota3A_23, %iota3A_24 : vector<64x64xi32>
    %convert_element_type3A_25 = arith.extui %lt3A : vector<64x64xi1> to vector<64x64xi32>
    %convert_element_type3A_26 = arith.sitofp %convert_element_type3A_25 : vector<64x64xi32> to vector<64x64xf32>
    %dot_general3A_27 = arith.constant dense<0.000000e+00> : vector<1x64xf32>
    %dot_general3A_28 = tpu.matmul %broadcast_in_dim3A_22, %convert_element_type3A_26, %dot_general3A_27 {dimension_numbers = #tpu.dot_dimension_numbers<[1], [0], [0], [1], [0, 0, 1, 1], [], []>, precision = #tpu.contract_precision<fp32>, transpose_lhs_hint = false} : vector<1x64xf32>, vector<64x64xf32>, vector<1x64xf32> -> vector<1x64xf32>
    %iota3A_29 = tpu.iota {dimensions = array<i32: 0>} : vector<1024x1024xi32>
    %iota3A_30 = tpu.iota {dimensions = array<i32: 1>} : vector<1024x1024xi32>
    %ge3A = arith.cmpi sge, %iota3A_29, %iota3A_30 : vector<1024x1024xi32>
    %convert_element_type3A_31 = arith.extui %ge3A : vector<1024x1024xi1> to vector<1024x1024xi32>
    %convert_element_type3A_32 = arith.sitofp %convert_element_type3A_31 : vector<1024x1024xi32> to vector<1024x1024xf32>
    %convert_element_type3A_33 = arith.truncf %convert_element_type3A_32 : vector<1024x1024xf32> to vector<1024x1024xbf16>
    %eq3A_34 = arith.cmpi eq, %iota3A_29, %iota3A_30 : vector<1024x1024xi32>
    %convert_element_type3A_35 = arith.extui %eq3A_34 : vector<1024x1024xi1> to vector<1024x1024xi32>
    %convert_element_type3A_36 = arith.sitofp %convert_element_type3A_35 : vector<1024x1024xi32> to vector<1024x1024xf32>
    %mul3A = arith.constant 8 : i32
    %mul3A_37 = arith.muli %arg0, %mul3A : i32
    %add3A = arith.addi %mul3A_37, %arg1 : i32
    %mul3A_38 = arith.constant 4096 : i32
    %mul3A_39 = arith.muli %add3A, %mul3A_38 : i32
    %convert_element_type3A_40 = arith.sitofp %mul3A_39 : i32 to f32
    %mul3A_41 = arith.constant 64 : i32
    %mul3A_42 = arith.muli %arg1, %mul3A_41 : i32
    %convert_element_type3A_43 = arith.sitofp %mul3A_42 : i32 to f32
    %iota3A_44 = tpu.iota {dimensions = array<i32: 1>} : vector<1024x64xi32>
    %convert_element_type3A_45 = arith.sitofp %iota3A_44 : vector<1024x64xi32> to vector<1024x64xf32>
    %iota3A_46 = tpu.iota {dimensions = array<i32: 0>} : vector<1024x1xi32>
    %convert_element_type3A_47 = arith.sitofp %iota3A_46 : vector<1024x1xi32> to vector<1024x1xf32>
    %broadcast_in_dim3A_48 = arith.constant 0.000000e+00 : f32
    %broadcast_in_dim3A_49 = vector.broadcast %broadcast_in_dim3A_48 : f32 to vector<1x64xf32>
    %broadcast_in_dim3A_50 = arith.constant 0.000000e+00 : f32
    %broadcast_in_dim3A_51 = vector.broadcast %broadcast_in_dim3A_50 : f32 to vector<1x64xf32>
    %broadcast_in_dim3A_52 = arith.constant 0.000000e+00 : f32
    %broadcast_in_dim3A_53 = vector.broadcast %broadcast_in_dim3A_52 : f32 to vector<1x64xf32>
    %slice3A = vector.extract_strided_slice %convert_element_type3A_19 {offsets = [0, 0], sizes = [1024, 64], strides = [1, 1]} : vector<4096x64xf32> to vector<1024x64xf32>
    %convert_element_type3A_54 = arith.truncf %slice3A : vector<1024x64xf32> to vector<1024x64xbf16>
    %dot_general3A_55 = arith.constant dense<0.000000e+00> : vector<1024x64xf32>
    %dot_general3A_56 = tpu.matmul %convert_element_type3A_33, %convert_element_type3A_54, %dot_general3A_55 {dimension_numbers = #tpu.dot_dimension_numbers<[1], [0], [0], [1], [0, 0, 1, 1], [], []>, transpose_lhs_hint = false} : vector<1024x1024xbf16>, vector<1024x64xbf16>, vector<1024x64xf32> -> vector<1024x64xf32>
    %add3A_57 = arith.addf %dot_general3A_28, %broadcast_in_dim3A_49 : vector<1x64xf32>
    %sub3A = arith.constant 1.000000e+00 : f32
    %sub3A_58 = vector.broadcast %sub3A : f32 to vector<1x64xf32>
    %sub3A_59 = arith.subf %add3A_57, %sub3A_58 : vector<1x64xf32>
    %add3A_60 = vector.broadcast %sub3A_59 : vector<1x64xf32> to vector<1024x64xf32>
    %add3A_61 = arith.addf %dot_general3A_56, %add3A_60 : vector<1024x64xf32>
    %mul3A_62 = arith.mulf %slice3A, %add3A_61 : vector<1024x64xf32>
    %reduce_sum3A_63 = arith.constant dense<0.000000e+00> : vector<1024xf32>
    %reduce_sum3A_64 = vector.multi_reduction <add>, %mul3A_62, %reduce_sum3A_63 [1] : vector<1024x64xf32> to vector<1024xf32>
    %broadcast_in_dim3A_65 = vector.shape_cast %reduce_sum3A_64 : vector<1024xf32> to vector<1024x1xf32>
    %slice3A_66 = vector.extract_strided_slice %dot_general3A_56 {offsets = [1023, 0], sizes = [1, 64], strides = [1, 1]} : vector<1024x64xf32> to vector<1x64xf32>
    %add3A_67 = arith.addf %broadcast_in_dim3A_49, %slice3A_66 : vector<1x64xf32>
    %add3A_68 = arith.constant 0.000000e+00 : f32
    %add3A_69 = vector.broadcast %add3A_68 : f32 to vector<1024x1xf32>
    %add3A_70 = arith.addf %convert_element_type3A_47, %add3A_69 : vector<1024x1xf32>
    %eq3A_71 = vector.broadcast %broadcast_in_dim3A_65 : vector<1024x1xf32> to vector<1024x64xf32>
    %eq3A_72 = arith.cmpf oeq, %eq3A_71, %convert_element_type3A_45 : vector<1024x64xf32>
    %convert_element_type3A_73 = arith.extui %eq3A_72 : vector<1024x64xi1> to vector<1024x64xi32>
    %convert_element_type3A_74 = arith.sitofp %convert_element_type3A_73 : vector<1024x64xi32> to vector<1024x64xf32>
    %add3A_75 = arith.constant 4.032000e+03 : f32
    %add3A_76 = vector.broadcast %add3A_75 : f32 to vector<1024x64xf32>
    %add3A_77 = arith.addf %convert_element_type3A_45, %add3A_76 : vector<1024x64xf32>
    %eq3A_78 = vector.broadcast %broadcast_in_dim3A_65 : vector<1024x1xf32> to vector<1024x64xf32>
    %eq3A_79 = arith.cmpf oeq, %eq3A_78, %add3A_77 : vector<1024x64xf32>
    %convert_element_type3A_80 = arith.extui %eq3A_79 : vector<1024x64xi1> to vector<1024x64xi32>
    %convert_element_type3A_81 = arith.sitofp %convert_element_type3A_80 : vector<1024x64xi32> to vector<1024x64xf32>
    %dot_general3A_82 = arith.constant dense<0.000000e+00> : vector<1x64xf32>
    %dot_general3A_83 = tpu.matmul %add3A_70, %convert_element_type3A_74, %dot_general3A_82 {dimension_numbers = #tpu.dot_dimension_numbers<[0], [0], [1], [1], [0, 1, 1, 1], [], []>, precision = #tpu.contract_precision<fp32>, transpose_lhs_hint = false} : vector<1024x1xf32>, vector<1024x64xf32>, vector<1x64xf32> -> vector<1x64xf32>
    %add3A_84 = arith.addf %broadcast_in_dim3A_51, %dot_general3A_83 : vector<1x64xf32>
    %dot_general3A_85 = arith.constant dense<0.000000e+00> : vector<1x64xf32>
    %dot_general3A_86 = tpu.matmul %add3A_70, %convert_element_type3A_81, %dot_general3A_85 {dimension_numbers = #tpu.dot_dimension_numbers<[0], [0], [1], [1], [0, 1, 1, 1], [], []>, precision = #tpu.contract_precision<fp32>, transpose_lhs_hint = false} : vector<1024x1xf32>, vector<1024x64xf32>, vector<1x64xf32> -> vector<1x64xf32>
    %add3A_87 = arith.addf %broadcast_in_dim3A_53, %dot_general3A_86 : vector<1x64xf32>
    %slice3A_88 = vector.extract_strided_slice %convert_element_type3A_19 {offsets = [1024, 0], sizes = [1024, 64], strides = [1, 1]} : vector<4096x64xf32> to vector<1024x64xf32>
    %convert_element_type3A_89 = arith.truncf %slice3A_88 : vector<1024x64xf32> to vector<1024x64xbf16>
    %dot_general3A_90 = arith.constant dense<0.000000e+00> : vector<1024x64xf32>
    %dot_general3A_91 = tpu.matmul %convert_element_type3A_33, %convert_element_type3A_89, %dot_general3A_90 {dimension_numbers = #tpu.dot_dimension_numbers<[1], [0], [0], [1], [0, 0, 1, 1], [], []>, transpose_lhs_hint = false} : vector<1024x1024xbf16>, vector<1024x64xbf16>, vector<1024x64xf32> -> vector<1024x64xf32>
    %add3A_92 = arith.addf %dot_general3A_28, %add3A_67 : vector<1x64xf32>
    %sub3A_93 = arith.constant 1.000000e+00 : f32
    %sub3A_94 = vector.broadcast %sub3A_93 : f32 to vector<1x64xf32>
    %sub3A_95 = arith.subf %add3A_92, %sub3A_94 : vector<1x64xf32>
    %add3A_96 = vector.broadcast %sub3A_95 : vector<1x64xf32> to vector<1024x64xf32>
    %add3A_97 = arith.addf %dot_general3A_91, %add3A_96 : vector<1024x64xf32>
    %mul3A_98 = arith.mulf %slice3A_88, %add3A_97 : vector<1024x64xf32>
    %reduce_sum3A_99 = arith.constant dense<0.000000e+00> : vector<1024xf32>
    %reduce_sum3A_100 = vector.multi_reduction <add>, %mul3A_98, %reduce_sum3A_99 [1] : vector<1024x64xf32> to vector<1024xf32>
    %broadcast_in_dim3A_101 = vector.shape_cast %reduce_sum3A_100 : vector<1024xf32> to vector<1024x1xf32>
    %slice3A_102 = vector.extract_strided_slice %dot_general3A_91 {offsets = [1023, 0], sizes = [1, 64], strides = [1, 1]} : vector<1024x64xf32> to vector<1x64xf32>
    %add3A_103 = arith.addf %add3A_67, %slice3A_102 : vector<1x64xf32>
    %add3A_104 = arith.constant 1.024000e+03 : f32
    %add3A_105 = vector.broadcast %add3A_104 : f32 to vector<1024x1xf32>
    %add3A_106 = arith.addf %convert_element_type3A_47, %add3A_105 : vector<1024x1xf32>
    %eq3A_107 = vector.broadcast %broadcast_in_dim3A_101 : vector<1024x1xf32> to vector<1024x64xf32>
    %eq3A_108 = arith.cmpf oeq, %eq3A_107, %convert_element_type3A_45 : vector<1024x64xf32>
    %convert_element_type3A_109 = arith.extui %eq3A_108 : vector<1024x64xi1> to vector<1024x64xi32>
    %convert_element_type3A_110 = arith.sitofp %convert_element_type3A_109 : vector<1024x64xi32> to vector<1024x64xf32>
    %add3A_111 = arith.constant 4.032000e+03 : f32
    %add3A_112 = vector.broadcast %add3A_111 : f32 to vector<1024x64xf32>
    %add3A_113 = arith.addf %convert_element_type3A_45, %add3A_112 : vector<1024x64xf32>
    %eq3A_114 = vector.broadcast %broadcast_in_dim3A_101 : vector<1024x1xf32> to vector<1024x64xf32>
    %eq3A_115 = arith.cmpf oeq, %eq3A_114, %add3A_113 : vector<1024x64xf32>
    %convert_element_type3A_116 = arith.extui %eq3A_115 : vector<1024x64xi1> to vector<1024x64xi32>
    %convert_element_type3A_117 = arith.sitofp %convert_element_type3A_116 : vector<1024x64xi32> to vector<1024x64xf32>
    %dot_general3A_118 = arith.constant dense<0.000000e+00> : vector<1x64xf32>
    %dot_general3A_119 = tpu.matmul %add3A_106, %convert_element_type3A_110, %dot_general3A_118 {dimension_numbers = #tpu.dot_dimension_numbers<[0], [0], [1], [1], [0, 1, 1, 1], [], []>, precision = #tpu.contract_precision<fp32>, transpose_lhs_hint = false} : vector<1024x1xf32>, vector<1024x64xf32>, vector<1x64xf32> -> vector<1x64xf32>
    %add3A_120 = arith.addf %add3A_84, %dot_general3A_119 : vector<1x64xf32>
    %dot_general3A_121 = arith.constant dense<0.000000e+00> : vector<1x64xf32>
    %dot_general3A_122 = tpu.matmul %add3A_106, %convert_element_type3A_117, %dot_general3A_121 {dimension_numbers = #tpu.dot_dimension_numbers<[0], [0], [1], [1], [0, 1, 1, 1], [], []>, precision = #tpu.contract_precision<fp32>, transpose_lhs_hint = false} : vector<1024x1xf32>, vector<1024x64xf32>, vector<1x64xf32> -> vector<1x64xf32>
    %add3A_123 = arith.addf %add3A_87, %dot_general3A_122 : vector<1x64xf32>
    %slice3A_124 = vector.extract_strided_slice %convert_element_type3A_19 {offsets = [2048, 0], sizes = [1024, 64], strides = [1, 1]} : vector<4096x64xf32> to vector<1024x64xf32>
    %convert_element_type3A_125 = arith.truncf %slice3A_124 : vector<1024x64xf32> to vector<1024x64xbf16>
    %dot_general3A_126 = arith.constant dense<0.000000e+00> : vector<1024x64xf32>
    %dot_general3A_127 = tpu.matmul %convert_element_type3A_33, %convert_element_type3A_125, %dot_general3A_126 {dimension_numbers = #tpu.dot_dimension_numbers<[1], [0], [0], [1], [0, 0, 1, 1], [], []>, transpose_lhs_hint = false} : vector<1024x1024xbf16>, vector<1024x64xbf16>, vector<1024x64xf32> -> vector<1024x64xf32>
    %add3A_128 = arith.addf %dot_general3A_28, %add3A_103 : vector<1x64xf32>
    %sub3A_129 = arith.constant 1.000000e+00 : f32
    %sub3A_130 = vector.broadcast %sub3A_129 : f32 to vector<1x64xf32>
    %sub3A_131 = arith.subf %add3A_128, %sub3A_130 : vector<1x64xf32>
    %add3A_132 = vector.broadcast %sub3A_131 : vector<1x64xf32> to vector<1024x64xf32>
    %add3A_133 = arith.addf %dot_general3A_127, %add3A_132 : vector<1024x64xf32>
    %mul3A_134 = arith.mulf %slice3A_124, %add3A_133 : vector<1024x64xf32>
    %reduce_sum3A_135 = arith.constant dense<0.000000e+00> : vector<1024xf32>
    %reduce_sum3A_136 = vector.multi_reduction <add>, %mul3A_134, %reduce_sum3A_135 [1] : vector<1024x64xf32> to vector<1024xf32>
    %broadcast_in_dim3A_137 = vector.shape_cast %reduce_sum3A_136 : vector<1024xf32> to vector<1024x1xf32>
    %slice3A_138 = vector.extract_strided_slice %dot_general3A_127 {offsets = [1023, 0], sizes = [1, 64], strides = [1, 1]} : vector<1024x64xf32> to vector<1x64xf32>
    %add3A_139 = arith.addf %add3A_103, %slice3A_138 : vector<1x64xf32>
    %add3A_140 = arith.constant 2.048000e+03 : f32
    %add3A_141 = vector.broadcast %add3A_140 : f32 to vector<1024x1xf32>
    %add3A_142 = arith.addf %convert_element_type3A_47, %add3A_141 : vector<1024x1xf32>
    %eq3A_143 = vector.broadcast %broadcast_in_dim3A_137 : vector<1024x1xf32> to vector<1024x64xf32>
    %eq3A_144 = arith.cmpf oeq, %eq3A_143, %convert_element_type3A_45 : vector<1024x64xf32>
    %convert_element_type3A_145 = arith.extui %eq3A_144 : vector<1024x64xi1> to vector<1024x64xi32>
    %convert_element_type3A_146 = arith.sitofp %convert_element_type3A_145 : vector<1024x64xi32> to vector<1024x64xf32>
    %add3A_147 = arith.constant 4.032000e+03 : f32
    %add3A_148 = vector.broadcast %add3A_147 : f32 to vector<1024x64xf32>
    %add3A_149 = arith.addf %convert_element_type3A_45, %add3A_148 : vector<1024x64xf32>
    %eq3A_150 = vector.broadcast %broadcast_in_dim3A_137 : vector<1024x1xf32> to vector<1024x64xf32>
    %eq3A_151 = arith.cmpf oeq, %eq3A_150, %add3A_149 : vector<1024x64xf32>
    %convert_element_type3A_152 = arith.extui %eq3A_151 : vector<1024x64xi1> to vector<1024x64xi32>
    %convert_element_type3A_153 = arith.sitofp %convert_element_type3A_152 : vector<1024x64xi32> to vector<1024x64xf32>
    %dot_general3A_154 = arith.constant dense<0.000000e+00> : vector<1x64xf32>
    %dot_general3A_155 = tpu.matmul %add3A_142, %convert_element_type3A_146, %dot_general3A_154 {dimension_numbers = #tpu.dot_dimension_numbers<[0], [0], [1], [1], [0, 1, 1, 1], [], []>, precision = #tpu.contract_precision<fp32>, transpose_lhs_hint = false} : vector<1024x1xf32>, vector<1024x64xf32>, vector<1x64xf32> -> vector<1x64xf32>
    %add3A_156 = arith.addf %add3A_120, %dot_general3A_155 : vector<1x64xf32>
    %dot_general3A_157 = arith.constant dense<0.000000e+00> : vector<1x64xf32>
    %dot_general3A_158 = tpu.matmul %add3A_142, %convert_element_type3A_153, %dot_general3A_157 {dimension_numbers = #tpu.dot_dimension_numbers<[0], [0], [1], [1], [0, 1, 1, 1], [], []>, precision = #tpu.contract_precision<fp32>, transpose_lhs_hint = false} : vector<1024x1xf32>, vector<1024x64xf32>, vector<1x64xf32> -> vector<1x64xf32>
    %add3A_159 = arith.addf %add3A_123, %dot_general3A_158 : vector<1x64xf32>
    %slice3A_160 = vector.extract_strided_slice %convert_element_type3A_19 {offsets = [3072, 0], sizes = [1024, 64], strides = [1, 1]} : vector<4096x64xf32> to vector<1024x64xf32>
    %convert_element_type3A_161 = arith.truncf %slice3A_160 : vector<1024x64xf32> to vector<1024x64xbf16>
    %dot_general3A_162 = arith.constant dense<0.000000e+00> : vector<1024x64xf32>
    %dot_general3A_163 = tpu.matmul %convert_element_type3A_33, %convert_element_type3A_161, %dot_general3A_162 {dimension_numbers = #tpu.dot_dimension_numbers<[1], [0], [0], [1], [0, 0, 1, 1], [], []>, transpose_lhs_hint = false} : vector<1024x1024xbf16>, vector<1024x64xbf16>, vector<1024x64xf32> -> vector<1024x64xf32>
    %add3A_164 = arith.addf %dot_general3A_28, %add3A_139 : vector<1x64xf32>
    %sub3A_165 = arith.constant 1.000000e+00 : f32
    %sub3A_166 = vector.broadcast %sub3A_165 : f32 to vector<1x64xf32>
    %sub3A_167 = arith.subf %add3A_164, %sub3A_166 : vector<1x64xf32>
    %add3A_168 = vector.broadcast %sub3A_167 : vector<1x64xf32> to vector<1024x64xf32>
    %add3A_169 = arith.addf %dot_general3A_163, %add3A_168 : vector<1024x64xf32>
    %mul3A_170 = arith.mulf %slice3A_160, %add3A_169 : vector<1024x64xf32>
    %reduce_sum3A_171 = arith.constant dense<0.000000e+00> : vector<1024xf32>
    %reduce_sum3A_172 = vector.multi_reduction <add>, %mul3A_170, %reduce_sum3A_171 [1] : vector<1024x64xf32> to vector<1024xf32>
    %broadcast_in_dim3A_173 = vector.shape_cast %reduce_sum3A_172 : vector<1024xf32> to vector<1024x1xf32>
    %add3A_174 = arith.constant 3.072000e+03 : f32
    %add3A_175 = vector.broadcast %add3A_174 : f32 to vector<1024x1xf32>
    %add3A_176 = arith.addf %convert_element_type3A_47, %add3A_175 : vector<1024x1xf32>
    %eq3A_177 = vector.broadcast %broadcast_in_dim3A_173 : vector<1024x1xf32> to vector<1024x64xf32>
    %eq3A_178 = arith.cmpf oeq, %eq3A_177, %convert_element_type3A_45 : vector<1024x64xf32>
    %convert_element_type3A_179 = arith.extui %eq3A_178 : vector<1024x64xi1> to vector<1024x64xi32>
    %convert_element_type3A_180 = arith.sitofp %convert_element_type3A_179 : vector<1024x64xi32> to vector<1024x64xf32>
    %add3A_181 = arith.constant 4.032000e+03 : f32
    %add3A_182 = vector.broadcast %add3A_181 : f32 to vector<1024x64xf32>
    %add3A_183 = arith.addf %convert_element_type3A_45, %add3A_182 : vector<1024x64xf32>
    %eq3A_184 = vector.broadcast %broadcast_in_dim3A_173 : vector<1024x1xf32> to vector<1024x64xf32>
    %eq3A_185 = arith.cmpf oeq, %eq3A_184, %add3A_183 : vector<1024x64xf32>
    %convert_element_type3A_186 = arith.extui %eq3A_185 : vector<1024x64xi1> to vector<1024x64xi32>
    %convert_element_type3A_187 = arith.sitofp %convert_element_type3A_186 : vector<1024x64xi32> to vector<1024x64xf32>
    %dot_general3A_188 = arith.constant dense<0.000000e+00> : vector<1x64xf32>
    %dot_general3A_189 = tpu.matmul %add3A_176, %convert_element_type3A_180, %dot_general3A_188 {dimension_numbers = #tpu.dot_dimension_numbers<[0], [0], [1], [1], [0, 1, 1, 1], [], []>, precision = #tpu.contract_precision<fp32>, transpose_lhs_hint = false} : vector<1024x1xf32>, vector<1024x64xf32>, vector<1x64xf32> -> vector<1x64xf32>
    %add3A_190 = arith.addf %add3A_156, %dot_general3A_189 : vector<1x64xf32>
    %dot_general3A_191 = arith.constant dense<0.000000e+00> : vector<1x64xf32>
    %dot_general3A_192 = tpu.matmul %add3A_176, %convert_element_type3A_187, %dot_general3A_191 {dimension_numbers = #tpu.dot_dimension_numbers<[0], [0], [1], [1], [0, 1, 1, 1], [], []>, precision = #tpu.contract_precision<fp32>, transpose_lhs_hint = false} : vector<1024x1xf32>, vector<1024x64xf32>, vector<1x64xf32> -> vector<1x64xf32>
    %add3A_193 = arith.addf %add3A_159, %dot_general3A_192 : vector<1x64xf32>
    %slice3A_194 = vector.extract_strided_slice %convert_element_type3A_20 {offsets = [0, 0], sizes = [1024, 1], strides = [1, 1]} : vector<4096x1xf32> to vector<1024x1xf32>
    %slice3A_195 = vector.extract_strided_slice %convert_element_type3A_20 {offsets = [1024, 0], sizes = [1024, 1], strides = [1, 1]} : vector<4096x1xf32> to vector<1024x1xf32>
    %slice3A_196 = vector.extract_strided_slice %convert_element_type3A_20 {offsets = [2048, 0], sizes = [1024, 1], strides = [1, 1]} : vector<4096x1xf32> to vector<1024x1xf32>
    %slice3A_197 = vector.extract_strided_slice %convert_element_type3A_20 {offsets = [3072, 0], sizes = [1024, 1], strides = [1, 1]} : vector<4096x1xf32> to vector<1024x1xf32>
    %concatenate3A_198 = tpu.concatenate %broadcast_in_dim3A_65, %broadcast_in_dim3A_101, %broadcast_in_dim3A_137, %broadcast_in_dim3A_173, %slice3A_194, %slice3A_195, %slice3A_196, %slice3A_197 in 1 : vector<1024x1xf32>, vector<1024x1xf32>, vector<1024x1xf32>, vector<1024x1xf32>, vector<1024x1xf32>, vector<1024x1xf32>, vector<1024x1xf32>, vector<1024x1xf32> -> vector<1024x8xf32>
    %dot_general3A_199 = arith.constant dense<0.000000e+00> : vector<8x1024xf32>
    %dot_general3A_200 = tpu.matmul %concatenate3A_198, %convert_element_type3A_36, %dot_general3A_199 {dimension_numbers = #tpu.dot_dimension_numbers<[0], [0], [1], [1], [0, 1, 1, 1], [], []>, precision = #tpu.contract_precision<fp32>, transpose_lhs_hint = false} : vector<1024x8xf32>, vector<1024x1024xf32>, vector<8x1024xf32> -> vector<8x1024xf32>
    %slice3A_201 = vector.extract_strided_slice %dot_general3A_200 {offsets = [0, 0], sizes = [4, 1024], strides = [1, 1]} : vector<8x1024xf32> to vector<4x1024xf32>
    %add3A_202 = vector.broadcast %convert_element_type3A_40 : f32 to vector<4x1024xf32>
    %add3A_203 = arith.addf %slice3A_201, %add3A_202 : vector<4x1024xf32>
    %convert_element_type3A_204 = arith.fptosi %add3A_203 : vector<4x1024xf32> to vector<4x1024xi32>
    %swap3A = arith.constant 0 : index
    %swap3A_205 = arith.constant 0 : index
    %swap3A_206 = arith.constant 0 : index
    %swap3A_207 = arith.constant 0 : index
    %swap3A_208 = vector.load %arg5[%swap3A, %swap3A_205, %swap3A_206, %swap3A_207] : memref<1x1x4x1024xi32, #tpu.memory_space<vmem>>, vector<1x1x4x1024xi32>
    %swap3A_209 = vector.shape_cast %swap3A_208 : vector<1x1x4x1024xi32> to vector<4x1024xi32>
    %swap3A_210 = vector.shape_cast %convert_element_type3A_204 : vector<4x1024xi32> to vector<1x1x4x1024xi32>
    tpu.vector_store %arg5[%swap3A, %swap3A_205, %swap3A_206, %swap3A_207], %swap3A_210 {strides = array<i32>} : memref<1x1x4x1024xi32, #tpu.memory_space<vmem>>, vector<1x1x4x1024xi32>,
    %slice3A_211 = vector.extract_strided_slice %dot_general3A_200 {offsets = [4, 0], sizes = [4, 1024], strides = [1, 1]} : vector<8x1024xf32> to vector<4x1024xf32>
    %add3A_212 = vector.broadcast %convert_element_type3A_43 : f32 to vector<4x1024xf32>
    %add3A_213 = arith.addf %slice3A_211, %add3A_212 : vector<4x1024xf32>
    %convert_element_type3A_214 = arith.fptosi %add3A_213 : vector<4x1024xf32> to vector<4x1024xi32>
    %swap3A_215 = arith.constant 0 : index
    %swap3A_216 = arith.constant 0 : index
    %swap3A_217 = arith.constant 0 : index
    %swap3A_218 = arith.constant 0 : index
    %swap3A_219 = vector.load %arg4[%swap3A_215, %swap3A_216, %swap3A_217, %swap3A_218] : memref<1x1x4x1024xi32, #tpu.memory_space<vmem>>, vector<1x1x4x1024xi32>
    %swap3A_220 = vector.shape_cast %swap3A_219 : vector<1x1x4x1024xi32> to vector<4x1024xi32>
    %swap3A_221 = vector.shape_cast %convert_element_type3A_214 : vector<4x1024xi32> to vector<1x1x4x1024xi32>
    tpu.vector_store %arg4[%swap3A_215, %swap3A_216, %swap3A_217, %swap3A_218], %swap3A_221 {strides = array<i32>} : memref<1x1x4x1024xi32, #tpu.memory_space<vmem>>, vector<1x1x4x1024xi32>,
    %swap3A_222 = arith.constant 0 : index
    %swap3A_223 = arith.constant 0 : index
    %swap3A_224 = arith.constant 0 : index
    %swap3A_225 = arith.constant 0 : index
    %swap3A_226 = vector.load %arg6[%swap3A_222, %swap3A_223, %swap3A_224, %swap3A_225] : memref<1x1x1x64xf32, #tpu.memory_space<vmem>>, vector<1x1x1x64xf32>
    %swap3A_227 = vector.shape_cast %swap3A_226 : vector<1x1x1x64xf32> to vector<1x64xf32>
    %swap3A_228 = vector.shape_cast %add3A_190 : vector<1x64xf32> to vector<1x1x1x64xf32>
    tpu.vector_store %arg6[%swap3A_222, %swap3A_223, %swap3A_224, %swap3A_225], %swap3A_228 {strides = array<i32>} : memref<1x1x1x64xf32, #tpu.memory_space<vmem>>, vector<1x1x1x64xf32>,
    %swap3A_229 = arith.constant 0 : index
    %swap3A_230 = arith.constant 0 : index
    %swap3A_231 = arith.constant 0 : index
    %swap3A_232 = arith.constant 0 : index
    %swap3A_233 = vector.load %arg7[%swap3A_229, %swap3A_230, %swap3A_231, %swap3A_232] : memref<1x1x1x64xf32, #tpu.memory_space<vmem>>, vector<1x1x1x64xf32>
    %swap3A_234 = vector.shape_cast %swap3A_233 : vector<1x1x1x64xf32> to vector<1x64xf32>
    %swap3A_235 = vector.shape_cast %add3A_193 : vector<1x64xf32> to vector<1x1x1x64xf32>
    tpu.vector_store %arg7[%swap3A_229, %swap3A_230, %swap3A_231, %swap3A_232], %swap3A_235 {strides = array<i32>} : memref<1x1x1x64xf32, #tpu.memory_space<vmem>>, vector<1x1x1x64xf32>,
    return
  }
  func.func @transform_0(%arg0: i32, %arg1: i32) -> (i32, i32, i32) {
    %c0_i32 = arith.constant 0 : i32
    %c0_i32_0 = arith.constant 0 : i32
    %c0_i32_1 = arith.constant 0 : i32
    return %arg0, %c0_i32, %c0_i32_0 : i32, i32, i32
  }
  func.func @transform_1(%arg0: i32, %arg1: i32) -> (i32, i32, i32) {
    %c0_i32 = arith.constant 0 : i32
    %c0_i32_0 = arith.constant 0 : i32
    %c0_i32_1 = arith.constant 0 : i32
    return %arg1, %c0_i32, %c0_i32_0 : i32, i32, i32
  }
  func.func @transform_2(%arg0: i32, %arg1: i32) -> (i32, i32, i32, i32) {
    %c0_i32 = arith.constant 0 : i32
    %c0_i32_0 = arith.constant 0 : i32
    %c0_i32_1 = arith.constant 0 : i32
    return %arg0, %arg1, %c0_i32, %c0_i32_0 : i32, i32, i32, i32
  }
  func.func @transform_3(%arg0: i32, %arg1: i32) -> (i32, i32, i32, i32) {
    %c0_i32 = arith.constant 0 : i32
    %c0_i32_0 = arith.constant 0 : i32
    %c0_i32_1 = arith.constant 0 : i32
    return %arg0, %arg1, %c0_i32, %c0_i32_0 : i32, i32, i32, i32
  }
  func.func @transform_4(%arg0: i32, %arg1: i32) -> (i32, i32, i32, i32) {
    %c0_i32 = arith.constant 0 : i32
    %c0_i32_0 = arith.constant 0 : i32
    %c0_i32_1 = arith.constant 0 : i32
    return %arg0, %arg1, %c0_i32, %c0_i32_0 : i32, i32, i32, i32
  }
  func.func @transform_5(%arg0: i32, %arg1: i32) -> (i32, i32, i32, i32) {
    %c0_i32 = arith.constant 0 : i32
    %c0_i32_0 = arith.constant 0 : i32
    %c0_i32_1 = arith.constant 0 : i32
    return %arg0, %arg1, %c0_i32, %c0_i32_0 : i32, i32, i32, i32
  }
}

module attributes {stable_mosaic.version = 14 : i64} {
  func.func @_attn_kernel(%arg0: i32, %arg1: i32, %arg2: memref<2048x128xf32, #tpu.memory_space<vmem>>, %arg3: memref<1x64x128xf32, #tpu.memory_space<vmem>>, %arg4: memref<1x1x1x64xf32, #tpu.memory_space<vmem>>, %arg5: memref<1x1x1x64xf32, #tpu.memory_space<vmem>>, %arg6: memref<2048x128xf32, #tpu.memory_space<vmem>>, %arg7: memref<64x128xf32, #tpu.memory_space<vmem>>) attributes {dimension_semantics = [#tpu.dimension_semantics<arbitrary>, #tpu.dimension_semantics<arbitrary>], iteration_bounds = array<i64: 2, 16>, scalar_prefetch = 0 : i64, scratch_operands = 1 : i64, tpu.core_type = #tpu.core_type<tc>, window_params = [{transform_indices = @transform_0, window_bounds = array<i64: 2048, 128>}, {transform_indices = @transform_1, window_bounds = array<i64: 1, 64, 128>}, {transform_indices = @transform_2, window_bounds = array<i64: 1, 1, 1, 64>}, {transform_indices = @transform_3, window_bounds = array<i64: 1, 1, 1, 64>}, {transform_indices = @transform_4, window_bounds = array<i64: 2048, 128>}]} {
    %eq3A = arith.constant 0 : i32
    %eq3A_0 = arith.cmpi eq, %arg1, %eq3A : i32
    %convert_element_type3A = arith.extui %eq3A_0 : i1 to i32
    %cond3A = arith.constant 0 : i32
    %cond3A_1 = arith.cmpi ne, %convert_element_type3A, %cond3A : i32
    scf.if %cond3A_1 {
      %get3A_95 = arith.constant 0 : index
      %get3A_96 = arith.constant 0 : index
      %get3A_97 = arith.constant 0 : index
      %get3A_98 = vector.load %arg3[%get3A_95, %get3A_96, %get3A_97] : memref<1x64x128xf32, #tpu.memory_space<vmem>>, vector<1x64x128xf32>
      %get3A_99 = vector.shape_cast %get3A_98 : vector<1x64x128xf32> to vector<64x128xf32>
      %swap3A_100 = arith.constant 0 : index
      %swap3A_101 = arith.constant 0 : index
      %swap3A_102 = vector.load %arg7[%swap3A_100, %swap3A_101] : memref<64x128xf32, #tpu.memory_space<vmem>>, vector<64x128xf32>
      tpu.vector_store %arg7[%swap3A_100, %swap3A_101], %get3A_99 {strides = array<i32>} : memref<64x128xf32, #tpu.memory_space<vmem>>, vector<64x128xf32>,
    } else {
    }
    %get3A = arith.constant 0 : index
    %get3A_2 = arith.constant 0 : index
    %get3A_3 = vector.load %arg2[%get3A, %get3A_2] : memref<2048x128xf32, #tpu.memory_space<vmem>>, vector<2048x128xf32>
    %get3A_4 = arith.constant 0 : index
    %get3A_5 = arith.constant 0 : index
    %get3A_6 = vector.load %arg7[%get3A_4, %get3A_5] : memref<64x128xf32, #tpu.memory_space<vmem>>, vector<64x128xf32>
    %slice3A = vector.extract_strided_slice %get3A_3 {offsets = [0, 0], sizes = [1984, 128], strides = [1, 1]} : vector<2048x128xf32> to vector<1984x128xf32>
    %concatenate3A = tpu.concatenate %get3A_6, %slice3A in 0 : vector<64x128xf32>, vector<1984x128xf32> -> vector<2048x128xf32>
    %slice3A_7 = vector.extract_strided_slice %get3A_3 {offsets = [1984, 0], sizes = [64, 128], strides = [1, 1]} : vector<2048x128xf32> to vector<64x128xf32>
    %swap3A = arith.constant 0 : index
    %swap3A_8 = arith.constant 0 : index
    %swap3A_9 = vector.load %arg7[%swap3A, %swap3A_8] : memref<64x128xf32, #tpu.memory_space<vmem>>, vector<64x128xf32>
    tpu.vector_store %arg7[%swap3A, %swap3A_8], %slice3A_7 {strides = array<i32>} : memref<64x128xf32, #tpu.memory_space<vmem>>, vector<64x128xf32>,
    %reshape3A = vector.shape_cast %get3A_3 : vector<2048x128xf32> to vector<32x64x128xf32>
    %reshape3A_10 = vector.shape_cast %concatenate3A : vector<2048x128xf32> to vector<32x64x128xf32>
    %slice3A_11 = vector.extract_strided_slice %reshape3A {offsets = [0, 0, 0], sizes = [32, 64, 64], strides = [1, 1, 1]} : vector<32x64x128xf32> to vector<32x64x64xf32>
    %slice3A_12 = vector.extract_strided_slice %reshape3A {offsets = [0, 0, 0], sizes = [32, 64, 64], strides = [1, 1, 1]} : vector<32x64x128xf32> to vector<32x64x64xf32>
    %slice3A_13 = vector.extract_strided_slice %reshape3A_10 {offsets = [0, 0, 0], sizes = [32, 64, 64], strides = [1, 1, 1]} : vector<32x64x128xf32> to vector<32x64x64xf32>
    %concatenate3A_14 = tpu.concatenate %slice3A_12, %slice3A_13 in 1 : vector<32x64x64xf32>, vector<32x64x64xf32> -> vector<32x128x64xf32>
    %slice3A_15 = vector.extract_strided_slice %reshape3A {offsets = [0, 0, 64], sizes = [32, 64, 64], strides = [1, 1, 1]} : vector<32x64x128xf32> to vector<32x64x64xf32>
    %slice3A_16 = vector.extract_strided_slice %reshape3A_10 {offsets = [0, 0, 64], sizes = [32, 64, 64], strides = [1, 1, 1]} : vector<32x64x128xf32> to vector<32x64x64xf32>
    %concatenate3A_17 = tpu.concatenate %slice3A_15, %slice3A_16 in 1 : vector<32x64x64xf32>, vector<32x64x64xf32> -> vector<32x128x64xf32>
    %mul3A = arith.mulf %concatenate3A_14, %concatenate3A_14 : vector<32x128x64xf32>
    %reduce_sum3A = arith.constant dense<0.000000e+00> : vector<32x128xf32>
    %reduce_sum3A_18 = vector.multi_reduction <add>, %mul3A, %reduce_sum3A [2] : vector<32x128x64xf32> to vector<32x128xf32>
    %broadcast_in_dim3A = vector.shape_cast %reduce_sum3A_18 : vector<32x128xf32> to vector<32x128x1xf32>
    %sqrt3A = math.sqrt %broadcast_in_dim3A : vector<32x128x1xf32>
    %add3A = arith.constant 9.99999997E-7 : f32
    %add3A_19 = vector.broadcast %add3A : f32 to vector<32x128x1xf32>
    %add3A_20 = arith.addf %sqrt3A, %add3A_19 : vector<32x128x1xf32>
    %div3A = vector.broadcast %add3A_20 : vector<32x128x1xf32> to vector<32x128x64xf32>
    %div3A_21 = arith.divf %concatenate3A_14, %div3A : vector<32x128x64xf32>
    %dot_general3A = arith.constant dense<0.000000e+00> : vector<32x64x128xf32>
    %dot_general3A_22 = tpu.matmul %slice3A_11, %div3A_21, %dot_general3A {dimension_numbers = #tpu.dot_dimension_numbers<[2], [2], [1], [1], [0, 0, 0, 1, 1, 1], [0], [0]>, transpose_lhs_hint = false} : vector<32x64x64xf32>, vector<32x128x64xf32>, vector<32x64x128xf32> -> vector<32x64x128xf32>
    %mul3A_23 = arith.constant 1.250000e-01 : f32
    %mul3A_24 = vector.broadcast %mul3A_23 : f32 to vector<32x64x128xf32>
    %mul3A_25 = arith.mulf %dot_general3A_22, %mul3A_24 : vector<32x64x128xf32>
    %iota3A = tpu.iota {dimensions = array<i32: 1>} : vector<32x64x128xi32>
    %iota3A_26 = tpu.iota {dimensions = array<i32: 2>} : vector<32x64x128xi32>
    %eq3A_27 = arith.cmpi eq, %iota3A, %iota3A_26 : vector<32x64x128xi32>
    %iota3A_28 = tpu.iota {dimensions = array<i32: 0>} : vector<64x64xi32>
    %iota3A_29 = tpu.iota {dimensions = array<i32: 1>} : vector<64x64xi32>
    %eq3A_30 = arith.cmpi eq, %iota3A_28, %iota3A_29 : vector<64x64xi32>
    %convert_element_type3A_31 = arith.extui %eq3A_30 : vector<64x64xi1> to vector<64x64xi32>
    %convert_element_type3A_32 = arith.sitofp %convert_element_type3A_31 : vector<64x64xi32> to vector<64x64xf32>
    %get3A_33 = arith.constant 0 : index
    %get3A_34 = arith.constant 0 : index
    %get3A_35 = arith.constant 0 : index
    %get3A_36 = arith.constant 0 : index
    %get3A_37 = vector.load %arg4[%get3A_33, %get3A_34, %get3A_35, %get3A_36] : memref<1x1x1x64xf32, #tpu.memory_space<vmem>>, vector<1x1x1x64xf32>
    %get3A_38 = vector.shape_cast %get3A_37 : vector<1x1x1x64xf32> to vector<1x64xf32>
    %get3A_39 = arith.constant 0 : index
    %get3A_40 = arith.constant 0 : index
    %get3A_41 = arith.constant 0 : index
    %get3A_42 = arith.constant 0 : index
    %get3A_43 = vector.load %arg5[%get3A_39, %get3A_40, %get3A_41, %get3A_42] : memref<1x1x1x64xf32, #tpu.memory_space<vmem>>, vector<1x1x1x64xf32>
    %get3A_44 = vector.shape_cast %get3A_43 : vector<1x1x1x64xf32> to vector<1x64xf32>
    %dot_general3A_45 = arith.constant dense<0.000000e+00> : vector<64x1xf32>
    %dot_general3A_46 = tpu.matmul %convert_element_type3A_32, %get3A_38, %dot_general3A_45 {dimension_numbers = #tpu.dot_dimension_numbers<[1], [1], [0], [0], [0, 0, 1, 0], [], []>, precision = #tpu.contract_precision<fp32>, transpose_lhs_hint = false} : vector<64x64xf32>, vector<1x64xf32>, vector<64x1xf32> -> vector<64x1xf32>
    %broadcast_in_dim3A_47 = arith.constant -1.000000e+00 : f32
    %broadcast_in_dim3A_48 = vector.broadcast %broadcast_in_dim3A_47 : f32 to vector<1x64xf32>
    %concatenate3A_49 = tpu.concatenate %broadcast_in_dim3A_48, %get3A_44 in 1 : vector<1x64xf32>, vector<1x64xf32> -> vector<1x128xf32>
    %eq3A_50 = vector.broadcast %dot_general3A_46 : vector<64x1xf32> to vector<64x128xf32>
    %eq3A_51 = vector.broadcast %concatenate3A_49 : vector<1x128xf32> to vector<64x128xf32>
    %eq3A_52 = arith.cmpf oeq, %eq3A_50, %eq3A_51 : vector<64x128xf32>
    %iota3A_53 = tpu.iota {dimensions = array<i32: 0>} : vector<32x64x128xi32>
    %eq3A_54 = arith.constant 0 : i32
    %eq3A_55 = vector.broadcast %eq3A_54 : i32 to vector<32x64x128xi32>
    %eq3A_56 = arith.cmpi eq, %iota3A_53, %eq3A_55 : vector<32x64x128xi32>
    %broadcast_in_dim3A_57 = vector.shape_cast %eq3A_52 : vector<64x128xi1> to vector<1x64x128xi1>
    %and3A = vector.broadcast %broadcast_in_dim3A_57 : vector<1x64x128xi1> to vector<32x64x128xi1>
    %and3A_58 = arith.andi %eq3A_56, %and3A : vector<32x64x128xi1>
    %jit3A = arith.constant 2 : i32
    %eq3A_59 = arith.constant 0 : i32
    %eq3A_60 = arith.cmpi eq, %jit3A, %eq3A_59 : i32
    %jit3A_61 = arith.constant 1 : i32
    %select_n3A = arith.select %eq3A_60, %jit3A_61, %jit3A : i32
    %rem3A = arith.remsi %arg1, %select_n3A : i32
    %ne3A = arith.constant 0 : i32
    %ne3A_62 = arith.cmpi ne, %rem3A, %ne3A : i32
    %lt3A = arith.constant 0 : i32
    %lt3A_63 = arith.cmpi slt, %rem3A, %lt3A : i32
    %lt3A_64 = arith.constant 0 : i32
    %lt3A_65 = arith.cmpi slt, %select_n3A, %lt3A_64 : i32
    %ne3A_66 = arith.xori %lt3A_63, %lt3A_65 : i1
    %and3A_67 = arith.andi %ne3A_66, %ne3A_62 : i1
    %add3A_68 = arith.addi %rem3A, %select_n3A : i32
    %select_n3A_69 = arith.select %and3A_67, %add3A_68, %rem3A : i32
    %eq3A_70 = arith.constant 0 : i32
    %eq3A_71 = arith.cmpi eq, %select_n3A_69, %eq3A_70 : i32
    %and3A_72 = vector.broadcast %eq3A_71 : i1 to vector<32x64x128xi1>
    %and3A_73 = arith.andi %and3A_58, %and3A_72 : vector<32x64x128xi1>
    %or3A = arith.ori %eq3A_27, %and3A_73 : vector<32x64x128xi1>
    %jit3A_74 = arith.constant -1.000000e+05 : f32
    %broadcast_in_dim3A_75 = vector.broadcast %jit3A_74 : f32 to vector<32x64x128xf32>
    %select_n3A_76 = arith.select %or3A, %broadcast_in_dim3A_75, %mul3A_25 : vector<32x64x128xi1>, vector<32x64x128xf32>
    %reduce_max3A = arith.constant dense<0xFF800000> : vector<32x64xf32>
    %reduce_max3A_77 = vector.multi_reduction <maximumf>, %select_n3A_76, %reduce_max3A [2] : vector<32x64x128xf32> to vector<32x64xf32>
    %broadcast_in_dim3A_78 = vector.shape_cast %reduce_max3A_77 : vector<32x64xf32> to vector<32x64x1xf32>
    %sub3A = vector.broadcast %broadcast_in_dim3A_78 : vector<32x64x1xf32> to vector<32x64x128xf32>
    %sub3A_79 = arith.subf %select_n3A_76, %sub3A : vector<32x64x128xf32>
    %exp3A = math.exp %sub3A_79 : vector<32x64x128xf32>
    %reduce_sum3A_80 = arith.constant dense<0.000000e+00> : vector<32x64xf32>
    %reduce_sum3A_81 = vector.multi_reduction <add>, %exp3A, %reduce_sum3A_80 [2] : vector<32x64x128xf32> to vector<32x64xf32>
    %broadcast_in_dim3A_82 = vector.shape_cast %reduce_sum3A_81 : vector<32x64xf32> to vector<32x64x1xf32>
    %log3A = math.log %broadcast_in_dim3A_82 : vector<32x64x1xf32>
    %add3A_83 = arith.addf %broadcast_in_dim3A_78, %log3A : vector<32x64x1xf32>
    %div3A_84 = vector.broadcast %broadcast_in_dim3A_82 : vector<32x64x1xf32> to vector<32x64x128xf32>
    %div3A_85 = arith.divf %exp3A, %div3A_84 : vector<32x64x128xf32>
    %dot_general3A_86 = arith.constant dense<0.000000e+00> : vector<32x64x64xf32>
    %dot_general3A_87 = tpu.matmul %div3A_85, %concatenate3A_17, %dot_general3A_86 {dimension_numbers = #tpu.dot_dimension_numbers<[2], [1], [1], [2], [0, 0, 0, 1, 1, 2], [0], [0]>, transpose_lhs_hint = false} : vector<32x64x128xf32>, vector<32x128x64xf32>, vector<32x64x64xf32> -> vector<32x64x64xf32>
    %broadcast_in_dim3A_88 = vector.shape_cast %add3A_83 : vector<32x64x1xf32> to vector<32x64x1xf32>
    %broadcast_in_dim3A_89 = vector.broadcast %broadcast_in_dim3A_88 : vector<32x64x1xf32> to vector<32x64x64xf32>
    %concatenate3A_90 = tpu.concatenate %dot_general3A_87, %broadcast_in_dim3A_89 in 2 : vector<32x64x64xf32>, vector<32x64x64xf32> -> vector<32x64x128xf32>
    %reshape3A_91 = vector.shape_cast %concatenate3A_90 : vector<32x64x128xf32> to vector<2048x128xf32>
    %swap3A_92 = arith.constant 0 : index
    %swap3A_93 = arith.constant 0 : index
    %swap3A_94 = vector.load %arg6[%swap3A_92, %swap3A_93] : memref<2048x128xf32, #tpu.memory_space<vmem>>, vector<2048x128xf32>
    tpu.vector_store %arg6[%swap3A_92, %swap3A_93], %reshape3A_91 {strides = array<i32>} : memref<2048x128xf32, #tpu.memory_space<vmem>>, vector<2048x128xf32>,
    return
  }
  func.func @transform_0(%arg0: i32, %arg1: i32) -> (i32, i32) {
    %mul3A = arith.constant 16 : i32
    %mul3A_0 = arith.muli %arg0, %mul3A : i32
    %add3A = arith.addi %mul3A_0, %arg1 : i32
    %c0_i32 = arith.constant 0 : i32
    %c0_i32_1 = arith.constant 0 : i32
    return %add3A, %c0_i32 : i32, i32
  }
  func.func @transform_1(%arg0: i32, %arg1: i32) -> (i32, i32, i32) {
    %c0_i32 = arith.constant 0 : i32
    %c0_i32_0 = arith.constant 0 : i32
    %c0_i32_1 = arith.constant 0 : i32
    return %arg0, %c0_i32, %c0_i32_0 : i32, i32, i32
  }
  func.func @transform_2(%arg0: i32, %arg1: i32) -> (i32, i32, i32, i32) {
    %jit3A = arith.constant 2 : i32
    %div3A = arith.divsi %arg1, %jit3A : i32
    %sign3A = arith.constant 0 : i32
    %sign3A_0 = arith.cmpi sgt, %arg1, %sign3A : i32
    %sign3A_1 = arith.extui %sign3A_0 : i1 to i32
    %sign3A_2 = arith.constant 0 : i32
    %sign3A_3 = arith.cmpi slt, %arg1, %sign3A_2 : i32
    %sign3A_4 = arith.extui %sign3A_3 : i1 to i32
    %sign3A_5 = arith.subi %sign3A_1, %sign3A_4 : i32
    %sign3A_6 = arith.constant 0 : i32
    %sign3A_7 = arith.cmpi sgt, %jit3A, %sign3A_6 : i32
    %sign3A_8 = arith.extui %sign3A_7 : i1 to i32
    %sign3A_9 = arith.constant 0 : i32
    %sign3A_10 = arith.cmpi slt, %jit3A, %sign3A_9 : i32
    %sign3A_11 = arith.extui %sign3A_10 : i1 to i32
    %sign3A_12 = arith.subi %sign3A_8, %sign3A_11 : i32
    %ne3A = arith.cmpi ne, %sign3A_5, %sign3A_12 : i32
    %rem3A = arith.remsi %arg1, %jit3A : i32
    %ne3A_13 = arith.constant 0 : i32
    %ne3A_14 = arith.cmpi ne, %rem3A, %ne3A_13 : i32
    %and3A = arith.andi %ne3A, %ne3A_14 : i1
    %sub3A = arith.constant 1 : i32
    %sub3A_15 = arith.subi %div3A, %sub3A : i32
    %select_n3A = arith.select %and3A, %sub3A_15, %div3A : i32
    %c0_i32 = arith.constant 0 : i32
    %c0_i32_16 = arith.constant 0 : i32
    %c0_i32_17 = arith.constant 0 : i32
    return %arg0, %select_n3A, %c0_i32, %c0_i32_16 : i32, i32, i32, i32
  }
  func.func @transform_3(%arg0: i32, %arg1: i32) -> (i32, i32, i32, i32) {
    %jit3A = arith.constant 2 : i32
    %div3A = arith.divsi %arg1, %jit3A : i32
    %sign3A = arith.constant 0 : i32
    %sign3A_0 = arith.cmpi sgt, %arg1, %sign3A : i32
    %sign3A_1 = arith.extui %sign3A_0 : i1 to i32
    %sign3A_2 = arith.constant 0 : i32
    %sign3A_3 = arith.cmpi slt, %arg1, %sign3A_2 : i32
    %sign3A_4 = arith.extui %sign3A_3 : i1 to i32
    %sign3A_5 = arith.subi %sign3A_1, %sign3A_4 : i32
    %sign3A_6 = arith.constant 0 : i32
    %sign3A_7 = arith.cmpi sgt, %jit3A, %sign3A_6 : i32
    %sign3A_8 = arith.extui %sign3A_7 : i1 to i32
    %sign3A_9 = arith.constant 0 : i32
    %sign3A_10 = arith.cmpi slt, %jit3A, %sign3A_9 : i32
    %sign3A_11 = arith.extui %sign3A_10 : i1 to i32
    %sign3A_12 = arith.subi %sign3A_8, %sign3A_11 : i32
    %ne3A = arith.cmpi ne, %sign3A_5, %sign3A_12 : i32
    %rem3A = arith.remsi %arg1, %jit3A : i32
    %ne3A_13 = arith.constant 0 : i32
    %ne3A_14 = arith.cmpi ne, %rem3A, %ne3A_13 : i32
    %and3A = arith.andi %ne3A, %ne3A_14 : i1
    %sub3A = arith.constant 1 : i32
    %sub3A_15 = arith.subi %div3A, %sub3A : i32
    %select_n3A = arith.select %and3A, %sub3A_15, %div3A : i32
    %add3A = arith.constant 8 : i32
    %add3A_16 = arith.addi %select_n3A, %add3A : i32
    %sub3A_17 = arith.constant 1 : i32
    %sub3A_18 = arith.subi %add3A_16, %sub3A_17 : i32
    %jit3A_19 = arith.constant 8 : i32
    %eq3A = arith.constant 0 : i32
    %eq3A_20 = arith.cmpi eq, %jit3A_19, %eq3A : i32
    %jit3A_21 = arith.constant 1 : i32
    %select_n3A_22 = arith.select %eq3A_20, %jit3A_21, %jit3A_19 : i32
    %rem3A_23 = arith.remsi %sub3A_18, %select_n3A_22 : i32
    %ne3A_24 = arith.constant 0 : i32
    %ne3A_25 = arith.cmpi ne, %rem3A_23, %ne3A_24 : i32
    %lt3A = arith.constant 0 : i32
    %lt3A_26 = arith.cmpi slt, %rem3A_23, %lt3A : i32
    %lt3A_27 = arith.constant 0 : i32
    %lt3A_28 = arith.cmpi slt, %select_n3A_22, %lt3A_27 : i32
    %ne3A_29 = arith.xori %lt3A_26, %lt3A_28 : i1
    %and3A_30 = arith.andi %ne3A_29, %ne3A_25 : i1
    %add3A_31 = arith.addi %rem3A_23, %select_n3A_22 : i32
    %select_n3A_32 = arith.select %and3A_30, %add3A_31, %rem3A_23 : i32
    %c0_i32 = arith.constant 0 : i32
    %c0_i32_33 = arith.constant 0 : i32
    %c0_i32_34 = arith.constant 0 : i32
    return %arg0, %select_n3A_32, %c0_i32, %c0_i32_33 : i32, i32, i32, i32
  }
  func.func @transform_4(%arg0: i32, %arg1: i32) -> (i32, i32) {
    %mul3A = arith.constant 16 : i32
    %mul3A_0 = arith.muli %arg0, %mul3A : i32
    %add3A = arith.addi %mul3A_0, %arg1 : i32
    %c0_i32 = arith.constant 0 : i32
    %c0_i32_1 = arith.constant 0 : i32
    return %add3A, %c0_i32 : i32, i32
  }
}

module attributes {stable_mosaic.version = 14 : i64} {
  func.func @_combine_kernel(%arg0: i32, %arg1: i32, %arg2: memref<8x512x128xf32, #tpu.memory_space<vmem>>, %arg3: memref<1x512x64xf32, #tpu.memory_space<vmem>>) attributes {dimension_semantics = [#tpu.dimension_semantics<arbitrary>, #tpu.dimension_semantics<arbitrary>], iteration_bounds = array<i64: 2, 8>, scalar_prefetch = 0 : i64, scratch_operands = 0 : i64, tpu.core_type = #tpu.core_type<tc>, window_params = [{transform_indices = @transform_0, window_bounds = array<i64: 8, 512, 128>}, {transform_indices = @transform_1, window_bounds = array<i64: 1, 512, 64>}]} {
    %get3A = arith.constant 0 : index
    %get3A_0 = arith.constant 0 : index
    %get3A_1 = arith.constant 0 : index
    %get3A_2 = vector.load %arg2[%get3A, %get3A_0, %get3A_1] : memref<8x512x128xf32, #tpu.memory_space<vmem>>, vector<8x512x64xf32>
    %get3A_3 = arith.constant 0 : index
    %get3A_4 = arith.constant 0 : index
    %get3A_5 = arith.constant 64 : index
    %get3A_6 = vector.load %arg2[%get3A_3, %get3A_4, %get3A_5] : memref<8x512x128xf32, #tpu.memory_space<vmem>>, vector<8x512x64xf32>
    %reduce_max3A = arith.constant dense<0xFF800000> : vector<8x512xf32>
    %reduce_max3A_7 = vector.multi_reduction <maximumf>, %get3A_6, %reduce_max3A [2] : vector<8x512x64xf32> to vector<8x512xf32>
    %broadcast_in_dim3A = vector.shape_cast %reduce_max3A_7 : vector<8x512xf32> to vector<8x512x1xf32>
    %reduce_max3A_8 = arith.constant dense<0xFF800000> : vector<512x1xf32>
    %reduce_max3A_9 = vector.multi_reduction <maximumf>, %broadcast_in_dim3A, %reduce_max3A_8 [0] : vector<8x512x1xf32> to vector<512x1xf32>
    %broadcast_in_dim3A_10 = vector.shape_cast %reduce_max3A_9 : vector<512x1xf32> to vector<1x512x1xf32>
    %sub3A = vector.broadcast %broadcast_in_dim3A_10 : vector<1x512x1xf32> to vector<8x512x1xf32>
    %sub3A_11 = arith.subf %broadcast_in_dim3A, %sub3A : vector<8x512x1xf32>
    %exp3A = math.exp %sub3A_11 : vector<8x512x1xf32>
    %reduce_sum3A = arith.constant dense<0.000000e+00> : vector<512x1xf32>
    %reduce_sum3A_12 = vector.multi_reduction <add>, %exp3A, %reduce_sum3A [0] : vector<8x512x1xf32> to vector<512x1xf32>
    %broadcast_in_dim3A_13 = vector.shape_cast %reduce_sum3A_12 : vector<512x1xf32> to vector<1x512x1xf32>
    %div3A = vector.broadcast %broadcast_in_dim3A_13 : vector<1x512x1xf32> to vector<8x512x1xf32>
    %div3A_14 = arith.divf %exp3A, %div3A : vector<8x512x1xf32>
    %mul3A = vector.broadcast %div3A_14 : vector<8x512x1xf32> to vector<8x512x64xf32>
    %mul3A_15 = arith.mulf %get3A_2, %mul3A : vector<8x512x64xf32>
    %reduce_sum3A_16 = arith.constant dense<0.000000e+00> : vector<512x64xf32>
    %reduce_sum3A_17 = vector.multi_reduction <add>, %mul3A_15, %reduce_sum3A_16 [0] : vector<8x512x64xf32> to vector<512x64xf32>
    %swap3A = arith.constant 0 : index
    %swap3A_18 = arith.constant 0 : index
    %swap3A_19 = arith.constant 0 : index
    %swap3A_20 = vector.load %arg3[%swap3A, %swap3A_18, %swap3A_19] : memref<1x512x64xf32, #tpu.memory_space<vmem>>, vector<1x512x64xf32>
    %swap3A_21 = vector.shape_cast %swap3A_20 : vector<1x512x64xf32> to vector<512x64xf32>
    %swap3A_22 = vector.shape_cast %reduce_sum3A_17 : vector<512x64xf32> to vector<1x512x64xf32>
    tpu.vector_store %arg3[%swap3A, %swap3A_18, %swap3A_19], %swap3A_22 {strides = array<i32>} : memref<1x512x64xf32, #tpu.memory_space<vmem>>, vector<1x512x64xf32>,
    return
  }
  func.func @transform_0(%arg0: i32, %arg1: i32) -> (i32, i32, i32) {
    %c0_i32 = arith.constant 0 : i32
    %c0_i32_0 = arith.constant 0 : i32
    return %arg0, %arg1, %c0_i32 : i32, i32, i32
  }
  func.func @transform_1(%arg0: i32, %arg1: i32) -> (i32, i32, i32) {
    %c0_i32 = arith.constant 0 : i32
    %c0_i32_0 = arith.constant 0 : i32
    return %arg0, %arg1, %c0_i32 : i32, i32, i32
  }
}

</mosaic_0001>

<sc_bundles>
// kernel: kernel.10.cloned.1.call-start
scs
__scs_entry_jumppad:
0x0: {  	(pc) =	sbr.rel $0x88, $3  }
0x1: {  	(tag) =	ssettag $0x0;
	lr =	simm.s32 $0x1  }
0x2: {  	[smem:$0x3F9E] =	sst lr;
	_ =	strace $0xD0000000  }
0x3: {  	_ = 	snop  }
0x4: {  	_ = 	snop  }
0x5: {  	_ = 	snop  }
0x6: {  	_ = 	snop  }
0x7: {  	_ = 	snop  }
__scs_overlays_trampoline_lowered:
0x8: {  	[smem:$0x3FAD] =	sst s0  }
0x9: {  	[smem:$0x3FAE] =	sst s1  }
0xa: {  	[smem:$0x3FAF] =	sst s2  }
0xb: {  	[smem:$0x3FB0] =	sst s3  }
0xc: {  	[smem:$0x3FB1] =	sst s4  }
0xd: {  	[smem:$0x3FB2] =	sst s5  }
0xe: {  	[smem:$0x3FB3] =	sst s6  }
0xf: {  	[smem:$0x3FB4] =	sst s7  }
0x10: {  	[smem:$0x3FB5] =	sst s8  }
0x11: {  	[smem:$0x3FB6] =	sst s9;
	s0 =	simm.s32 @!p0 $0x0  }
0x12: {  	s1 =	sld [smem:$0x3F9C];
	s0 =	simm.s32 @p0 $0x1  }
0x13: {  	[smem:$0x3FB7] =	sst s0;
	s0 =	simm.s32 @!p1 $0x0  }
0x14: {  	s2 =	sld [smem:$0x3F9B];
	s0 =	simm.s32 @p1 $0x1  }
0x15: {  	[smem:$0x3FB8] =	sst s0;
	s0 =	simm.s32 @!p2 $0x0  }
0x16: {  	s3 =	sld [smem:$0x3FDB];
	s0 =	simm.s32 @p2 $0x1  }
0x17: {  	s4 =	simm.s32 $0x1BF5;
	[smem:$0x3FBA] =	sst s0  }
0x18: {  	s0 =	sld [smem:$0x3F9D];
	_ =	swait.ge [sflag:s4], $0x0  }
0x19: {  	s7 =	sld [smem:$0x3F9E]  }
0x1a: {  	s8 =	sadd.s32 $0xFFFFE003, lr  }
0x1b: {  	s9 =	sadd.s32 $0xFFFFFEF7, lr;
	s5 =	simm.s32 $0xFFFFFFFF;
	p2 =	slt.u32 s8, $0xFFFFF086  }
0x1c: {  	p1 =	slt.u32 s9, $0xF7A;
	s5 =	simm.s32 @!p2 $0x0  }
0x1d: {  	s5 =	simm.s32 @p1 $0x1;
	p0 =	seq.s32 s7, s2  }
0x1e: {  	s7 =	smul.u32 @!p0 $0xF7A, s2;
	p2 =	seq.s32 @!p0 s5, $0x0  }
0x1f: {  	s9 =	smul.u32 $0xF7A, s1;
	s8 =	simm.s32 @!p0 $0x1BF5;
	p2 =	por !p2, p0  }
0x20: {  	[sflag:s8] =	ssyncset.s32 @!p0 $0xFFFFF086;
	s6 =	sadd.s32 @!p0 s3, s7;
	s7 =	simm.s32 @!p0 $0x108  }
0x21: {  	s3 =	sadd.s32 s3, s9;
	s6 =	sadd.s32 @!p0 $0x88, s6;
	s7 =	simm.s32 @p2 $0x1082  }
0x22: {  	[simem:s7], [sflag:s8] =	dma.local @!p0 [hbm:s6], $0xF7A  }
0x23: {  	s9 =	sor.u32 $0xD0000000, s2;
	s6 =	simm.s32 $0x108;
	_ =	swait.ge @!p0 [sflag:s8], $0x0  }
0x24: {  	s3 =	sadd.s32 $0x88, s3;
	s6 =	simm.s32 @!p1 $0x1082;
	[sflag:s4] =	ssyncset.s32 $0xFFFFF086  }
0x25: {  	[simem:s6], [sflag:s4] =	dma.local [hbm:s3], $0xF7A  }
0x26: {  	[smem:$0x3F9E] =	sst s1;
	(tag) =	ssettag s2;
	_ =	strace s9  }
0x27: {  	s1 =	sld [smem:$0x3FAE]  }
0x28: {  	s2 =	sld [smem:$0x3FAF]  }
0x29: {  	s4 =	sld [smem:$0x3FB1]  }
0x2a: {  	p0 =	seq.s32 s5, $0x0;
	s5 =	sld [smem:$0x3FB2]  }
0x2b: {  	s6 =	sld [smem:$0x3FB3]  }
0x2c: {  	s7 =	sld [smem:$0x3FB4]  }
0x2d: {  	s3 =	simm.s32 $0x108;
	s8 =	sld [smem:$0x3FB5]  }
0x2e: {  	s3 =	simm.s32 @!p0 $0x1082;
	s9 =	sld [smem:$0x3FB6]  }
0x2f: {  	lr =	sadd.s32 s0, s3;
	s0 =	sld [smem:$0x3FAD]  }
0x30: {  	s3 =	sld [smem:$0x3FB0]  }
0x31: {  	[smem:$0x3FB9] =	sst s10  }
0x32: {  	s10 =	sld [smem:$0x3FB7];
	_ =	sdelay $0x3  }
0x33: {  	p0 =	seq.s32 s10, $0x1;
	s10 =	sld [smem:$0x3FB9];
	_ =	sdelay $0x3  }
0x34: {  	[smem:$0x3FB9] =	sst s10  }
0x35: {  	s10 =	sld [smem:$0x3FB8];
	_ =	sdelay $0x3  }
0x36: {  	p1 =	seq.s32 s10, $0x1;
	s10 =	sld [smem:$0x3FB9];
	_ =	sdelay $0x3  }
0x37: {  	[smem:$0x3FB9] =	sst s10  }
0x38: {  	s10 =	sld [smem:$0x3FBA]  }
0x39: {  	_ = 	snop;
	(pc) =	sbr.ind lr, $3  }
0x3a: {  	_ = 	snop  }
0x3b: {  	_ = 	snop  }
0x3c: {  	p2 =	seq.s32 s10, $0x1;
	s10 =	sld [smem:$0x3FB9]  }
0x3d: {  	_ =	shalt  }
0x3e: {  	_ =	shalt  }
0x3f: {  	_ =	shalt  }
0x40: {  	_ =	shalt  }
0x41: {  	_ =	shalt  }
0x42: {  	_ =	shalt  }
0x43: {  	_ =	shalt  }
0x44: {  	_ =	shalt  }
0x45: {  	_ =	shalt  }
0x46: {  	_ =	shalt  }
0x47: {  	_ =	shalt  }
0x48: {  	_ =	shalt  }
0x49: {  	_ =	shalt  }
0x4a: {  	_ =	shalt  }
0x4b: {  	_ =	shalt  }
0x4c: {  	_ =	shalt  }
0x4d: {  	_ =	shalt  }
0x4e: {  	_ =	shalt  }
0x4f: {  	_ =	shalt  }
0x50: {  	_ =	shalt  }
0x51: {  	_ =	shalt  }
0x52: {  	_ =	shalt  }
0x53: {  	_ =	shalt  }
0x54: {  	_ =	shalt  }
0x55: {  	_ =	shalt  }
0x56: {  	_ =	shalt  }
0x57: {  	_ =	shalt  }
0x58: {  	_ =	shalt  }
0x59: {  	_ =	shalt  }
0x5a: {  	_ =	shalt  }
0x5b: {  	_ =	shalt  }
0x5c: {  	_ =	shalt  }
0x5d: {  	_ =	shalt  }
0x5e: {  	_ =	shalt  }
0x5f: {  	_ =	shalt  }
0x60: {  	_ =	shalt  }
0x61: {  	_ =	shalt  }
0x62: {  	_ =	shalt  }
0x63: {  	_ =	shalt  }
0x64: {  	_ =	shalt  }
0x65: {  	_ =	shalt  }
0x66: {  	_ =	shalt  }
0x67: {  	_ =	shalt  }
0x68: {  	_ =	shalt  }
0x69: {  	_ =	shalt  }
0x6a: {  	_ =	shalt  }
0x6b: {  	_ =	shalt  }
0x6c: {  	_ =	shalt  }
0x6d: {  	_ =	shalt  }
0x6e: {  	_ =	shalt  }
0x6f: {  	_ =	shalt  }
0x70: {  	_ =	shalt  }
0x71: {  	_ =	shalt  }
0x72: {  	_ =	shalt  }
0x73: {  	_ =	shalt  }
0x74: {  	_ =	shalt  }
0x75: {  	_ =	shalt  }
0x76: {  	_ =	shalt  }
0x77: {  	_ =	shalt  }
0x78: {  	_ =	shalt  }
0x79: {  	_ =	shalt  }
0x7a: {  	_ =	shalt  }
0x7b: {  	_ =	shalt  }
0x7c: {  	_ =	shalt  }
0x7d: {  	_ =	shalt  }
0x7e: {  	_ =	shalt  }
0x7f: {  	_ =	shalt  }
0x80: {  	_ =	shalt  }
0x81: {  	_ =	shalt  }
0x82: {  	_ =	shalt  }
0x83: {  	_ =	shalt  }
0x84: {  	_ =	shalt  }
0x85: {  	_ =	shalt  }
0x86: {  	_ =	shalt  }
0x87: {  	_ =	shalt  }
.Lfunc_end0:
.L_simem_size_0:
called_computation.1_lowered:
.L_overlay_start_0:
0x88: {  	s2 =	sld [smem:$0x3FD9]  }
0x89: {  	s3 =	sld [smem:$0x3FFE];
	_ =	sdelay $0x1  }
0x8a: {  	s1 =	srdreg.scid  }
0x8b: {  	s0 =	sand.u32 $0x1, s1  }
0x8c: {  	s14 =	sshll.u32 s0, $0xA;
	s2 =	sadd.s32 s3, s2  }
0x8d: {  	s2 =	sadd.s32 s2, s14  }
0x8e: {  	[smem:$0x3FC5] =	sst s2  }
0x8f: {  	_ = 	snop  }
0x90: {  	s2 =	sld [smem:$0x3FD0];
	_ =	sdelay $0x2  }
0x91: {  	s15 =	simm.s32 $0xA;
	s4 =	simm.s32 $0x10  }
0x92: {  	[smem:s4], [sflag:s15] =	dma.local [hbm:s2], $0x1  }
0x93: {  	_ =	swait.eq [sflag:s15], $0x1  }
0x94: {  	[sflag:s15] =	ssyncset.done $0x0  }
0x95: {  	[sflag:s15] =	ssyncadd.s32 $0xFFFFFFFF  }
0x96: {  	s16 =	sld [smem:$0x10];
	(tm) =	ssettm $0x1  }
0x97: {  	s17 =	sld [smem:$0x3FFB];
	_ =	sdelay $0x3  }
0x98: {  	_ =	strace s17  }
0x99: {  	s3 =	sld [smem:$0x3FFC];
	_ =	sdelay $0x3  }
0x9a: {  	_ =	strace s3  }
0x9b: {  	s3 =	sld [smem:$0x3FFD];
	_ =	sdelay $0x3  }
0x9c: {  	_ =	strace s3  }
0x9d: {  	_ =	strace $0x8FFFFFFF  }
0x9e: {  	s18 =	sld [smem:$0x3FDB];
	_ =	sdelay $0x1  }
0x9f: {  	s19 =	simm.s32 $_scs_section_size  }
0xa0: {  	s5 =	simm.s32 $_size__tile_overlayer_lowered;
	s6 =	simm.s32 $_tile_overlayer_lowered  }
0xa1: {  	s22 =	simm.s32 $0x1BFF;
	s21 =	sshll.u32 s6, $0x1;
	s3 =	sadd.s32 s19, s18  }
0xa2: {  	s7 =	simm.s32 $0x0;
	s20 =	sshll.u32 s5, $0x1;
	s5 =	sadd.s32 s21, s3  }
0xa3: {  	[timem:s7], [sflag:s22] =	dma.local [hbm:s5], s20  }
0xa4: {  	_ =	swait.ge [sflag:s22], s20  }
0xa5: {  	s4 =	ssub.s32 $0x0, s20;
	[sflag:s22] =	ssyncset.done $0x0  }
0xa6: {  	[sflag:s22] =	ssyncadd.s32 s4;
	_ =	sdelay $0x1  }
0xa7: {  	s23 =	simm.s32 $0x1B8B  }
0xa8: {  	_ =	swait.ge [sflag:s23], $0x1  }
0xa9: {  	[sflag:s23] =	ssyncset.done $0x0  }
0xaa: {  	s25 =	simm.s32 $0x1B8E;
	s24 =	sld [smem:$0x3FFE];
	[sflag:s23] =	ssyncadd.s32 $0xFFFFFFFF  }
0xab: {  	s26 =	simm.s32 $execute0_lowered;
	[smem:$0x3FD2] =	sst s25  }
0xac: {  	s5 =	sshll.u32 s26, $0x1;
	_ =	strace $0x80000049;
	[dreg:$0x1] =	wrdreg $0xFFFFFFFF  }
0xad: {  	s28 =	simm.s32 $_size_execute0_lowered;
	s3 =	sadd.s32 s3, s5;
	[dreg:$0x0] =	wrdreg $0x0  }
0xae: {  	s5 =	sshll.u32 s28, $0x1;
	[dreg:$0x2] =	wrdreg s3  }
0xaf: {  	[dreg:$0x3] =	wrdreg s5  }
0xb0: {  	[dreg:$0x4] =	wrdreg $0xC0  }
0xb1: {  	_ =	task [dreg:s7], $0x5FFFF  }
0xb2: {  	[dreg:$0x1] =	wrdreg $0xFFFFFFFF  }
0xb3: {  	[dreg:$0x0] =	wrdreg $0x60  }
0xb4: {  	[dreg:$0x2] =	wrdreg s24  }
0xb5: {  	[dreg:$0x3] =	wrdreg s16  }
0xb6: {  	[dreg:$0x4] =	wrdreg $0x9  }
0xb7: {  	_ =	task.clear_ibuf [dreg:s7], $0x5FFFF;
	_ =	strace $0x90000049  }
0xb8: {  	s29 =	simm.s32 $0x9;
	_ =	strace $0x8000004B  }
0xb9: {  	_ =	swait.ge [sflag:s29], $0x1  }
0xba: {  	[sflag:s29] =	ssyncadd.s32 $0xFFFFFFFF  }
0xbb: {  	_ =	strace $0x9000004B  }
0xbc: {  	_ =	sfence  }
0xbd: {  	s30 =	sld [smem:$0x0];
	_ =	sdelay $0x2  }
0xbe: {  	s31 =	sshll.u32 s1, $0xD;
	s1 =	sshrl.u32 s1, $0x2  }
0xbf: {  	s3 =	sand.u32 $0x4000, s31;
	s1 =	sadd.s32 s1, s30  }
0xc0: {  	s0 =	sor.u32 s3, s0;
	s1 =	sshll.u32 s1, $0x11  }
0xc1: {  	s0 =	sor.u32 s1, s0  }
0xc2: {  	s0 =	sadd.s32 $0x8F2B, s0  }
0xc3: {  	[sflag:s0] =	ssyncadd.remote.s32 $0x1  }
0xc4: {  	_ =	sfence.sel $0xFFFF  }
0xc5: {  	[dreg:$0x0] =	wrdreg $0xFFFFFFFF;
	(pc) =	sbr.abs _section_cstart, $3  }
0xc6: {  	[dreg:$0x1] =	wrdreg $0xFFFFFFFF  }
0xc7: {  	_ =	task.clear_ibuf [dreg:s7], $0x2FFFF;
	_ =	strace $0x9FFFFFFF  }
0xc8: {  	(tm) =	ssettm $0x7FFFFFFF  }
0xc9: {  	_ =	shalt  }
tec
execute0_lowered:
.L_overlay_start_1:
0x0: {  	(tag) =	ssettag $0x1  }
0x1: {  	s0 =	srdreg.scid  }
0x2: {  	s1 =	stileid.u32;
	s3 =	sand.u32 $0x1, s0  }
0x3: {  	s0 =	sor.u32 s3, s1  }
0x4: {  	p1 =	seq.s32 s3, $0x1;
	p0 =	seq.s32 s0, $0x0  }
0x5: {  	p0 =	por !p0, !p1  }
0x6: {  	s0 =	simm.s32 $0x1;
	p0 =	por !p0, !p0  }
0x7: {  	s4 =	rddreg [dreg:$0x0];
	s0 =	simm.s32 @!p0 $0x0  }
0x8: {  	s30 =	rddreg [dreg:$0x1];
	s2 =	simm.s32 $0x0;
	s0 =	ssub.s32 s1, s0  }
0x9: {  	[dreg:$0xe] =	wrdreg s3;
	s3 =	sshll.u32 s3, $0xB;
	s0 =	sshll.u32 s0, $0xC  }
0xa: {  	[smem:$0x7FF] =	sst s2;
	s0 =	sor.u32 s3, s0  }
0xb: {  	s31 =	sadd.s32 $0xE00, s4;
	_ =	strace $0x8000004A;
	s3 =	sshrl.u32 s0, $0x3  }
0xc: {  	s5 =	sshll.u32 s0, $0x4;
	s1 =	sor.u32 $0x80, s0;
	s12 =	sor.u32 $0x180, s0  }
0xd: {  	s16 =	sor.u32 $0x200, s0;
	s3 =	sadd.s32 s30, s3;
	s5 =	sand.u32 $0x1FFF8000, s5  }
0xe: {  	s6 =	sshrl.u32 s1, $0x3;
	s13 =	sshrl.u32 s12, $0x3;
	s17 =	sshrl.u32 s16, $0x3  }
0xf: {  	[dreg:$0x3] =	wrdreg s3;
	s26 =	sadd.s32 s31, s5;
	s5 =	sshll.u32 s1, $0x4  }
0x10: {  	s3 =	sadd.s32 s30, s6;
	s6 =	sor.u32 $0x100, s0;
	[dreg:$0x4] =	wrdreg s26  }
0x11: {  	s14 =	sadd.s32 s30, s13;
	s5 =	sand.u32 $0x1FFF8800, s5;
	[dreg:$0x5] =	wrdreg s3  }
0x12: {  	s8 =	sshrl.u32 s6, $0x3;
	s10 =	sshll.u32 s6, $0x4;
	[dreg:$0x9] =	wrdreg s14  }
0x13: {  	s18 =	rddreg [dreg:$0x3];
	s7 =	sadd.s32 s31, s5;
	s9 =	sadd.s32 s30, s8  }
0x14: {  	[tilespmem:s2], [sflag:$0x1] =	stream.linear.gather [hbm4b:s18+s2], $0x80, $0x38;
	[tilespmem:$0x8100] =	vst v63  }
0x15: {  	s11 =	sand.u32 $0x1FFF9000, s10;
	s5 =	sshll.u32 s12, $0x4;
	[dreg:$0x6] =	wrdreg s7  }
0x16: {  	[dreg:$0x7] =	wrdreg s9;
	s3 =	sadd.s32 s31, s11;
	s5 =	sand.u32 $0x1FFF9800, s5  }
0x17: {  	[dreg:$0x8] =	wrdreg s3;
	s15 =	sadd.s32 s31, s5;
	s5 =	sshll.u32 s16, $0x4  }
0x18: {  	s3 =	sadd.s32 s30, s17;
	[dreg:$0xa] =	wrdreg s15;
	s5 =	sand.u32 $0x1FFFA000, s5  }
0x19: {  	[dreg:$0xb] =	wrdreg s3;
	s5 =	sadd.s32 s31, s5  }
0x1a: {  	s3 =	simm.s32 $0x1;
	[dreg:$0xc] =	wrdreg s5  }
0x1b: {  	_ =	swait.ge [sflag:s3], $0x80  }
0x1c: {  	s4 =	sadd.s32 $0x120E00, s4;
	[sflag:s3] =	ssyncset.done $0x0  }
0x1d: {  	s6 =	simm.s32 $0x100;
	s5 =	simm.s32 $0x80;
	[sflag:s3] =	ssyncadd.s32 $0xFFFFFF80  }
0x1e: {  	[tilespmem:s6], [sflag:$0x1] =	stream.indirect.gather [hbm4b:s4+s5], $0x80, s2, s5, $0xb8;
	[tilespmem:$0x8100] =	vst v63  }
0x1f: {  	_ =	swait.ge [sflag:s3], $0x4000  }
0x20: {  	[sflag:s3] =	ssyncset.done $0x0  }
0x21: {  	s7 =	rddreg [dreg:$0x4];
	[sflag:s3] =	ssyncadd.s32 $0xFFFFC000  }
0x22: {  	[hbm4b:s7+s2] =	stream.linear.scatter [tilespmem:s6], [sflag:$0x2], $0x4000, $0x38;
	[tilespmem:$0x8100] =	vst v63  }
0x23: {  	s8 =	rddreg [dreg:$0x5]  }
0x24: {  	[tilespmem:s5], [sflag:$0x1] =	stream.linear.gather [hbm4b:s8+s2], $0x80, $0x38;
	[tilespmem:$0x8100] =	vst v63  }
0x25: {  	_ =	swait.ge [sflag:s3], $0x80  }
0x26: {  	[sflag:s3] =	ssyncset.done $0x0  }
0x27: {  	s7 =	simm.s32 $0x4100;
	[sflag:s3] =	ssyncadd.s32 $0xFFFFFF80  }
0x28: {  	[tilespmem:s7], [sflag:$0x1] =	stream.indirect.gather [hbm4b:s4+s5], $0x80, s5, s5, $0xb8;
	[tilespmem:$0x8100] =	vst v63  }
0x29: {  	_ =	swait.ge [sflag:s3], $0x4000  }
0x2a: {  	[sflag:s3] =	ssyncset.done $0x0  }
0x2b: {  	s8 =	simm.s32 $0x2;
	s9 =	rddreg [dreg:$0x6];
	[sflag:s3] =	ssyncadd.s32 $0xFFFFC000  }
0x2c: {  	[hbm4b:s9+s2] =	stream.linear.scatter [tilespmem:s7], [sflag:$0x2], $0x4000, $0x38;
	[tilespmem:$0x8100] =	vst v63  }
0x2d: {  	_ =	swait.ge [sflag:s8], $0x4000  }
0x2e: {  	[sflag:s8] =	ssyncset.done $0x0  }
0x2f: {  	s19 =	rddreg [dreg:$0x7];
	[sflag:s8] =	ssyncadd.s32 $0xFFFFC000  }
0x30: {  	[tilespmem:s2], [sflag:$0x1] =	stream.linear.gather [hbm4b:s19+s2], $0x80, $0x38;
	[tilespmem:$0x8100] =	vst v63  }
0x31: {  	_ =	swait.ge [sflag:s3], $0x80  }
0x32: {  	[sflag:s3] =	ssyncset.done $0x0  }
0x33: {  	[sflag:s3] =	ssyncadd.s32 $0xFFFFFF80  }
0x34: {  	[tilespmem:s6], [sflag:$0x1] =	stream.indirect.gather [hbm4b:s4+s5], $0x80, s2, s5, $0xb8;
	[tilespmem:$0x8100] =	vst v63  }
0x35: {  	_ =	swait.ge [sflag:s3], $0x4000  }
0x36: {  	[sflag:s3] =	ssyncset.done $0x0  }
0x37: {  	s20 =	rddreg [dreg:$0x8];
	[sflag:s3] =	ssyncadd.s32 $0xFFFFC000  }
0x38: {  	[hbm4b:s20+s2] =	stream.linear.scatter [tilespmem:s6], [sflag:$0x2], $0x4000, $0x38;
	[tilespmem:$0x8100] =	vst v63  }
0x39: {  	_ =	swait.ge [sflag:s8], $0x4000  }
0x3a: {  	[sflag:s8] =	ssyncset.done $0x0  }
0x3b: {  	s21 =	rddreg [dreg:$0x9];
	[sflag:s8] =	ssyncadd.s32 $0xFFFFC000  }
0x3c: {  	[tilespmem:s5], [sflag:$0x1] =	stream.linear.gather [hbm4b:s21+s2], $0x80, $0x38;
	[tilespmem:$0x8100] =	vst v63  }
0x3d: {  	_ =	swait.ge [sflag:s3], $0x80  }
0x3e: {  	[sflag:s3] =	ssyncset.done $0x0  }
0x3f: {  	[sflag:s3] =	ssyncadd.s32 $0xFFFFFF80  }
0x40: {  	[tilespmem:s7], [sflag:$0x1] =	stream.indirect.gather [hbm4b:s4+s5], $0x80, s5, s5, $0xb8;
	[tilespmem:$0x8100] =	vst v63  }
0x41: {  	_ =	swait.ge [sflag:s3], $0x4000  }
0x42: {  	[sflag:s3] =	ssyncset.done $0x0  }
0x43: {  	s22 =	rddreg [dreg:$0xa];
	[sflag:s3] =	ssyncadd.s32 $0xFFFFC000  }
0x44: {  	[hbm4b:s22+s2] =	stream.linear.scatter [tilespmem:s7], [sflag:$0x2], $0x4000, $0x38;
	[tilespmem:$0x8100] =	vst v63  }
0x45: {  	_ =	swait.ge [sflag:s8], $0x4000  }
0x46: {  	[sflag:s8] =	ssyncset.done $0x0  }
0x47: {  	s23 =	rddreg [dreg:$0xb];
	[sflag:s8] =	ssyncadd.s32 $0xFFFFC000  }
0x48: {  	[tilespmem:s2], [sflag:$0x1] =	stream.linear.gather [hbm4b:s23+s2], $0x80, $0x38;
	[tilespmem:$0x8100] =	vst v63  }
0x49: {  	_ =	swait.ge [sflag:s3], $0x80  }
0x4a: {  	[sflag:s3] =	ssyncset.done $0x0  }
0x4b: {  	[sflag:s3] =	ssyncadd.s32 $0xFFFFFF80  }
0x4c: {  	[tilespmem:s6], [sflag:$0x1] =	stream.indirect.gather [hbm4b:s4+s5], $0x80, s2, s5, $0xb8;
	[tilespmem:$0x8100] =	vst v63  }
0x4d: {  	_ =	swait.ge [sflag:s3], $0x4000  }
0x4e: {  	[sflag:s3] =	ssyncset.done $0x0  }
0x4f: {  	s10 =	sor.u32 $0x280, s0;
	s24 =	rddreg [dreg:$0xc];
	[sflag:s3] =	ssyncadd.s32 $0xFFFFC000  }
0x50: {  	[hbm4b:s24+s2] =	stream.linear.scatter [tilespmem:s6], [sflag:$0x2], $0x4000, $0x38;
	[tilespmem:$0x8100] =	vst v63  }
0x51: {  	s25 =	sshrl.u32 s10, $0x3;
	_ =	swait.ge [sflag:s8], $0x4000  }
0x52: {  	s26 =	sadd.s32 s30, s25;
	[sflag:s8] =	ssyncset.done $0x0  }
0x53: {  	[dreg:$0xd] =	wrdreg s26;
	[sflag:s8] =	ssyncadd.s32 $0xFFFFC000  }
0x54: {  	[tilespmem:s5], [sflag:$0x1] =	stream.linear.gather [hbm4b:s26+s2], $0x80, $0x38;
	[tilespmem:$0x8100] =	vst v63  }
0x55: {  	_ =	swait.ge [sflag:s3], $0x80  }
0x56: {  	[sflag:s3] =	ssyncset.done $0x0  }
0x57: {  	[sflag:s3] =	ssyncadd.s32 $0xFFFFFF80  }
0x58: {  	[tilespmem:s7], [sflag:$0x1] =	stream.indirect.gather [hbm4b:s4+s5], $0x80, s5, s5, $0xb8;
	[tilespmem:$0x8100] =	vst v63  }
0x59: {  	s10 =	sshll.u32 s10, $0x4;
	_ =	swait.ge [sflag:s3], $0x4000  }
0x5a: {  	s10 =	sand.u32 $0x1FFFA800, s10;
	[sflag:s3] =	ssyncset.done $0x0  }
0x5b: {  	s10 =	sadd.s32 s31, s10;
	[sflag:s3] =	ssyncadd.s32 $0xFFFFC000  }
0x5c: {  	[hbm4b:s10+s2] =	stream.linear.scatter [tilespmem:s7], [sflag:$0x2], $0x4000, $0x38;
	[tilespmem:$0x8100] =	vst v63  }
0x5d: {  	s12 =	sor.u32 $0x300, s0;
	_ =	swait.ge [sflag:s8], $0x4000  }
0x5e: {  	s11 =	sshrl.u32 s12, $0x3;
	[sflag:s8] =	ssyncset.done $0x0  }
0x5f: {  	s11 =	sadd.s32 s30, s11;
	[sflag:s8] =	ssyncadd.s32 $0xFFFFC000  }
0x60: {  	[tilespmem:s2], [sflag:$0x1] =	stream.linear.gather [hbm4b:s11+s2], $0x80, $0x38;
	[tilespmem:$0x8100] =	vst v63  }
0x61: {  	_ =	swait.ge [sflag:s3], $0x80  }
0x62: {  	[sflag:s3] =	ssyncset.done $0x0  }
0x63: {  	[sflag:s3] =	ssyncadd.s32 $0xFFFFFF80  }
0x64: {  	[tilespmem:s6], [sflag:$0x1] =	stream.indirect.gather [hbm4b:s4+s5], $0x80, s2, s5, $0xb8;
	[tilespmem:$0x8100] =	vst v63  }
0x65: {  	s12 =	sshll.u32 s12, $0x4;
	_ =	swait.ge [sflag:s3], $0x4000  }
0x66: {  	s12 =	sand.u32 $0x1FFFB000, s12;
	[sflag:s3] =	ssyncset.done $0x0  }
0x67: {  	s12 =	sadd.s32 s31, s12;
	[sflag:s3] =	ssyncadd.s32 $0xFFFFC000  }
0x68: {  	[hbm4b:s12+s2] =	stream.linear.scatter [tilespmem:s6], [sflag:$0x2], $0x4000, $0x38;
	[tilespmem:$0x8100] =	vst v63  }
0x69: {  	s14 =	sor.u32 $0x380, s0;
	_ =	swait.ge [sflag:s8], $0x4000  }
0x6a: {  	s13 =	sshrl.u32 s14, $0x3;
	[sflag:s8] =	ssyncset.done $0x0  }
0x6b: {  	s13 =	sadd.s32 s30, s13;
	[sflag:s8] =	ssyncadd.s32 $0xFFFFC000  }
0x6c: {  	[tilespmem:s5], [sflag:$0x1] =	stream.linear.gather [hbm4b:s13+s2], $0x80, $0x38;
	[tilespmem:$0x8100] =	vst v63  }
0x6d: {  	_ =	swait.ge [sflag:s3], $0x80  }
0x6e: {  	[sflag:s3] =	ssyncset.done $0x0  }
0x6f: {  	[sflag:s3] =	ssyncadd.s32 $0xFFFFFF80  }
0x70: {  	[tilespmem:s7], [sflag:$0x1] =	stream.indirect.gather [hbm4b:s4+s5], $0x80, s5, s5, $0xb8;
	[tilespmem:$0x8100] =	vst v63  }
0x71: {  	s14 =	sshll.u32 s14, $0x4;
	_ =	swait.ge [sflag:s3], $0x4000  }
0x72: {  	s14 =	sand.u32 $0x1FFFB800, s14;
	[sflag:s3] =	ssyncset.done $0x0  }
0x73: {  	s14 =	sadd.s32 s31, s14;
	[sflag:s3] =	ssyncadd.s32 $0xFFFFC000  }
0x74: {  	[hbm4b:s14+s2] =	stream.linear.scatter [tilespmem:s7], [sflag:$0x2], $0x4000, $0x38;
	[tilespmem:$0x8100] =	vst v63  }
0x75: {  	s16 =	sor.u32 $0x400, s0;
	_ =	swait.ge [sflag:s8], $0x4000  }
0x76: {  	s15 =	sshrl.u32 s16, $0x3;
	[sflag:s8] =	ssyncset.done $0x0  }
0x77: {  	s15 =	sadd.s32 s30, s15;
	[sflag:s8] =	ssyncadd.s32 $0xFFFFC000  }
0x78: {  	[tilespmem:s2], [sflag:$0x1] =	stream.linear.gather [hbm4b:s15+s2], $0x80, $0x38;
	[tilespmem:$0x8100] =	vst v63  }
0x79: {  	_ =	swait.ge [sflag:s3], $0x80  }
0x7a: {  	[sflag:s3] =	ssyncset.done $0x0  }
0x7b: {  	[sflag:s3] =	ssyncadd.s32 $0xFFFFFF80  }
0x7c: {  	[tilespmem:s6], [sflag:$0x1] =	stream.indirect.gather [hbm4b:s4+s5], $0x80, s2, s5, $0xb8;
	[tilespmem:$0x8100] =	vst v63  }
0x7d: {  	s16 =	sshll.u32 s16, $0x4;
	_ =	swait.ge [sflag:s3], $0x4000  }
0x7e: {  	s16 =	sand.u32 $0x1FFFC000, s16;
	[sflag:s3] =	ssyncset.done $0x0  }
0x7f: {  	s16 =	sadd.s32 s31, s16;
	[sflag:s3] =	ssyncadd.s32 $0xFFFFC000  }
0x80: {  	[hbm4b:s16+s2] =	stream.linear.scatter [tilespmem:s6], [sflag:$0x2], $0x4000, $0x38;
	[tilespmem:$0x8100] =	vst v63  }
0x81: {  	s18 =	sor.u32 $0x480, s0;
	_ =	swait.ge [sflag:s8], $0x4000  }
0x82: {  	s17 =	sshrl.u32 s18, $0x3;
	[sflag:s8] =	ssyncset.done $0x0  }
0x83: {  	s17 =	sadd.s32 s30, s17;
	[sflag:s8] =	ssyncadd.s32 $0xFFFFC000  }
0x84: {  	[tilespmem:s5], [sflag:$0x1] =	stream.linear.gather [hbm4b:s17+s2], $0x80, $0x38;
	[tilespmem:$0x8100] =	vst v63  }
0x85: {  	_ =	swait.ge [sflag:s3], $0x80  }
0x86: {  	[sflag:s3] =	ssyncset.done $0x0  }
0x87: {  	[sflag:s3] =	ssyncadd.s32 $0xFFFFFF80  }
0x88: {  	[tilespmem:s7], [sflag:$0x1] =	stream.indirect.gather [hbm4b:s4+s5], $0x80, s5, s5, $0xb8;
	[tilespmem:$0x8100] =	vst v63  }
0x89: {  	s18 =	sshll.u32 s18, $0x4;
	_ =	swait.ge [sflag:s3], $0x4000  }
0x8a: {  	s18 =	sand.u32 $0x1FFFC800, s18;
	[sflag:s3] =	ssyncset.done $0x0  }
0x8b: {  	s18 =	sadd.s32 s31, s18;
	[sflag:s3] =	ssyncadd.s32 $0xFFFFC000  }
0x8c: {  	[hbm4b:s18+s2] =	stream.linear.scatter [tilespmem:s7], [sflag:$0x2], $0x4000, $0x38;
	[tilespmem:$0x8100] =	vst v63  }
0x8d: {  	s20 =	sor.u32 $0x500, s0;
	_ =	swait.ge [sflag:s8], $0x4000  }
0x8e: {  	s19 =	sshrl.u32 s20, $0x3;
	[sflag:s8] =	ssyncset.done $0x0  }
0x8f: {  	s19 =	sadd.s32 s30, s19;
	[sflag:s8] =	ssyncadd.s32 $0xFFFFC000  }
0x90: {  	[tilespmem:s2], [sflag:$0x1] =	stream.linear.gather [hbm4b:s19+s2], $0x80, $0x38;
	[tilespmem:$0x8100] =	vst v63  }
0x91: {  	_ =	swait.ge [sflag:s3], $0x80  }
0x92: {  	[sflag:s3] =	ssyncset.done $0x0  }
0x93: {  	[sflag:s3] =	ssyncadd.s32 $0xFFFFFF80  }
0x94: {  	[tilespmem:s6], [sflag:$0x1] =	stream.indirect.gather [hbm4b:s4+s5], $0x80, s2, s5, $0xb8;
	[tilespmem:$0x8100] =	vst v63  }
0x95: {  	s20 =	sshll.u32 s20, $0x4;
	_ =	swait.ge [sflag:s3], $0x4000  }
0x96: {  	s20 =	sand.u32 $0x1FFFD000, s20;
	[sflag:s3] =	ssyncset.done $0x0  }
0x97: {  	s20 =	sadd.s32 s31, s20;
	[sflag:s3] =	ssyncadd.s32 $0xFFFFC000  }
0x98: {  	[hbm4b:s20+s2] =	stream.linear.scatter [tilespmem:s6], [sflag:$0x2], $0x4000, $0x38;
	[tilespmem:$0x8100] =	vst v63  }
0x99: {  	s22 =	sor.u32 $0x580, s0;
	_ =	swait.ge [sflag:s8], $0x4000  }
0x9a: {  	s21 =	sshrl.u32 s22, $0x3;
	[sflag:s8] =	ssyncset.done $0x0  }
0x9b: {  	s21 =	sadd.s32 s30, s21;
	[sflag:s8] =	ssyncadd.s32 $0xFFFFC000  }
0x9c: {  	[tilespmem:s5], [sflag:$0x1] =	stream.linear.gather [hbm4b:s21+s2], $0x80, $0x38;
	[tilespmem:$0x8100] =	vst v63  }
0x9d: {  	_ =	swait.ge [sflag:s3], $0x80  }
0x9e: {  	[sflag:s3] =	ssyncset.done $0x0  }
0x9f: {  	[sflag:s3] =	ssyncadd.s32 $0xFFFFFF80  }
0xa0: {  	[tilespmem:s7], [sflag:$0x1] =	stream.indirect.gather [hbm4b:s4+s5], $0x80, s5, s5, $0xb8;
	[tilespmem:$0x8100] =	vst v63  }
0xa1: {  	s22 =	sshll.u32 s22, $0x4;
	_ =	swait.ge [sflag:s3], $0x4000  }
0xa2: {  	s22 =	sand.u32 $0x1FFFD800, s22;
	[sflag:s3] =	ssyncset.done $0x0  }
0xa3: {  	s22 =	sadd.s32 s31, s22;
	[sflag:s3] =	ssyncadd.s32 $0xFFFFC000  }
0xa4: {  	[hbm4b:s22+s2] =	stream.linear.scatter [tilespmem:s7], [sflag:$0x2], $0x4000, $0x38;
	[tilespmem:$0x8100] =	vst v63  }
0xa5: {  	s24 =	sor.u32 $0x600, s0;
	_ =	swait.ge [sflag:s8], $0x4000  }
0xa6: {  	s23 =	sshrl.u32 s24, $0x3;
	[sflag:s8] =	ssyncset.done $0x0  }
0xa7: {  	s23 =	sadd.s32 s30, s23;
	[sflag:s8] =	ssyncadd.s32 $0xFFFFC000  }
0xa8: {  	[tilespmem:s2], [sflag:$0x1] =	stream.linear.gather [hbm4b:s23+s2], $0x80, $0x38;
	[tilespmem:$0x8100] =	vst v63  }
0xa9: {  	_ =	swait.ge [sflag:s3], $0x80  }
0xaa: {  	[sflag:s3] =	ssyncset.done $0x0  }
0xab: {  	[sflag:s3] =	ssyncadd.s32 $0xFFFFFF80  }
0xac: {  	[tilespmem:s6], [sflag:$0x1] =	stream.indirect.gather [hbm4b:s4+s5], $0x80, s2, s5, $0xb8;
	[tilespmem:$0x8100] =	vst v63  }
0xad: {  	s24 =	sshll.u32 s24, $0x4;
	_ =	swait.ge [sflag:s3], $0x4000  }
0xae: {  	s24 =	sand.u32 $0x1FFFE000, s24;
	[sflag:s3] =	ssyncset.done $0x0  }
0xaf: {  	s24 =	sadd.s32 s31, s24;
	[sflag:s3] =	ssyncadd.s32 $0xFFFFC000  }
0xb0: {  	[hbm4b:s24+s2] =	stream.linear.scatter [tilespmem:s6], [sflag:$0x2], $0x4000, $0x38;
	[tilespmem:$0x8100] =	vst v63  }
0xb1: {  	s26 =	sor.u32 $0x680, s0;
	_ =	swait.ge [sflag:s8], $0x4000  }
0xb2: {  	s25 =	sshrl.u32 s26, $0x3;
	[sflag:s8] =	ssyncset.done $0x0  }
0xb3: {  	s25 =	sadd.s32 s30, s25;
	[sflag:s8] =	ssyncadd.s32 $0xFFFFC000  }
0xb4: {  	[tilespmem:s5], [sflag:$0x1] =	stream.linear.gather [hbm4b:s25+s2], $0x80, $0x38;
	[tilespmem:$0x8100] =	vst v63  }
0xb5: {  	_ =	swait.ge [sflag:s3], $0x80  }
0xb6: {  	[sflag:s3] =	ssyncset.done $0x0  }
0xb7: {  	[sflag:s3] =	ssyncadd.s32 $0xFFFFFF80  }
0xb8: {  	[tilespmem:s7], [sflag:$0x1] =	stream.indirect.gather [hbm4b:s4+s5], $0x80, s5, s5, $0xb8;
	[tilespmem:$0x8100] =	vst v63  }
0xb9: {  	s26 =	sshll.u32 s26, $0x4;
	_ =	swait.ge [sflag:s3], $0x4000  }
0xba: {  	s26 =	sand.u32 $0x1FFFE800, s26;
	[sflag:s3] =	ssyncset.done $0x0  }
0xbb: {  	s26 =	sadd.s32 s31, s26;
	[sflag:s3] =	ssyncadd.s32 $0xFFFFC000  }
0xbc: {  	[hbm4b:s26+s2] =	stream.linear.scatter [tilespmem:s7], [sflag:$0x2], $0x4000, $0x38;
	[tilespmem:$0x8100] =	vst v63  }
0xbd: {  	s29 =	sor.u32 $0x700, s0;
	_ =	swait.ge [sflag:s8], $0x4000  }
0xbe: {  	s28 =	sshrl.u32 s29, $0x3;
	[sflag:s8] =	ssyncset.done $0x0  }
0xbf: {  	s28 =	sadd.s32 s30, s28;
	[sflag:s8] =	ssyncadd.s32 $0xFFFFC000  }
0xc0: {  	[tilespmem:s2], [sflag:$0x1] =	stream.linear.gather [hbm4b:s28+s2], $0x80, $0x38;
	[tilespmem:$0x8100] =	vst v63  }
0xc1: {  	_ =	swait.ge [sflag:s3], $0x80  }
0xc2: {  	[sflag:s3] =	ssyncset.done $0x0  }
0xc3: {  	[sflag:s3] =	ssyncadd.s32 $0xFFFFFF80  }
0xc4: {  	[tilespmem:s6], [sflag:$0x1] =	stream.indirect.gather [hbm4b:s4+s5], $0x80, s2, s5, $0xb8;
	[tilespmem:$0x8100] =	vst v63  }
0xc5: {  	s29 =	sshll.u32 s29, $0x4;
	_ =	swait.ge [sflag:s3], $0x4000  }
0xc6: {  	s29 =	sand.u32 $0x1FFFF000, s29;
	[sflag:s3] =	ssyncset.done $0x0  }
0xc7: {  	s29 =	sadd.s32 s31, s29;
	[sflag:s3] =	ssyncadd.s32 $0xFFFFC000  }
0xc8: {  	[hbm4b:s29+s2] =	stream.linear.scatter [tilespmem:s6], [sflag:$0x2], $0x4000, $0x38;
	[tilespmem:$0x8100] =	vst v63  }
0xc9: {  	s0 =	sor.u32 $0x780, s0;
	_ =	swait.ge [sflag:s8], $0x4000  }
0xca: {  	s9 =	sshrl.u32 s0, $0x3;
	[sflag:s8] =	ssyncset.done $0x0  }
0xcb: {  	s30 =	sadd.s32 s30, s9;
	[sflag:s8] =	ssyncadd.s32 $0xFFFFC000  }
0xcc: {  	[tilespmem:s5], [sflag:$0x1] =	stream.linear.gather [hbm4b:s30+s2], $0x80, $0x38;
	[tilespmem:$0x8100] =	vst v63  }
0xcd: {  	_ =	swait.ge [sflag:s3], $0x80  }
0xce: {  	[sflag:s3] =	ssyncset.done $0x0  }
0xcf: {  	[sflag:s3] =	ssyncadd.s32 $0xFFFFFF80  }
0xd0: {  	[tilespmem:s7], [sflag:$0x1] =	stream.indirect.gather [hbm4b:s4+s5], $0x80, s5, s5, $0xb8;
	[tilespmem:$0x8100] =	vst v63  }
0xd1: {  	s0 =	sshll.u32 s0, $0x4;
	_ =	swait.ge [sflag:s3], $0x4000  }
0xd2: {  	s0 =	sand.u32 $0x1FFFF800, s0;
	[sflag:s3] =	ssyncset.done $0x0;
	s1 =	rddreg [dreg:$0xe]  }
0xd3: {  	s31 =	sadd.s32 s31, s0;
	s0 =	ssub.s32 $0x2, s1;
	[sflag:s3] =	ssyncadd.s32 $0xFFFFC000  }
0xd4: {  	[hbm4b:s31+s2] =	stream.linear.scatter [tilespmem:s7], [sflag:$0x2], $0x4000, $0x38;
	[tilespmem:$0x8100] =	vst v63  }
0xd5: {  	s9 =	sshrl.u32 s0, $0x1  }
0xd6: {  	s0 =	ssub.s32 s0, s9  }
0xd7: {  	s0 =	smax.u32 s0, $0x1  }
0xd8: {  	p0 =	sne.s32 s0, $0x1  }
.Ltmp0:
0xd9: {  	_ =	swait.ge [sflag:s8], $0x4000;
	(pc) =	sbr.rel @!p0 .LBB2_2-.Ltmp0, $4  }
0xda: {  	[sflag:s8] =	ssyncset.done $0x0  }
0xdb: {  	[sflag:s8] =	ssyncadd.s32 $0xFFFFC000  }
0xdc: {  	_ =	swait.ge [sflag:s8], $0x4000  }
0xdd: {  	s1 =	sadd.s32 $0xFFFFFFFF, s0;
	[sflag:s8] =	ssyncset.done $0x0  }
.LBB2_1:
0xde: {  	s0 =	rddreg [dreg:$0x3];
	[sflag:s8] =	ssyncadd.s32 $0xFFFFC000  }
0xdf: {  	[tilespmem:s2], [sflag:$0x1] =	stream.linear.gather [hbm4b:s0+s2], $0x80, $0x38;
	[tilespmem:$0x8100] =	vst v63  }
0xe0: {  	_ =	swait.ge [sflag:s3], $0x80  }
0xe1: {  	[sflag:s3] =	ssyncset.done $0x0  }
0xe2: {  	[sflag:s3] =	ssyncadd.s32 $0xFFFFFF80  }
0xe3: {  	[tilespmem:s6], [sflag:$0x1] =	stream.indirect.gather [hbm4b:s4+s5], $0x80, s2, s5, $0xb8;
	[tilespmem:$0x8100] =	vst v63  }
0xe4: {  	_ =	swait.ge [sflag:s3], $0x4000  }
0xe5: {  	[sflag:s3] =	ssyncset.done $0x0  }
0xe6: {  	s0 =	rddreg [dreg:$0x4];
	[sflag:s3] =	ssyncadd.s32 $0xFFFFC000  }
0xe7: {  	[hbm4b:s0+s2] =	stream.linear.scatter [tilespmem:s6], [sflag:$0x2], $0x4000, $0x38;
	[tilespmem:$0x8100] =	vst v63  }
0xe8: {  	s9 =	rddreg [dreg:$0x5]  }
0xe9: {  	[tilespmem:s5], [sflag:$0x1] =	stream.linear.gather [hbm4b:s9+s2], $0x80, $0x38;
	[tilespmem:$0x8100] =	vst v63  }
0xea: {  	_ =	swait.ge [sflag:s3], $0x80  }
0xeb: {  	[sflag:s3] =	ssyncset.done $0x0  }
0xec: {  	[sflag:s3] =	ssyncadd.s32 $0xFFFFFF80  }
0xed: {  	[tilespmem:s7], [sflag:$0x1] =	stream.indirect.gather [hbm4b:s4+s5], $0x80, s5, s5, $0xb8;
	[tilespmem:$0x8100] =	vst v63  }
0xee: {  	_ =	swait.ge [sflag:s3], $0x4000  }
0xef: {  	[sflag:s3] =	ssyncset.done $0x0  }
0xf0: {  	s9 =	rddreg [dreg:$0x6];
	[sflag:s3] =	ssyncadd.s32 $0xFFFFC000  }
0xf1: {  	[hbm4b:s9+s2] =	stream.linear.scatter [tilespmem:s7], [sflag:$0x2], $0x4000, $0x38;
	[tilespmem:$0x8100] =	vst v63  }
0xf2: {  	_ =	swait.ge [sflag:s8], $0x4000  }
0xf3: {  	[sflag:s8] =	ssyncset.done $0x0  }
0xf4: {  	s9 =	rddreg [dreg:$0x7];
	[sflag:s8] =	ssyncadd.s32 $0xFFFFC000  }
0xf5: {  	[tilespmem:s2], [sflag:$0x1] =	stream.linear.gather [hbm4b:s9+s2], $0x80, $0x38;
	[tilespmem:$0x8100] =	vst v63  }
0xf6: {  	_ =	swait.ge [sflag:s3], $0x80  }
0xf7: {  	[sflag:s3] =	ssyncset.done $0x0  }
0xf8: {  	[sflag:s3] =	ssyncadd.s32 $0xFFFFFF80  }
0xf9: {  	[tilespmem:s6], [sflag:$0x1] =	stream.indirect.gather [hbm4b:s4+s5], $0x80, s2, s5, $0xb8;
	[tilespmem:$0x8100] =	vst v63  }
0xfa: {  	_ =	swait.ge [sflag:s3], $0x4000  }
0xfb: {  	[sflag:s3] =	ssyncset.done $0x0  }
0xfc: {  	s9 =	rddreg [dreg:$0x8];
	[sflag:s3] =	ssyncadd.s32 $0xFFFFC000  }
0xfd: {  	[hbm4b:s9+s2] =	stream.linear.scatter [tilespmem:s6], [sflag:$0x2], $0x4000, $0x38;
	[tilespmem:$0x8100] =	vst v63  }
0xfe: {  	_ =	swait.ge [sflag:s8], $0x4000  }
0xff: {  	[sflag:s8] =	ssyncset.done $0x0  }
0x100: {  	s9 =	rddreg [dreg:$0x9];
	[sflag:s8] =	ssyncadd.s32 $0xFFFFC000  }
0x101: {  	[tilespmem:s5], [sflag:$0x1] =	stream.linear.gather [hbm4b:s9+s2], $0x80, $0x38;
	[tilespmem:$0x8100] =	vst v63  }
0x102: {  	_ =	swait.ge [sflag:s3], $0x80  }
0x103: {  	[sflag:s3] =	ssyncset.done $0x0  }
0x104: {  	[sflag:s3] =	ssyncadd.s32 $0xFFFFFF80  }
0x105: {  	[tilespmem:s7], [sflag:$0x1] =	stream.indirect.gather [hbm4b:s4+s5], $0x80, s5, s5, $0xb8;
	[tilespmem:$0x8100] =	vst v63  }
0x106: {  	_ =	swait.ge [sflag:s3], $0x4000  }
0x107: {  	[sflag:s3] =	ssyncset.done $0x0  }
0x108: {  	s9 =	rddreg [dreg:$0xa];
	[sflag:s3] =	ssyncadd.s32 $0xFFFFC000  }
0x109: {  	[hbm4b:s9+s2] =	stream.linear.scatter [tilespmem:s7], [sflag:$0x2], $0x4000, $0x38;
	[tilespmem:$0x8100] =	vst v63  }
0x10a: {  	_ =	swait.ge [sflag:s8], $0x4000  }
0x10b: {  	[sflag:s8] =	ssyncset.done $0x0  }
0x10c: {  	s9 =	rddreg [dreg:$0xb];
	[sflag:s8] =	ssyncadd.s32 $0xFFFFC000  }
0x10d: {  	[tilespmem:s2], [sflag:$0x1] =	stream.linear.gather [hbm4b:s9+s2], $0x80, $0x38;
	[tilespmem:$0x8100] =	vst v63  }
0x10e: {  	_ =	swait.ge [sflag:s3], $0x80  }
0x10f: {  	[sflag:s3] =	ssyncset.done $0x0  }
0x110: {  	[sflag:s3] =	ssyncadd.s32 $0xFFFFFF80  }
0x111: {  	[tilespmem:s6], [sflag:$0x1] =	stream.indirect.gather [hbm4b:s4+s5], $0x80, s2, s5, $0xb8;
	[tilespmem:$0x8100] =	vst v63  }
0x112: {  	_ =	swait.ge [sflag:s3], $0x4000  }
0x113: {  	[sflag:s3] =	ssyncset.done $0x0  }
0x114: {  	s9 =	rddreg [dreg:$0xc];
	[sflag:s3] =	ssyncadd.s32 $0xFFFFC000  }
0x115: {  	[hbm4b:s9+s2] =	stream.linear.scatter [tilespmem:s6], [sflag:$0x2], $0x4000, $0x38;
	[tilespmem:$0x8100] =	vst v63  }
0x116: {  	_ =	swait.ge [sflag:s8], $0x4000  }
0x117: {  	[sflag:s8] =	ssyncset.done $0x0  }
0x118: {  	s9 =	rddreg [dreg:$0xd];
	[sflag:s8] =	ssyncadd.s32 $0xFFFFC000  }
0x119: {  	[tilespmem:s5], [sflag:$0x1] =	stream.linear.gather [hbm4b:s9+s2], $0x80, $0x38;
	[tilespmem:$0x8100] =	vst v63  }
0x11a: {  	_ =	swait.ge [sflag:s3], $0x80  }
0x11b: {  	[sflag:s3] =	ssyncset.done $0x0  }
0x11c: {  	[sflag:s3] =	ssyncadd.s32 $0xFFFFFF80  }
0x11d: {  	[tilespmem:s7], [sflag:$0x1] =	stream.indirect.gather [hbm4b:s4+s5], $0x80, s5, s5, $0xb8;
	[tilespmem:$0x8100] =	vst v63  }
0x11e: {  	_ =	swait.ge [sflag:s3], $0x4000  }
0x11f: {  	[sflag:s3] =	ssyncset.done $0x0  }
0x120: {  	[sflag:s3] =	ssyncadd.s32 $0xFFFFC000  }
0x121: {  	[hbm4b:s10+s2] =	stream.linear.scatter [tilespmem:s7], [sflag:$0x2], $0x4000, $0x38;
	[tilespmem:$0x8100] =	vst v63  }
0x122: {  	_ =	swait.ge [sflag:s8], $0x4000  }
0x123: {  	[sflag:s8] =	ssyncset.done $0x0  }
0x124: {  	[sflag:s8] =	ssyncadd.s32 $0xFFFFC000  }
0x125: {  	[tilespmem:s2], [sflag:$0x1] =	stream.linear.gather [hbm4b:s11+s2], $0x80, $0x38;
	[tilespmem:$0x8100] =	vst v63  }
0x126: {  	_ =	swait.ge [sflag:s3], $0x80  }
0x127: {  	[sflag:s3] =	ssyncset.done $0x0  }
0x128: {  	[sflag:s3] =	ssyncadd.s32 $0xFFFFFF80  }
0x129: {  	[tilespmem:s6], [sflag:$0x1] =	stream.indirect.gather [hbm4b:s4+s5], $0x80, s2, s5, $0xb8;
	[tilespmem:$0x8100] =	vst v63  }
0x12a: {  	_ =	swait.ge [sflag:s3], $0x4000  }
0x12b: {  	[sflag:s3] =	ssyncset.done $0x0  }
0x12c: {  	[sflag:s3] =	ssyncadd.s32 $0xFFFFC000  }
0x12d: {  	[hbm4b:s12+s2] =	stream.linear.scatter [tilespmem:s6], [sflag:$0x2], $0x4000, $0x38;
	[tilespmem:$0x8100] =	vst v63  }
0x12e: {  	_ =	swait.ge [sflag:s8], $0x4000  }
0x12f: {  	[sflag:s8] =	ssyncset.done $0x0  }
0x130: {  	[sflag:s8] =	ssyncadd.s32 $0xFFFFC000  }
0x131: {  	[tilespmem:s5], [sflag:$0x1] =	stream.linear.gather [hbm4b:s13+s2], $0x80, $0x38;
	[tilespmem:$0x8100] =	vst v63  }
0x132: {  	_ =	swait.ge [sflag:s3], $0x80  }
0x133: {  	[sflag:s3] =	ssyncset.done $0x0  }
0x134: {  	[sflag:s3] =	ssyncadd.s32 $0xFFFFFF80  }
0x135: {  	[tilespmem:s7], [sflag:$0x1] =	stream.indirect.gather [hbm4b:s4+s5], $0x80, s5, s5, $0xb8;
	[tilespmem:$0x8100] =	vst v63  }
0x136: {  	_ =	swait.ge [sflag:s3], $0x4000  }
0x137: {  	[sflag:s3] =	ssyncset.done $0x0  }
0x138: {  	[sflag:s3] =	ssyncadd.s32 $0xFFFFC000  }
0x139: {  	[hbm4b:s14+s2] =	stream.linear.scatter [tilespmem:s7], [sflag:$0x2], $0x4000, $0x38;
	[tilespmem:$0x8100] =	vst v63  }
0x13a: {  	_ =	swait.ge [sflag:s8], $0x4000  }
0x13b: {  	[sflag:s8] =	ssyncset.done $0x0  }
0x13c: {  	[sflag:s8] =	ssyncadd.s32 $0xFFFFC000  }
0x13d: {  	[tilespmem:s2], [sflag:$0x1] =	stream.linear.gather [hbm4b:s15+s2], $0x80, $0x38;
	[tilespmem:$0x8100] =	vst v63  }
0x13e: {  	_ =	swait.ge [sflag:s3], $0x80  }
0x13f: {  	[sflag:s3] =	ssyncset.done $0x0  }
0x140: {  	[sflag:s3] =	ssyncadd.s32 $0xFFFFFF80  }
0x141: {  	[tilespmem:s6], [sflag:$0x1] =	stream.indirect.gather [hbm4b:s4+s5], $0x80, s2, s5, $0xb8;
	[tilespmem:$0x8100] =	vst v63  }
0x142: {  	_ =	swait.ge [sflag:s3], $0x4000  }
0x143: {  	[sflag:s3] =	ssyncset.done $0x0  }
0x144: {  	[sflag:s3] =	ssyncadd.s32 $0xFFFFC000  }
0x145: {  	[hbm4b:s16+s2] =	stream.linear.scatter [tilespmem:s6], [sflag:$0x2], $0x4000, $0x38;
	[tilespmem:$0x8100] =	vst v63  }
0x146: {  	_ =	swait.ge [sflag:s8], $0x4000  }
0x147: {  	[sflag:s8] =	ssyncset.done $0x0  }
0x148: {  	[sflag:s8] =	ssyncadd.s32 $0xFFFFC000  }
0x149: {  	[tilespmem:s5], [sflag:$0x1] =	stream.linear.gather [hbm4b:s17+s2], $0x80, $0x38;
	[tilespmem:$0x8100] =	vst v63  }
0x14a: {  	_ =	swait.ge [sflag:s3], $0x80  }
0x14b: {  	[sflag:s3] =	ssyncset.done $0x0  }
0x14c: {  	[sflag:s3] =	ssyncadd.s32 $0xFFFFFF80  }
0x14d: {  	[tilespmem:s7], [sflag:$0x1] =	stream.indirect.gather [hbm4b:s4+s5], $0x80, s5, s5, $0xb8;
	[tilespmem:$0x8100] =	vst v63  }
0x14e: {  	_ =	swait.ge [sflag:s3], $0x4000  }
0x14f: {  	[sflag:s3] =	ssyncset.done $0x0  }
0x150: {  	[sflag:s3] =	ssyncadd.s32 $0xFFFFC000  }
0x151: {  	[hbm4b:s18+s2] =	stream.linear.scatter [tilespmem:s7], [sflag:$0x2], $0x4000, $0x38;
	[tilespmem:$0x8100] =	vst v63  }
0x152: {  	_ =	swait.ge [sflag:s8], $0x4000  }
0x153: {  	[sflag:s8] =	ssyncset.done $0x0  }
0x154: {  	[sflag:s8] =	ssyncadd.s32 $0xFFFFC000  }
0x155: {  	[tilespmem:s2], [sflag:$0x1] =	stream.linear.gather [hbm4b:s19+s2], $0x80, $0x38;
	[tilespmem:$0x8100] =	vst v63  }
0x156: {  	_ =	swait.ge [sflag:s3], $0x80  }
0x157: {  	[sflag:s3] =	ssyncset.done $0x0  }
0x158: {  	[sflag:s3] =	ssyncadd.s32 $0xFFFFFF80  }
0x159: {  	[tilespmem:s6], [sflag:$0x1] =	stream.indirect.gather [hbm4b:s4+s5], $0x80, s2, s5, $0xb8;
	[tilespmem:$0x8100] =	vst v63  }
0x15a: {  	_ =	swait.ge [sflag:s3], $0x4000  }
0x15b: {  	[sflag:s3] =	ssyncset.done $0x0  }
0x15c: {  	[sflag:s3] =	ssyncadd.s32 $0xFFFFC000  }
0x15d: {  	[hbm4b:s20+s2] =	stream.linear.scatter [tilespmem:s6], [sflag:$0x2], $0x4000, $0x38;
	[tilespmem:$0x8100] =	vst v63  }
0x15e: {  	_ =	swait.ge [sflag:s8], $0x4000  }
0x15f: {  	[sflag:s8] =	ssyncset.done $0x0  }
0x160: {  	[sflag:s8] =	ssyncadd.s32 $0xFFFFC000  }
0x161: {  	[tilespmem:s5], [sflag:$0x1] =	stream.linear.gather [hbm4b:s21+s2], $0x80, $0x38;
	[tilespmem:$0x8100] =	vst v63  }
0x162: {  	_ =	swait.ge [sflag:s3], $0x80  }
0x163: {  	[sflag:s3] =	ssyncset.done $0x0  }
0x164: {  	[sflag:s3] =	ssyncadd.s32 $0xFFFFFF80  }
0x165: {  	[tilespmem:s7], [sflag:$0x1] =	stream.indirect.gather [hbm4b:s4+s5], $0x80, s5, s5, $0xb8;
	[tilespmem:$0x8100] =	vst v63  }
0x166: {  	_ =	swait.ge [sflag:s3], $0x4000  }
0x167: {  	[sflag:s3] =	ssyncset.done $0x0  }
0x168: {  	[sflag:s3] =	ssyncadd.s32 $0xFFFFC000  }
0x169: {  	[hbm4b:s22+s2] =	stream.linear.scatter [tilespmem:s7], [sflag:$0x2], $0x4000, $0x38;
	[tilespmem:$0x8100] =	vst v63  }
0x16a: {  	_ =	swait.ge [sflag:s8], $0x4000  }
0x16b: {  	[sflag:s8] =	ssyncset.done $0x0  }
0x16c: {  	[sflag:s8] =	ssyncadd.s32 $0xFFFFC000  }
0x16d: {  	[tilespmem:s2], [sflag:$0x1] =	stream.linear.gather [hbm4b:s23+s2], $0x80, $0x38;
	[tilespmem:$0x8100] =	vst v63  }
0x16e: {  	_ =	swait.ge [sflag:s3], $0x80  }
0x16f: {  	[sflag:s3] =	ssyncset.done $0x0  }
0x170: {  	[sflag:s3] =	ssyncadd.s32 $0xFFFFFF80  }
0x171: {  	[tilespmem:s6], [sflag:$0x1] =	stream.indirect.gather [hbm4b:s4+s5], $0x80, s2, s5, $0xb8;
	[tilespmem:$0x8100] =	vst v63  }
0x172: {  	_ =	swait.ge [sflag:s3], $0x4000  }
0x173: {  	[sflag:s3] =	ssyncset.done $0x0  }
0x174: {  	[sflag:s3] =	ssyncadd.s32 $0xFFFFC000  }
0x175: {  	[hbm4b:s24+s2] =	stream.linear.scatter [tilespmem:s6], [sflag:$0x2], $0x4000, $0x38;
	[tilespmem:$0x8100] =	vst v63  }
0x176: {  	_ =	swait.ge [sflag:s8], $0x4000  }
0x177: {  	[sflag:s8] =	ssyncset.done $0x0  }
0x178: {  	[sflag:s8] =	ssyncadd.s32 $0xFFFFC000  }
0x179: {  	[tilespmem:s5], [sflag:$0x1] =	stream.linear.gather [hbm4b:s25+s2], $0x80, $0x38;
	[tilespmem:$0x8100] =	vst v63  }
0x17a: {  	_ =	swait.ge [sflag:s3], $0x80  }
0x17b: {  	[sflag:s3] =	ssyncset.done $0x0  }
0x17c: {  	[sflag:s3] =	ssyncadd.s32 $0xFFFFFF80  }
0x17d: {  	[tilespmem:s7], [sflag:$0x1] =	stream.indirect.gather [hbm4b:s4+s5], $0x80, s5, s5, $0xb8;
	[tilespmem:$0x8100] =	vst v63  }
0x17e: {  	_ =	swait.ge [sflag:s3], $0x4000  }
0x17f: {  	[sflag:s3] =	ssyncset.done $0x0  }
0x180: {  	[sflag:s3] =	ssyncadd.s32 $0xFFFFC000  }
0x181: {  	[hbm4b:s26+s2] =	stream.linear.scatter [tilespmem:s7], [sflag:$0x2], $0x4000, $0x38;
	[tilespmem:$0x8100] =	vst v63  }
0x182: {  	_ =	swait.ge [sflag:s8], $0x4000  }
0x183: {  	[sflag:s8] =	ssyncset.done $0x0  }
0x184: {  	[sflag:s8] =	ssyncadd.s32 $0xFFFFC000  }
0x185: {  	[tilespmem:s2], [sflag:$0x1] =	stream.linear.gather [hbm4b:s28+s2], $0x80, $0x38;
	[tilespmem:$0x8100] =	vst v63  }
0x186: {  	_ =	swait.ge [sflag:s3], $0x80  }
0x187: {  	[sflag:s3] =	ssyncset.done $0x0  }
0x188: {  	[sflag:s3] =	ssyncadd.s32 $0xFFFFFF80  }
0x189: {  	[tilespmem:s6], [sflag:$0x1] =	stream.indirect.gather [hbm4b:s4+s5], $0x80, s2, s5, $0xb8;
	[tilespmem:$0x8100] =	vst v63  }
0x18a: {  	_ =	swait.ge [sflag:s3], $0x4000  }
0x18b: {  	[sflag:s3] =	ssyncset.done $0x0  }
0x18c: {  	[sflag:s3] =	ssyncadd.s32 $0xFFFFC000  }
0x18d: {  	[hbm4b:s29+s2] =	stream.linear.scatter [tilespmem:s6], [sflag:$0x2], $0x4000, $0x38;
	[tilespmem:$0x8100] =	vst v63  }
0x18e: {  	_ =	swait.ge [sflag:s8], $0x4000  }
0x18f: {  	[sflag:s8] =	ssyncset.done $0x0  }
0x190: {  	[sflag:s8] =	ssyncadd.s32 $0xFFFFC000  }
0x191: {  	[tilespmem:s5], [sflag:$0x1] =	stream.linear.gather [hbm4b:s30+s2], $0x80, $0x38;
	[tilespmem:$0x8100] =	vst v63  }
0x192: {  	_ =	swait.ge [sflag:s3], $0x80  }
0x193: {  	[sflag:s3] =	ssyncset.done $0x0  }
0x194: {  	[sflag:s3] =	ssyncadd.s32 $0xFFFFFF80  }
0x195: {  	[tilespmem:s7], [sflag:$0x1] =	stream.indirect.gather [hbm4b:s4+s5], $0x80, s5, s5, $0xb8;
	[tilespmem:$0x8100] =	vst v63  }
0x196: {  	_ =	swait.ge [sflag:s3], $0x4000  }
0x197: {  	[sflag:s3] =	ssyncset.done $0x0  }
0x198: {  	p0 =	sne.s32 s1, $0x1;
	[sflag:s3] =	ssyncadd.s32 $0xFFFFC000  }
0x199: {  	[hbm4b:s31+s2] =	stream.linear.scatter [tilespmem:s7], [sflag:$0x2], $0x4000, $0x38;
	[tilespmem:$0x8100] =	vst v63  }
.Ltmp1:
0x19a: {  	_ =	swait.ge [sflag:s8], $0x4000;
	(pc) =	sbr.rel @p0 .LBB2_1-.Ltmp1, $4  }
0x19b: {  	[sflag:s8] =	ssyncset.done $0x0  }
0x19c: {  	[sflag:s8] =	ssyncadd.s32 $0xFFFFC000  }
0x19d: {  	_ =	swait.ge [sflag:s8], $0x4000  }
0x19e: {  	s1 =	sadd.s32 $0xFFFFFFFF, s1;
	[sflag:s8] =	ssyncset.done $0x0  }
.LBB2_2:
0x19f: {  	[sflag:s8] =	ssyncadd.s32 $0xFFFFC000  }
0x1a0: {  	_ =	sfence.sel $0x180000  }
0x1a1: {  	[bflag:$0x0] =	sbarrier.arrive $0xFFFF  }
0x1a2: {  	_ =	strace $0x9000004A  }
0x1a3: {  	s0 =	stileid.u32;
	[bflag:$0x2] =	sbarrier.arrive $0xFFFF  }
0x1a4: {  	p0 =	sne.s32 s0, $0x0;
	s0 =	rddreg [dreg:$0x2]  }
0x1a5: {  	s0 =	sadd.s32 @!p0 $0x100000, s0  }
0x1a6: {  	[sflag:s0] =	ssyncadd.tile.s32 @!p0 $0x1;
	_ =	shalt  }
.Lfunc_end2:
_tile_overlayer_lowered:
.L_overlay_start_2:
0x1a7: {  	(tag) =	ssettag $0x2  }
0x1a8: {  	s0 =	rddreg [dreg:$0x0];
	s2 =	stileid.u32  }
0x1a9: {  	s1 =	rddreg [dreg:$0x1];
	p0 =	sne.s32 s2, $0x0  }
0x1aa: {  	s3 =	rddreg [dreg:$0x2];
	[bflag:$0x3] =	sbarrier.arrive $0xFFFF;
	s2 =	simm.s32 @!p0 $0x1C03  }
0x1ab: {  	[timem:s3], [sflag:s2] =	dma.local @!p0 [hbm:s0], s1  }
0x1ac: {  	s0 =	simm.s32 @!p0 $0x3  }
0x1ad: {  	_ =	swait.ge @!p0 [sflag:s0], s1  }
0x1ae: {  	s1 =	ssub.s32 @!p0 $0x0, s1;
	[sflag:s0] =	ssyncset.done @!p0 $0x0  }
0x1af: {  	[sflag:s0] =	ssyncadd.s32 @!p0 s1  }
0x1b0: {  	[bflag:$0x3] =	sbarrier.arrive $0xFFFF  }
0x1b1: {  	_ =	shalt  }

// kernel: kernel.7.cloned.1.call-start
scs
__scs_entry_jumppad:
0x0: {  	(pc) =	sbr.rel $0x88, $3  }
0x1: {  	(tag) =	ssettag $0x0;
	lr =	simm.s32 $0x1  }
0x2: {  	[smem:$0x3F9E] =	sst lr;
	_ =	strace $0xD0000000  }
0x3: {  	_ = 	snop  }
0x4: {  	_ = 	snop  }
0x5: {  	_ = 	snop  }
0x6: {  	_ = 	snop  }
0x7: {  	_ = 	snop  }
__scs_overlays_trampoline_lowered:
0x8: {  	[smem:$0x3FAD] =	sst s0  }
0x9: {  	[smem:$0x3FAE] =	sst s1  }
0xa: {  	[smem:$0x3FAF] =	sst s2  }
0xb: {  	[smem:$0x3FB0] =	sst s3  }
0xc: {  	[smem:$0x3FB1] =	sst s4  }
0xd: {  	[smem:$0x3FB2] =	sst s5  }
0xe: {  	[smem:$0x3FB3] =	sst s6  }
0xf: {  	[smem:$0x3FB4] =	sst s7  }
0x10: {  	[smem:$0x3FB5] =	sst s8  }
0x11: {  	[smem:$0x3FB6] =	sst s9;
	s0 =	simm.s32 @!p0 $0x0  }
0x12: {  	s1 =	sld [smem:$0x3F9C];
	s0 =	simm.s32 @p0 $0x1  }
0x13: {  	[smem:$0x3FB7] =	sst s0;
	s0 =	simm.s32 @!p1 $0x0  }
0x14: {  	s2 =	sld [smem:$0x3F9B];
	s0 =	simm.s32 @p1 $0x1  }
0x15: {  	[smem:$0x3FB8] =	sst s0;
	s0 =	simm.s32 @!p2 $0x0  }
0x16: {  	s3 =	sld [smem:$0x3FDB];
	s0 =	simm.s32 @p2 $0x1  }
0x17: {  	s4 =	simm.s32 $0x1BF5;
	[smem:$0x3FBA] =	sst s0  }
0x18: {  	s0 =	sld [smem:$0x3F9D];
	_ =	swait.ge [sflag:s4], $0x0  }
0x19: {  	s7 =	sld [smem:$0x3F9E]  }
0x1a: {  	s8 =	sadd.s32 $0xFFFFE003, lr  }
0x1b: {  	s9 =	sadd.s32 $0xFFFFFEF7, lr;
	s5 =	simm.s32 $0xFFFFFFFF;
	p2 =	slt.u32 s8, $0xFFFFF086  }
0x1c: {  	p1 =	slt.u32 s9, $0xF7A;
	s5 =	simm.s32 @!p2 $0x0  }
0x1d: {  	s5 =	simm.s32 @p1 $0x1;
	p0 =	seq.s32 s7, s2  }
0x1e: {  	s7 =	smul.u32 @!p0 $0xF7A, s2;
	p2 =	seq.s32 @!p0 s5, $0x0  }
0x1f: {  	s9 =	smul.u32 $0xF7A, s1;
	s8 =	simm.s32 @!p0 $0x1BF5;
	p2 =	por !p2, p0  }
0x20: {  	[sflag:s8] =	ssyncset.s32 @!p0 $0xFFFFF086;
	s6 =	sadd.s32 @!p0 s3, s7;
	s7 =	simm.s32 @!p0 $0x108  }
0x21: {  	s3 =	sadd.s32 s3, s9;
	s6 =	sadd.s32 @!p0 $0x88, s6;
	s7 =	simm.s32 @p2 $0x1082  }
0x22: {  	[simem:s7], [sflag:s8] =	dma.local @!p0 [hbm:s6], $0xF7A  }
0x23: {  	s9 =	sor.u32 $0xD0000000, s2;
	s6 =	simm.s32 $0x108;
	_ =	swait.ge @!p0 [sflag:s8], $0x0  }
0x24: {  	s3 =	sadd.s32 $0x88, s3;
	s6 =	simm.s32 @!p1 $0x1082;
	[sflag:s4] =	ssyncset.s32 $0xFFFFF086  }
0x25: {  	[simem:s6], [sflag:s4] =	dma.local [hbm:s3], $0xF7A  }
0x26: {  	[smem:$0x3F9E] =	sst s1;
	(tag) =	ssettag s2;
	_ =	strace s9  }
0x27: {  	s1 =	sld [smem:$0x3FAE]  }
0x28: {  	s2 =	sld [smem:$0x3FAF]  }
0x29: {  	s4 =	sld [smem:$0x3FB1]  }
0x2a: {  	p0 =	seq.s32 s5, $0x0;
	s5 =	sld [smem:$0x3FB2]  }
0x2b: {  	s6 =	sld [smem:$0x3FB3]  }
0x2c: {  	s7 =	sld [smem:$0x3FB4]  }
0x2d: {  	s3 =	simm.s32 $0x108;
	s8 =	sld [smem:$0x3FB5]  }
0x2e: {  	s3 =	simm.s32 @!p0 $0x1082;
	s9 =	sld [smem:$0x3FB6]  }
0x2f: {  	lr =	sadd.s32 s0, s3;
	s0 =	sld [smem:$0x3FAD]  }
0x30: {  	s3 =	sld [smem:$0x3FB0]  }
0x31: {  	[smem:$0x3FB9] =	sst s10  }
0x32: {  	s10 =	sld [smem:$0x3FB7];
	_ =	sdelay $0x3  }
0x33: {  	p0 =	seq.s32 s10, $0x1;
	s10 =	sld [smem:$0x3FB9];
	_ =	sdelay $0x3  }
0x34: {  	[smem:$0x3FB9] =	sst s10  }
0x35: {  	s10 =	sld [smem:$0x3FB8];
	_ =	sdelay $0x3  }
0x36: {  	p1 =	seq.s32 s10, $0x1;
	s10 =	sld [smem:$0x3FB9];
	_ =	sdelay $0x3  }
0x37: {  	[smem:$0x3FB9] =	sst s10  }
0x38: {  	s10 =	sld [smem:$0x3FBA]  }
0x39: {  	_ = 	snop;
	(pc) =	sbr.ind lr, $3  }
0x3a: {  	_ = 	snop  }
0x3b: {  	_ = 	snop  }
0x3c: {  	p2 =	seq.s32 s10, $0x1;
	s10 =	sld [smem:$0x3FB9]  }
0x3d: {  	_ =	shalt  }
0x3e: {  	_ =	shalt  }
0x3f: {  	_ =	shalt  }
0x40: {  	_ =	shalt  }
0x41: {  	_ =	shalt  }
0x42: {  	_ =	shalt  }
0x43: {  	_ =	shalt  }
0x44: {  	_ =	shalt  }
0x45: {  	_ =	shalt  }
0x46: {  	_ =	shalt  }
0x47: {  	_ =	shalt  }
0x48: {  	_ =	shalt  }
0x49: {  	_ =	shalt  }
0x4a: {  	_ =	shalt  }
0x4b: {  	_ =	shalt  }
0x4c: {  	_ =	shalt  }
0x4d: {  	_ =	shalt  }
0x4e: {  	_ =	shalt  }
0x4f: {  	_ =	shalt  }
0x50: {  	_ =	shalt  }
0x51: {  	_ =	shalt  }
0x52: {  	_ =	shalt  }
0x53: {  	_ =	shalt  }
0x54: {  	_ =	shalt  }
0x55: {  	_ =	shalt  }
0x56: {  	_ =	shalt  }
0x57: {  	_ =	shalt  }
0x58: {  	_ =	shalt  }
0x59: {  	_ =	shalt  }
0x5a: {  	_ =	shalt  }
0x5b: {  	_ =	shalt  }
0x5c: {  	_ =	shalt  }
0x5d: {  	_ =	shalt  }
0x5e: {  	_ =	shalt  }
0x5f: {  	_ =	shalt  }
0x60: {  	_ =	shalt  }
0x61: {  	_ =	shalt  }
0x62: {  	_ =	shalt  }
0x63: {  	_ =	shalt  }
0x64: {  	_ =	shalt  }
0x65: {  	_ =	shalt  }
0x66: {  	_ =	shalt  }
0x67: {  	_ =	shalt  }
0x68: {  	_ =	shalt  }
0x69: {  	_ =	shalt  }
0x6a: {  	_ =	shalt  }
0x6b: {  	_ =	shalt  }
0x6c: {  	_ =	shalt  }
0x6d: {  	_ =	shalt  }
0x6e: {  	_ =	shalt  }
0x6f: {  	_ =	shalt  }
0x70: {  	_ =	shalt  }
0x71: {  	_ =	shalt  }
0x72: {  	_ =	shalt  }
0x73: {  	_ =	shalt  }
0x74: {  	_ =	shalt  }
0x75: {  	_ =	shalt  }
0x76: {  	_ =	shalt  }
0x77: {  	_ =	shalt  }
0x78: {  	_ =	shalt  }
0x79: {  	_ =	shalt  }
0x7a: {  	_ =	shalt  }
0x7b: {  	_ =	shalt  }
0x7c: {  	_ =	shalt  }
0x7d: {  	_ =	shalt  }
0x7e: {  	_ =	shalt  }
0x7f: {  	_ =	shalt  }
0x80: {  	_ =	shalt  }
0x81: {  	_ =	shalt  }
0x82: {  	_ =	shalt  }
0x83: {  	_ =	shalt  }
0x84: {  	_ =	shalt  }
0x85: {  	_ =	shalt  }
0x86: {  	_ =	shalt  }
0x87: {  	_ =	shalt  }
.Lfunc_end0:
.L_simem_size_0:
called_computation_lowered:
.L_overlay_start_0:
0x88: {  	s2 =	sld [smem:$0x3FD9]  }
0x89: {  	s3 =	sld [smem:$0x3FFE];
	_ =	sdelay $0x1  }
0x8a: {  	s1 =	srdreg.scid  }
0x8b: {  	s0 =	sand.u32 $0x1, s1  }
0x8c: {  	s14 =	sshll.u32 s0, $0xA;
	s2 =	sadd.s32 s3, s2  }
0x8d: {  	s2 =	sadd.s32 s2, s14  }
0x8e: {  	[smem:$0x3FC5] =	sst s2  }
0x8f: {  	_ = 	snop  }
0x90: {  	s2 =	sld [smem:$0x3FD0];
	_ =	sdelay $0x2  }
0x91: {  	s15 =	simm.s32 $0xA;
	s4 =	simm.s32 $0x10  }
0x92: {  	[smem:s4], [sflag:s15] =	dma.local [hbm:s2], $0x1  }
0x93: {  	_ =	swait.eq [sflag:s15], $0x1  }
0x94: {  	[sflag:s15] =	ssyncset.done $0x0  }
0x95: {  	[sflag:s15] =	ssyncadd.s32 $0xFFFFFFFF  }
0x96: {  	s16 =	sld [smem:$0x10];
	(tm) =	ssettm $0x1  }
0x97: {  	s17 =	sld [smem:$0x3FFB];
	_ =	sdelay $0x3  }
0x98: {  	_ =	strace s17  }
0x99: {  	s3 =	sld [smem:$0x3FFC];
	_ =	sdelay $0x3  }
0x9a: {  	_ =	strace s3  }
0x9b: {  	s3 =	sld [smem:$0x3FFD];
	_ =	sdelay $0x3  }
0x9c: {  	_ =	strace s3  }
0x9d: {  	_ =	strace $0x8FFFFFFF  }
0x9e: {  	s18 =	sld [smem:$0x3FDB];
	_ =	sdelay $0x1  }
0x9f: {  	s19 =	simm.s32 $_scs_section_size  }
0xa0: {  	s5 =	simm.s32 $_size__tile_overlayer_lowered;
	s6 =	simm.s32 $_tile_overlayer_lowered  }
0xa1: {  	s22 =	simm.s32 $0x1BFF;
	s21 =	sshll.u32 s6, $0x1;
	s3 =	sadd.s32 s19, s18  }
0xa2: {  	s7 =	simm.s32 $0x0;
	s20 =	sshll.u32 s5, $0x1;
	s5 =	sadd.s32 s21, s3  }
0xa3: {  	[timem:s7], [sflag:s22] =	dma.local [hbm:s5], s20  }
0xa4: {  	_ =	swait.ge [sflag:s22], s20  }
0xa5: {  	s4 =	ssub.s32 $0x0, s20;
	[sflag:s22] =	ssyncset.done $0x0  }
0xa6: {  	[sflag:s22] =	ssyncadd.s32 s4;
	_ =	sdelay $0x1  }
0xa7: {  	s23 =	simm.s32 $0x1B8B  }
0xa8: {  	_ =	swait.ge [sflag:s23], $0x1  }
0xa9: {  	[sflag:s23] =	ssyncset.done $0x0  }
0xaa: {  	s25 =	simm.s32 $0x1B8E;
	s24 =	sld [smem:$0x3FFE];
	[sflag:s23] =	ssyncadd.s32 $0xFFFFFFFF  }
0xab: {  	s26 =	simm.s32 $execute0_lowered;
	[smem:$0x3FD2] =	sst s25  }
0xac: {  	s5 =	sshll.u32 s26, $0x1;
	_ =	strace $0x80000046;
	[dreg:$0x1] =	wrdreg $0xFFFFFFFF  }
0xad: {  	s28 =	simm.s32 $_size_execute0_lowered;
	s3 =	sadd.s32 s3, s5;
	[dreg:$0x0] =	wrdreg $0x0  }
0xae: {  	s5 =	sshll.u32 s28, $0x1;
	[dreg:$0x2] =	wrdreg s3  }
0xaf: {  	[dreg:$0x3] =	wrdreg s5  }
0xb0: {  	[dreg:$0x4] =	wrdreg $0xC0  }
0xb1: {  	_ =	task [dreg:s7], $0x5FFFF  }
0xb2: {  	[dreg:$0x1] =	wrdreg $0xFFFFFFFF  }
0xb3: {  	[dreg:$0x0] =	wrdreg $0x60  }
0xb4: {  	[dreg:$0x2] =	wrdreg s24  }
0xb5: {  	[dreg:$0x3] =	wrdreg s16  }
0xb6: {  	[dreg:$0x4] =	wrdreg $0x9  }
0xb7: {  	_ =	task.clear_ibuf [dreg:s7], $0x5FFFF;
	_ =	strace $0x90000046  }
0xb8: {  	s29 =	simm.s32 $0x9;
	_ =	strace $0x80000048  }
0xb9: {  	_ =	swait.ge [sflag:s29], $0x1  }
0xba: {  	[sflag:s29] =	ssyncadd.s32 $0xFFFFFFFF  }
0xbb: {  	_ =	strace $0x90000048  }
0xbc: {  	_ =	sfence  }
0xbd: {  	s30 =	sld [smem:$0x0];
	_ =	sdelay $0x2  }
0xbe: {  	s31 =	sshll.u32 s1, $0xD;
	s1 =	sshrl.u32 s1, $0x2  }
0xbf: {  	s3 =	sand.u32 $0x4000, s31;
	s1 =	sadd.s32 s1, s30  }
0xc0: {  	s0 =	sor.u32 s3, s0;
	s1 =	sshll.u32 s1, $0x11  }
0xc1: {  	s0 =	sor.u32 s1, s0  }
0xc2: {  	s0 =	sadd.s32 $0x8F2B, s0  }
0xc3: {  	[sflag:s0] =	ssyncadd.remote.s32 $0x1  }
0xc4: {  	_ =	sfence.sel $0xFFFF  }
0xc5: {  	[dreg:$0x0] =	wrdreg $0xFFFFFFFF;
	(pc) =	sbr.abs _section_cstart, $3  }
0xc6: {  	[dreg:$0x1] =	wrdreg $0xFFFFFFFF  }
0xc7: {  	_ =	task.clear_ibuf [dreg:s7], $0x2FFFF;
	_ =	strace $0x9FFFFFFF  }
0xc8: {  	(tm) =	ssettm $0x7FFFFFFF  }
0xc9: {  	_ =	shalt  }
tec
execute0_lowered:
.L_overlay_start_1:
0x0: {  	(tag) =	ssettag $0x1  }
0x1: {  	s1 =	srdreg.scid  }
0x2: {  	s0 =	stileid.u32;
	s1 =	sand.u32 $0x1, s1  }
0x3: {  	s2 =	sor.u32 s1, s0  }
0x4: {  	p1 =	seq.s32 s1, $0x1;
	p0 =	seq.s32 s2, $0x0  }
0x5: {  	p0 =	por !p0, !p1  }
0x6: {  	s2 =	simm.s32 $0x1;
	p0 =	por !p0, !p0  }
0x7: {  	s2 =	simm.s32 @!p0 $0x0  }
0x8: {  	s2 =	ssub.s32 s0, s2  }
0x9: {  	s3 =	sand.u32 $0x7, s2  }
0xa: {  	s4 =	sand.u32 $0xE0, s2;
	p5 =	slt.s32 s2, $0x1;
	p6 =	sne.s32 s3, $0x0  }
0xb: {  	s26 =	sshrl.u32 s4, $0x5;
	p0 =	por !p5, !p6  }
0xc: {  	s4 =	simm.s32 $0x1;
	s3 =	sadd.s32 s26, s2;
	p0 =	por !p0, !p0  }
0xd: {  	s5 =	rddreg [dreg:$0x1];
	s3 =	sshrl.u32 s3, $0x3;
	s4 =	simm.s32 @!p0 $0x0  }
0xe: {  	s8 =	sshll.u32 s1, $0xB;
	s7 =	sshll.u32 s2, $0xC;
	s3 =	ssub.s32 s3, s4  }
0xf: {  	s0 =	sshll.u32 s1, $0xF;
	s8 =	sor.u32 s8, s7;
	s3 =	sshll.u32 s3, $0x10  }
0x10: {  	s2 =	simm.s32 $0x0;
	s9 =	sshrl.u32 s8, $0x3;
	s3 =	sand.u32 $0x1FFF0000, s3  }
0x11: {  	[smem:$0x7FF] =	sst s2;
	s3 =	sor.u32 s0, s3;
	s0 =	sadd.s32 s5, s9  }
0x12: {  	s6 =	rddreg [dreg:$0x0];
	_ =	strace $0x80000047;
	s11 =	sadd.s32 $0x10, s0  }
0x13: {  	[tilespmem:s2], [sflag:$0x1] =	stream.linear.gather [hbm4b:s0+s2], $0x80, $0x38;
	[tilespmem:$0x8100] =	vst v63  }
0x14: {  	s13 =	sadd.s32 $0x20, s0;
	[dreg:$0x4] =	wrdreg s11  }
0x15: {  	s15 =	sadd.s32 $0x30, s0;
	[dreg:$0x6] =	wrdreg s13  }
0x16: {  	s17 =	sadd.s32 $0x40, s0;
	[dreg:$0x8] =	wrdreg s15  }
0x17: {  	s31 =	sadd.s32 s3, s6;
	s5 =	sadd.s32 $0x50, s0;
	[dreg:$0xa] =	wrdreg s17  }
0x18: {  	s10 =	sadd.s32 $0xE00, s31;
	[dreg:$0xc] =	wrdreg s5  }
0x19: {  	s12 =	sadd.s32 $0x1600, s31;
	[dreg:$0x3] =	wrdreg s10  }
0x1a: {  	s14 =	sadd.s32 $0x1E00, s31;
	[dreg:$0x5] =	wrdreg s12  }
0x1b: {  	s16 =	sadd.s32 $0x2600, s31;
	[dreg:$0x7] =	wrdreg s14  }
0x1c: {  	s18 =	sadd.s32 $0x2E00, s31;
	[dreg:$0x9] =	wrdreg s16  }
0x1d: {  	[dreg:$0xb] =	wrdreg s18  }
0x1e: {  	s4 =	simm.s32 $0x1;
	s5 =	simm.s32 $0x100;
	s19 =	rddreg [dreg:$0x3]  }
0x1f: {  	[tilespmem:s5], [sflag:$0x1] =	stream.linear.gather [hbm4b:s19+s2], $0x4000, $0x38;
	[tilespmem:$0x8100] =	vst v63  }
0x20: {  	_ =	swait.ge [sflag:s4], $0x80  }
0x21: {  	[sflag:s4] =	ssyncset.done $0x0  }
0x22: {  	[sflag:s4] =	ssyncadd.s32 $0xFFFFFF80  }
0x23: {  	_ =	swait.ge [sflag:s4], $0x4000  }
0x24: {  	[sflag:s4] =	ssyncset.done $0x0  }
0x25: {  	s7 =	simm.s32 $0x80;
	s6 =	sadd.s32 $0x20E00, s6;
	[sflag:s4] =	ssyncadd.s32 $0xFFFFC000  }
0x26: {  	[hbm4b:s6+s7] =	stream.indirect.scatter [tilespmem:s5], [sflag:$0x2], $0x80, s2, s7, $0xb8;
	[tilespmem:$0x8100] =	vst v63  }
0x27: {  	s20 =	rddreg [dreg:$0x4]  }
0x28: {  	[tilespmem:s7], [sflag:$0x1] =	stream.linear.gather [hbm4b:s20+s2], $0x80, $0x38;
	[tilespmem:$0x8100] =	vst v63  }
0x29: {  	s8 =	simm.s32 $0x4100;
	s9 =	rddreg [dreg:$0x5]  }
0x2a: {  	[tilespmem:s8], [sflag:$0x1] =	stream.linear.gather [hbm4b:s9+s2], $0x4000, $0x38;
	[tilespmem:$0x8100] =	vst v63  }
0x2b: {  	_ =	swait.ge [sflag:s4], $0x80  }
0x2c: {  	[sflag:s4] =	ssyncset.done $0x0  }
0x2d: {  	[sflag:s4] =	ssyncadd.s32 $0xFFFFFF80  }
0x2e: {  	_ =	swait.ge [sflag:s4], $0x4000  }
0x2f: {  	[sflag:s4] =	ssyncset.done $0x0  }
0x30: {  	s9 =	simm.s32 $0x2;
	[sflag:s4] =	ssyncadd.s32 $0xFFFFC000  }
0x31: {  	[hbm4b:s6+s7] =	stream.indirect.scatter [tilespmem:s8], [sflag:$0x2], $0x80, s7, s7, $0xb8;
	[tilespmem:$0x8100] =	vst v63  }
0x32: {  	_ =	swait.ge [sflag:s9], $0x4000  }
0x33: {  	[sflag:s9] =	ssyncset.done $0x0  }
0x34: {  	s10 =	rddreg [dreg:$0x6];
	[sflag:s9] =	ssyncadd.s32 $0xFFFFC000  }
0x35: {  	[tilespmem:s2], [sflag:$0x1] =	stream.linear.gather [hbm4b:s10+s2], $0x80, $0x38;
	[tilespmem:$0x8100] =	vst v63  }
0x36: {  	s11 =	rddreg [dreg:$0x7]  }
0x37: {  	[tilespmem:s5], [sflag:$0x1] =	stream.linear.gather [hbm4b:s11+s2], $0x4000, $0x38;
	[tilespmem:$0x8100] =	vst v63  }
0x38: {  	_ =	swait.ge [sflag:s4], $0x80  }
0x39: {  	[sflag:s4] =	ssyncset.done $0x0  }
0x3a: {  	[sflag:s4] =	ssyncadd.s32 $0xFFFFFF80  }
0x3b: {  	_ =	swait.ge [sflag:s4], $0x4000  }
0x3c: {  	[sflag:s4] =	ssyncset.done $0x0  }
0x3d: {  	[sflag:s4] =	ssyncadd.s32 $0xFFFFC000  }
0x3e: {  	[hbm4b:s6+s7] =	stream.indirect.scatter [tilespmem:s5], [sflag:$0x2], $0x80, s2, s7, $0xb8;
	[tilespmem:$0x8100] =	vst v63  }
0x3f: {  	_ =	swait.ge [sflag:s9], $0x4000  }
0x40: {  	[sflag:s9] =	ssyncset.done $0x0  }
0x41: {  	s21 =	rddreg [dreg:$0x8];
	[sflag:s9] =	ssyncadd.s32 $0xFFFFC000  }
0x42: {  	[tilespmem:s7], [sflag:$0x1] =	stream.linear.gather [hbm4b:s21+s2], $0x80, $0x38;
	[tilespmem:$0x8100] =	vst v63  }
0x43: {  	s22 =	rddreg [dreg:$0x9]  }
0x44: {  	[tilespmem:s8], [sflag:$0x1] =	stream.linear.gather [hbm4b:s22+s2], $0x4000, $0x38;
	[tilespmem:$0x8100] =	vst v63  }
0x45: {  	_ =	swait.ge [sflag:s4], $0x80  }
0x46: {  	[sflag:s4] =	ssyncset.done $0x0  }
0x47: {  	[sflag:s4] =	ssyncadd.s32 $0xFFFFFF80  }
0x48: {  	_ =	swait.ge [sflag:s4], $0x4000  }
0x49: {  	[sflag:s4] =	ssyncset.done $0x0  }
0x4a: {  	[sflag:s4] =	ssyncadd.s32 $0xFFFFC000  }
0x4b: {  	[hbm4b:s6+s7] =	stream.indirect.scatter [tilespmem:s8], [sflag:$0x2], $0x80, s7, s7, $0xb8;
	[tilespmem:$0x8100] =	vst v63  }
0x4c: {  	_ =	swait.ge [sflag:s9], $0x4000  }
0x4d: {  	[sflag:s9] =	ssyncset.done $0x0  }
0x4e: {  	s23 =	rddreg [dreg:$0xa];
	[sflag:s9] =	ssyncadd.s32 $0xFFFFC000  }
0x4f: {  	[tilespmem:s2], [sflag:$0x1] =	stream.linear.gather [hbm4b:s23+s2], $0x80, $0x38;
	[tilespmem:$0x8100] =	vst v63  }
0x50: {  	s24 =	rddreg [dreg:$0xb]  }
0x51: {  	[tilespmem:s5], [sflag:$0x1] =	stream.linear.gather [hbm4b:s24+s2], $0x4000, $0x38;
	[tilespmem:$0x8100] =	vst v63  }
0x52: {  	_ =	swait.ge [sflag:s4], $0x80  }
0x53: {  	[sflag:s4] =	ssyncset.done $0x0  }
0x54: {  	[sflag:s4] =	ssyncadd.s32 $0xFFFFFF80  }
0x55: {  	_ =	swait.ge [sflag:s4], $0x4000  }
0x56: {  	[sflag:s4] =	ssyncset.done $0x0  }
0x57: {  	[sflag:s4] =	ssyncadd.s32 $0xFFFFC000  }
0x58: {  	[hbm4b:s6+s7] =	stream.indirect.scatter [tilespmem:s5], [sflag:$0x2], $0x80, s2, s7, $0xb8;
	[tilespmem:$0x8100] =	vst v63  }
0x59: {  	_ =	swait.ge [sflag:s9], $0x4000  }
0x5a: {  	[sflag:s9] =	ssyncset.done $0x0  }
0x5b: {  	s26 =	sadd.s32 $0x3600, s31;
	s25 =	rddreg [dreg:$0xc];
	[sflag:s9] =	ssyncadd.s32 $0xFFFFC000  }
0x5c: {  	[tilespmem:s7], [sflag:$0x1] =	stream.linear.gather [hbm4b:s25+s2], $0x80, $0x38;
	[tilespmem:$0x8100] =	vst v63  }
0x5d: {  	[dreg:$0xd] =	wrdreg s26  }
0x5e: {  	[tilespmem:s8], [sflag:$0x1] =	stream.linear.gather [hbm4b:s26+s2], $0x4000, $0x38;
	[tilespmem:$0x8100] =	vst v63  }
0x5f: {  	_ =	swait.ge [sflag:s4], $0x80  }
0x60: {  	[sflag:s4] =	ssyncset.done $0x0  }
0x61: {  	[sflag:s4] =	ssyncadd.s32 $0xFFFFFF80  }
0x62: {  	_ =	swait.ge [sflag:s4], $0x4000  }
0x63: {  	[sflag:s4] =	ssyncset.done $0x0  }
0x64: {  	[sflag:s4] =	ssyncadd.s32 $0xFFFFC000  }
0x65: {  	[hbm4b:s6+s7] =	stream.indirect.scatter [tilespmem:s8], [sflag:$0x2], $0x80, s7, s7, $0xb8;
	[tilespmem:$0x8100] =	vst v63  }
0x66: {  	_ =	swait.ge [sflag:s9], $0x4000  }
0x67: {  	[sflag:s9] =	ssyncset.done $0x0  }
0x68: {  	s11 =	sadd.s32 $0x60, s0;
	[sflag:s9] =	ssyncadd.s32 $0xFFFFC000  }
0x69: {  	[tilespmem:s2], [sflag:$0x1] =	stream.linear.gather [hbm4b:s11+s2], $0x80, $0x38;
	[tilespmem:$0x8100] =	vst v63  }
0x6a: {  	s12 =	sadd.s32 $0x3E00, s31  }
0x6b: {  	[tilespmem:s5], [sflag:$0x1] =	stream.linear.gather [hbm4b:s12+s2], $0x4000, $0x38;
	[tilespmem:$0x8100] =	vst v63  }
0x6c: {  	_ =	swait.ge [sflag:s4], $0x80  }
0x6d: {  	[sflag:s4] =	ssyncset.done $0x0  }
0x6e: {  	[sflag:s4] =	ssyncadd.s32 $0xFFFFFF80  }
0x6f: {  	_ =	swait.ge [sflag:s4], $0x4000  }
0x70: {  	[sflag:s4] =	ssyncset.done $0x0  }
0x71: {  	[sflag:s4] =	ssyncadd.s32 $0xFFFFC000  }
0x72: {  	[hbm4b:s6+s7] =	stream.indirect.scatter [tilespmem:s5], [sflag:$0x2], $0x80, s2, s7, $0xb8;
	[tilespmem:$0x8100] =	vst v63  }
0x73: {  	_ =	swait.ge [sflag:s9], $0x4000  }
0x74: {  	[sflag:s9] =	ssyncset.done $0x0  }
0x75: {  	s13 =	sadd.s32 $0x70, s0;
	[sflag:s9] =	ssyncadd.s32 $0xFFFFC000  }
0x76: {  	[tilespmem:s7], [sflag:$0x1] =	stream.linear.gather [hbm4b:s13+s2], $0x80, $0x38;
	[tilespmem:$0x8100] =	vst v63  }
0x77: {  	s14 =	sadd.s32 $0x4600, s31  }
0x78: {  	[tilespmem:s8], [sflag:$0x1] =	stream.linear.gather [hbm4b:s14+s2], $0x4000, $0x38;
	[tilespmem:$0x8100] =	vst v63  }
0x79: {  	_ =	swait.ge [sflag:s4], $0x80  }
0x7a: {  	[sflag:s4] =	ssyncset.done $0x0  }
0x7b: {  	[sflag:s4] =	ssyncadd.s32 $0xFFFFFF80  }
0x7c: {  	_ =	swait.ge [sflag:s4], $0x4000  }
0x7d: {  	[sflag:s4] =	ssyncset.done $0x0  }
0x7e: {  	[sflag:s4] =	ssyncadd.s32 $0xFFFFC000  }
0x7f: {  	[hbm4b:s6+s7] =	stream.indirect.scatter [tilespmem:s8], [sflag:$0x2], $0x80, s7, s7, $0xb8;
	[tilespmem:$0x8100] =	vst v63  }
0x80: {  	_ =	swait.ge [sflag:s9], $0x4000  }
0x81: {  	[sflag:s9] =	ssyncset.done $0x0  }
0x82: {  	s15 =	sadd.s32 $0x80, s0;
	[sflag:s9] =	ssyncadd.s32 $0xFFFFC000  }
0x83: {  	[tilespmem:s2], [sflag:$0x1] =	stream.linear.gather [hbm4b:s15+s2], $0x80, $0x38;
	[tilespmem:$0x8100] =	vst v63  }
0x84: {  	s16 =	sadd.s32 $0x4E00, s31  }
0x85: {  	[tilespmem:s5], [sflag:$0x1] =	stream.linear.gather [hbm4b:s16+s2], $0x4000, $0x38;
	[tilespmem:$0x8100] =	vst v63  }
0x86: {  	_ =	swait.ge [sflag:s4], $0x80  }
0x87: {  	[sflag:s4] =	ssyncset.done $0x0  }
0x88: {  	[sflag:s4] =	ssyncadd.s32 $0xFFFFFF80  }
0x89: {  	_ =	swait.ge [sflag:s4], $0x4000  }
0x8a: {  	[sflag:s4] =	ssyncset.done $0x0  }
0x8b: {  	[sflag:s4] =	ssyncadd.s32 $0xFFFFC000  }
0x8c: {  	[hbm4b:s6+s7] =	stream.indirect.scatter [tilespmem:s5], [sflag:$0x2], $0x80, s2, s7, $0xb8;
	[tilespmem:$0x8100] =	vst v63  }
0x8d: {  	_ =	swait.ge [sflag:s9], $0x4000  }
0x8e: {  	[sflag:s9] =	ssyncset.done $0x0  }
0x8f: {  	s17 =	sadd.s32 $0x90, s0;
	[sflag:s9] =	ssyncadd.s32 $0xFFFFC000  }
0x90: {  	[tilespmem:s7], [sflag:$0x1] =	stream.linear.gather [hbm4b:s17+s2], $0x80, $0x38;
	[tilespmem:$0x8100] =	vst v63  }
0x91: {  	s18 =	sadd.s32 $0x5600, s31  }
0x92: {  	[tilespmem:s8], [sflag:$0x1] =	stream.linear.gather [hbm4b:s18+s2], $0x4000, $0x38;
	[tilespmem:$0x8100] =	vst v63  }
0x93: {  	_ =	swait.ge [sflag:s4], $0x80  }
0x94: {  	[sflag:s4] =	ssyncset.done $0x0  }
0x95: {  	[sflag:s4] =	ssyncadd.s32 $0xFFFFFF80  }
0x96: {  	_ =	swait.ge [sflag:s4], $0x4000  }
0x97: {  	[sflag:s4] =	ssyncset.done $0x0  }
0x98: {  	[sflag:s4] =	ssyncadd.s32 $0xFFFFC000  }
0x99: {  	[hbm4b:s6+s7] =	stream.indirect.scatter [tilespmem:s8], [sflag:$0x2], $0x80, s7, s7, $0xb8;
	[tilespmem:$0x8100] =	vst v63  }
0x9a: {  	_ =	swait.ge [sflag:s9], $0x4000  }
0x9b: {  	[sflag:s9] =	ssyncset.done $0x0  }
0x9c: {  	s19 =	sadd.s32 $0xA0, s0;
	[sflag:s9] =	ssyncadd.s32 $0xFFFFC000  }
0x9d: {  	[tilespmem:s2], [sflag:$0x1] =	stream.linear.gather [hbm4b:s19+s2], $0x80, $0x38;
	[tilespmem:$0x8100] =	vst v63  }
0x9e: {  	s20 =	sadd.s32 $0x5E00, s31  }
0x9f: {  	[tilespmem:s5], [sflag:$0x1] =	stream.linear.gather [hbm4b:s20+s2], $0x4000, $0x38;
	[tilespmem:$0x8100] =	vst v63  }
0xa0: {  	_ =	swait.ge [sflag:s4], $0x80  }
0xa1: {  	[sflag:s4] =	ssyncset.done $0x0  }
0xa2: {  	[sflag:s4] =	ssyncadd.s32 $0xFFFFFF80  }
0xa3: {  	_ =	swait.ge [sflag:s4], $0x4000  }
0xa4: {  	[sflag:s4] =	ssyncset.done $0x0  }
0xa5: {  	[sflag:s4] =	ssyncadd.s32 $0xFFFFC000  }
0xa6: {  	[hbm4b:s6+s7] =	stream.indirect.scatter [tilespmem:s5], [sflag:$0x2], $0x80, s2, s7, $0xb8;
	[tilespmem:$0x8100] =	vst v63  }
0xa7: {  	_ =	swait.ge [sflag:s9], $0x4000  }
0xa8: {  	[sflag:s9] =	ssyncset.done $0x0  }
0xa9: {  	s21 =	sadd.s32 $0xB0, s0;
	[sflag:s9] =	ssyncadd.s32 $0xFFFFC000  }
0xaa: {  	[tilespmem:s7], [sflag:$0x1] =	stream.linear.gather [hbm4b:s21+s2], $0x80, $0x38;
	[tilespmem:$0x8100] =	vst v63  }
0xab: {  	s22 =	sadd.s32 $0x6600, s31  }
0xac: {  	[tilespmem:s8], [sflag:$0x1] =	stream.linear.gather [hbm4b:s22+s2], $0x4000, $0x38;
	[tilespmem:$0x8100] =	vst v63  }
0xad: {  	_ =	swait.ge [sflag:s4], $0x80  }
0xae: {  	[sflag:s4] =	ssyncset.done $0x0  }
0xaf: {  	[sflag:s4] =	ssyncadd.s32 $0xFFFFFF80  }
0xb0: {  	_ =	swait.ge [sflag:s4], $0x4000  }
0xb1: {  	[sflag:s4] =	ssyncset.done $0x0  }
0xb2: {  	[sflag:s4] =	ssyncadd.s32 $0xFFFFC000  }
0xb3: {  	[hbm4b:s6+s7] =	stream.indirect.scatter [tilespmem:s8], [sflag:$0x2], $0x80, s7, s7, $0xb8;
	[tilespmem:$0x8100] =	vst v63  }
0xb4: {  	_ =	swait.ge [sflag:s9], $0x4000  }
0xb5: {  	[sflag:s9] =	ssyncset.done $0x0  }
0xb6: {  	s23 =	sadd.s32 $0xC0, s0;
	[sflag:s9] =	ssyncadd.s32 $0xFFFFC000  }
0xb7: {  	[tilespmem:s2], [sflag:$0x1] =	stream.linear.gather [hbm4b:s23+s2], $0x80, $0x38;
	[tilespmem:$0x8100] =	vst v63  }
0xb8: {  	s24 =	sadd.s32 $0x6E00, s31  }
0xb9: {  	[tilespmem:s5], [sflag:$0x1] =	stream.linear.gather [hbm4b:s24+s2], $0x4000, $0x38;
	[tilespmem:$0x8100] =	vst v63  }
0xba: {  	_ =	swait.ge [sflag:s4], $0x80  }
0xbb: {  	[sflag:s4] =	ssyncset.done $0x0  }
0xbc: {  	[sflag:s4] =	ssyncadd.s32 $0xFFFFFF80  }
0xbd: {  	_ =	swait.ge [sflag:s4], $0x4000  }
0xbe: {  	[sflag:s4] =	ssyncset.done $0x0  }
0xbf: {  	[sflag:s4] =	ssyncadd.s32 $0xFFFFC000  }
0xc0: {  	[hbm4b:s6+s7] =	stream.indirect.scatter [tilespmem:s5], [sflag:$0x2], $0x80, s2, s7, $0xb8;
	[tilespmem:$0x8100] =	vst v63  }
0xc1: {  	_ =	swait.ge [sflag:s9], $0x4000  }
0xc2: {  	[sflag:s9] =	ssyncset.done $0x0  }
0xc3: {  	s25 =	sadd.s32 $0xD0, s0;
	[sflag:s9] =	ssyncadd.s32 $0xFFFFC000  }
0xc4: {  	[tilespmem:s7], [sflag:$0x1] =	stream.linear.gather [hbm4b:s25+s2], $0x80, $0x38;
	[tilespmem:$0x8100] =	vst v63  }
0xc5: {  	s26 =	sadd.s32 $0x7600, s31  }
0xc6: {  	[tilespmem:s8], [sflag:$0x1] =	stream.linear.gather [hbm4b:s26+s2], $0x4000, $0x38;
	[tilespmem:$0x8100] =	vst v63  }
0xc7: {  	_ =	swait.ge [sflag:s4], $0x80  }
0xc8: {  	[sflag:s4] =	ssyncset.done $0x0  }
0xc9: {  	[sflag:s4] =	ssyncadd.s32 $0xFFFFFF80  }
0xca: {  	_ =	swait.ge [sflag:s4], $0x4000  }
0xcb: {  	[sflag:s4] =	ssyncset.done $0x0  }
0xcc: {  	[sflag:s4] =	ssyncadd.s32 $0xFFFFC000  }
0xcd: {  	[hbm4b:s6+s7] =	stream.indirect.scatter [tilespmem:s8], [sflag:$0x2], $0x80, s7, s7, $0xb8;
	[tilespmem:$0x8100] =	vst v63  }
0xce: {  	_ =	swait.ge [sflag:s9], $0x4000  }
0xcf: {  	[sflag:s9] =	ssyncset.done $0x0  }
0xd0: {  	s28 =	sadd.s32 $0xE0, s0;
	[sflag:s9] =	ssyncadd.s32 $0xFFFFC000  }
0xd1: {  	[tilespmem:s2], [sflag:$0x1] =	stream.linear.gather [hbm4b:s28+s2], $0x80, $0x38;
	[tilespmem:$0x8100] =	vst v63  }
0xd2: {  	s29 =	sadd.s32 $0x7E00, s31  }
0xd3: {  	[tilespmem:s5], [sflag:$0x1] =	stream.linear.gather [hbm4b:s29+s2], $0x4000, $0x38;
	[tilespmem:$0x8100] =	vst v63  }
0xd4: {  	_ =	swait.ge [sflag:s4], $0x80  }
0xd5: {  	[sflag:s4] =	ssyncset.done $0x0  }
0xd6: {  	[sflag:s4] =	ssyncadd.s32 $0xFFFFFF80  }
0xd7: {  	_ =	swait.ge [sflag:s4], $0x4000  }
0xd8: {  	[sflag:s4] =	ssyncset.done $0x0  }
0xd9: {  	[sflag:s4] =	ssyncadd.s32 $0xFFFFC000  }
0xda: {  	[hbm4b:s6+s7] =	stream.indirect.scatter [tilespmem:s5], [sflag:$0x2], $0x80, s2, s7, $0xb8;
	[tilespmem:$0x8100] =	vst v63  }
0xdb: {  	_ =	swait.ge [sflag:s9], $0x4000  }
0xdc: {  	[sflag:s9] =	ssyncset.done $0x0  }
0xdd: {  	s30 =	sadd.s32 $0xF0, s0;
	[sflag:s9] =	ssyncadd.s32 $0xFFFFC000  }
0xde: {  	[tilespmem:s7], [sflag:$0x1] =	stream.linear.gather [hbm4b:s30+s2], $0x80, $0x38;
	[tilespmem:$0x8100] =	vst v63  }
0xdf: {  	s31 =	sadd.s32 $0x8600, s31  }
0xe0: {  	[tilespmem:s8], [sflag:$0x1] =	stream.linear.gather [hbm4b:s31+s2], $0x4000, $0x38;
	[tilespmem:$0x8100] =	vst v63  }
0xe1: {  	_ =	swait.ge [sflag:s4], $0x80  }
0xe2: {  	s1 =	ssub.s32 $0x2, s1;
	[sflag:s4] =	ssyncset.done $0x0  }
0xe3: {  	s3 =	sshrl.u32 s1, $0x1;
	[sflag:s4] =	ssyncadd.s32 $0xFFFFFF80  }
0xe4: {  	s10 =	smov.u32 s0;
	s0 =	ssub.s32 s1, s3;
	_ =	swait.ge [sflag:s4], $0x4000  }
0xe5: {  	s0 =	smax.u32 s0, $0x1;
	[sflag:s4] =	ssyncset.done $0x0  }
0xe6: {  	p0 =	sne.s32 s0, $0x1;
	[sflag:s4] =	ssyncadd.s32 $0xFFFFC000  }
0xe7: {  	[hbm4b:s6+s7] =	stream.indirect.scatter [tilespmem:s8], [sflag:$0x2], $0x80, s7, s7, $0xb8;
	[tilespmem:$0x8100] =	vst v63  }
.Ltmp0:
0xe8: {  	_ =	swait.ge [sflag:s9], $0x4000;
	(pc) =	sbr.rel @!p0 .LBB2_2-.Ltmp0, $4  }
0xe9: {  	[sflag:s9] =	ssyncset.done $0x0  }
0xea: {  	[sflag:s9] =	ssyncadd.s32 $0xFFFFC000  }
0xeb: {  	_ =	swait.ge [sflag:s9], $0x4000  }
0xec: {  	s1 =	sadd.s32 $0xFFFFFFFF, s0;
	[sflag:s9] =	ssyncset.done $0x0  }
.LBB2_1:
0xed: {  	[sflag:s9] =	ssyncadd.s32 $0xFFFFC000  }
0xee: {  	[tilespmem:s2], [sflag:$0x1] =	stream.linear.gather [hbm4b:s10+s2], $0x80, $0x38;
	[tilespmem:$0x8100] =	vst v63  }
0xef: {  	s0 =	rddreg [dreg:$0x3]  }
0xf0: {  	[tilespmem:s5], [sflag:$0x1] =	stream.linear.gather [hbm4b:s0+s2], $0x4000, $0x38;
	[tilespmem:$0x8100] =	vst v63  }
0xf1: {  	_ =	swait.ge [sflag:s4], $0x80  }
0xf2: {  	[sflag:s4] =	ssyncset.done $0x0  }
0xf3: {  	[sflag:s4] =	ssyncadd.s32 $0xFFFFFF80  }
0xf4: {  	_ =	swait.ge [sflag:s4], $0x4000  }
0xf5: {  	[sflag:s4] =	ssyncset.done $0x0  }
0xf6: {  	[sflag:s4] =	ssyncadd.s32 $0xFFFFC000  }
0xf7: {  	[hbm4b:s6+s7] =	stream.indirect.scatter [tilespmem:s5], [sflag:$0x2], $0x80, s2, s7, $0xb8;
	[tilespmem:$0x8100] =	vst v63  }
0xf8: {  	s0 =	rddreg [dreg:$0x4]  }
0xf9: {  	[tilespmem:s7], [sflag:$0x1] =	stream.linear.gather [hbm4b:s0+s2], $0x80, $0x38;
	[tilespmem:$0x8100] =	vst v63  }
0xfa: {  	s3 =	rddreg [dreg:$0x5]  }
0xfb: {  	[tilespmem:s8], [sflag:$0x1] =	stream.linear.gather [hbm4b:s3+s2], $0x4000, $0x38;
	[tilespmem:$0x8100] =	vst v63  }
0xfc: {  	_ =	swait.ge [sflag:s4], $0x80  }
0xfd: {  	[sflag:s4] =	ssyncset.done $0x0  }
0xfe: {  	[sflag:s4] =	ssyncadd.s32 $0xFFFFFF80  }
0xff: {  	_ =	swait.ge [sflag:s4], $0x4000  }
0x100: {  	[sflag:s4] =	ssyncset.done $0x0  }
0x101: {  	[sflag:s4] =	ssyncadd.s32 $0xFFFFC000  }
0x102: {  	[hbm4b:s6+s7] =	stream.indirect.scatter [tilespmem:s8], [sflag:$0x2], $0x80, s7, s7, $0xb8;
	[tilespmem:$0x8100] =	vst v63  }
0x103: {  	_ =	swait.ge [sflag:s9], $0x4000  }
0x104: {  	[sflag:s9] =	ssyncset.done $0x0  }
0x105: {  	s0 =	rddreg [dreg:$0x6];
	[sflag:s9] =	ssyncadd.s32 $0xFFFFC000  }
0x106: {  	[tilespmem:s2], [sflag:$0x1] =	stream.linear.gather [hbm4b:s0+s2], $0x80, $0x38;
	[tilespmem:$0x8100] =	vst v63  }
0x107: {  	s3 =	rddreg [dreg:$0x7]  }
0x108: {  	[tilespmem:s5], [sflag:$0x1] =	stream.linear.gather [hbm4b:s3+s2], $0x4000, $0x38;
	[tilespmem:$0x8100] =	vst v63  }
0x109: {  	_ =	swait.ge [sflag:s4], $0x80  }
0x10a: {  	[sflag:s4] =	ssyncset.done $0x0  }
0x10b: {  	[sflag:s4] =	ssyncadd.s32 $0xFFFFFF80  }
0x10c: {  	_ =	swait.ge [sflag:s4], $0x4000  }
0x10d: {  	[sflag:s4] =	ssyncset.done $0x0  }
0x10e: {  	[sflag:s4] =	ssyncadd.s32 $0xFFFFC000  }
0x10f: {  	[hbm4b:s6+s7] =	stream.indirect.scatter [tilespmem:s5], [sflag:$0x2], $0x80, s2, s7, $0xb8;
	[tilespmem:$0x8100] =	vst v63  }
0x110: {  	_ =	swait.ge [sflag:s9], $0x4000  }
0x111: {  	[sflag:s9] =	ssyncset.done $0x0  }
0x112: {  	s0 =	rddreg [dreg:$0x8];
	[sflag:s9] =	ssyncadd.s32 $0xFFFFC000  }
0x113: {  	[tilespmem:s7], [sflag:$0x1] =	stream.linear.gather [hbm4b:s0+s2], $0x80, $0x38;
	[tilespmem:$0x8100] =	vst v63  }
0x114: {  	s3 =	rddreg [dreg:$0x9]  }
0x115: {  	[tilespmem:s8], [sflag:$0x1] =	stream.linear.gather [hbm4b:s3+s2], $0x4000, $0x38;
	[tilespmem:$0x8100] =	vst v63  }
0x116: {  	_ =	swait.ge [sflag:s4], $0x80  }
0x117: {  	[sflag:s4] =	ssyncset.done $0x0  }
0x118: {  	[sflag:s4] =	ssyncadd.s32 $0xFFFFFF80  }
0x119: {  	_ =	swait.ge [sflag:s4], $0x4000  }
0x11a: {  	[sflag:s4] =	ssyncset.done $0x0  }
0x11b: {  	[sflag:s4] =	ssyncadd.s32 $0xFFFFC000  }
0x11c: {  	[hbm4b:s6+s7] =	stream.indirect.scatter [tilespmem:s8], [sflag:$0x2], $0x80, s7, s7, $0xb8;
	[tilespmem:$0x8100] =	vst v63  }
0x11d: {  	_ =	swait.ge [sflag:s9], $0x4000  }
0x11e: {  	[sflag:s9] =	ssyncset.done $0x0  }
0x11f: {  	s0 =	rddreg [dreg:$0xa];
	[sflag:s9] =	ssyncadd.s32 $0xFFFFC000  }
0x120: {  	[tilespmem:s2], [sflag:$0x1] =	stream.linear.gather [hbm4b:s0+s2], $0x80, $0x38;
	[tilespmem:$0x8100] =	vst v63  }
0x121: {  	s3 =	rddreg [dreg:$0xb]  }
0x122: {  	[tilespmem:s5], [sflag:$0x1] =	stream.linear.gather [hbm4b:s3+s2], $0x4000, $0x38;
	[tilespmem:$0x8100] =	vst v63  }
0x123: {  	_ =	swait.ge [sflag:s4], $0x80  }
0x124: {  	[sflag:s4] =	ssyncset.done $0x0  }
0x125: {  	[sflag:s4] =	ssyncadd.s32 $0xFFFFFF80  }
0x126: {  	_ =	swait.ge [sflag:s4], $0x4000  }
0x127: {  	[sflag:s4] =	ssyncset.done $0x0  }
0x128: {  	[sflag:s4] =	ssyncadd.s32 $0xFFFFC000  }
0x129: {  	[hbm4b:s6+s7] =	stream.indirect.scatter [tilespmem:s5], [sflag:$0x2], $0x80, s2, s7, $0xb8;
	[tilespmem:$0x8100] =	vst v63  }
0x12a: {  	_ =	swait.ge [sflag:s9], $0x4000  }
0x12b: {  	[sflag:s9] =	ssyncset.done $0x0  }
0x12c: {  	s3 =	rddreg [dreg:$0xc];
	[sflag:s9] =	ssyncadd.s32 $0xFFFFC000  }
0x12d: {  	[tilespmem:s7], [sflag:$0x1] =	stream.linear.gather [hbm4b:s3+s2], $0x80, $0x38;
	[tilespmem:$0x8100] =	vst v63  }
0x12e: {  	s3 =	rddreg [dreg:$0xd]  }
0x12f: {  	[tilespmem:s8], [sflag:$0x1] =	stream.linear.gather [hbm4b:s3+s2], $0x4000, $0x38;
	[tilespmem:$0x8100] =	vst v63  }
0x130: {  	_ =	swait.ge [sflag:s4], $0x80  }
0x131: {  	[sflag:s4] =	ssyncset.done $0x0  }
0x132: {  	[sflag:s4] =	ssyncadd.s32 $0xFFFFFF80  }
0x133: {  	_ =	swait.ge [sflag:s4], $0x4000  }
0x134: {  	[sflag:s4] =	ssyncset.done $0x0  }
0x135: {  	[sflag:s4] =	ssyncadd.s32 $0xFFFFC000  }
0x136: {  	[hbm4b:s6+s7] =	stream.indirect.scatter [tilespmem:s8], [sflag:$0x2], $0x80, s7, s7, $0xb8;
	[tilespmem:$0x8100] =	vst v63  }
0x137: {  	_ =	swait.ge [sflag:s9], $0x4000  }
0x138: {  	[sflag:s9] =	ssyncset.done $0x0  }
0x139: {  	[sflag:s9] =	ssyncadd.s32 $0xFFFFC000  }
0x13a: {  	[tilespmem:s2], [sflag:$0x1] =	stream.linear.gather [hbm4b:s11+s2], $0x80, $0x38;
	[tilespmem:$0x8100] =	vst v63  }
0x13b: {  	_ = 	snop  }
0x13c: {  	[tilespmem:s5], [sflag:$0x1] =	stream.linear.gather [hbm4b:s12+s2], $0x4000, $0x38;
	[tilespmem:$0x8100] =	vst v63  }
0x13d: {  	_ =	swait.ge [sflag:s4], $0x80  }
0x13e: {  	[sflag:s4] =	ssyncset.done $0x0  }
0x13f: {  	[sflag:s4] =	ssyncadd.s32 $0xFFFFFF80  }
0x140: {  	_ =	swait.ge [sflag:s4], $0x4000  }
0x141: {  	[sflag:s4] =	ssyncset.done $0x0  }
0x142: {  	[sflag:s4] =	ssyncadd.s32 $0xFFFFC000  }
0x143: {  	[hbm4b:s6+s7] =	stream.indirect.scatter [tilespmem:s5], [sflag:$0x2], $0x80, s2, s7, $0xb8;
	[tilespmem:$0x8100] =	vst v63  }
0x144: {  	_ =	swait.ge [sflag:s9], $0x4000  }
0x145: {  	[sflag:s9] =	ssyncset.done $0x0  }
0x146: {  	[sflag:s9] =	ssyncadd.s32 $0xFFFFC000  }
0x147: {  	[tilespmem:s7], [sflag:$0x1] =	stream.linear.gather [hbm4b:s13+s2], $0x80, $0x38;
	[tilespmem:$0x8100] =	vst v63  }
0x148: {  	_ = 	snop  }
0x149: {  	[tilespmem:s8], [sflag:$0x1] =	stream.linear.gather [hbm4b:s14+s2], $0x4000, $0x38;
	[tilespmem:$0x8100] =	vst v63  }
0x14a: {  	_ =	swait.ge [sflag:s4], $0x80  }
0x14b: {  	[sflag:s4] =	ssyncset.done $0x0  }
0x14c: {  	[sflag:s4] =	ssyncadd.s32 $0xFFFFFF80  }
0x14d: {  	_ =	swait.ge [sflag:s4], $0x4000  }
0x14e: {  	[sflag:s4] =	ssyncset.done $0x0  }
0x14f: {  	[sflag:s4] =	ssyncadd.s32 $0xFFFFC000  }
0x150: {  	[hbm4b:s6+s7] =	stream.indirect.scatter [tilespmem:s8], [sflag:$0x2], $0x80, s7, s7, $0xb8;
	[tilespmem:$0x8100] =	vst v63  }
0x151: {  	_ =	swait.ge [sflag:s9], $0x4000  }
0x152: {  	[sflag:s9] =	ssyncset.done $0x0  }
0x153: {  	[sflag:s9] =	ssyncadd.s32 $0xFFFFC000  }
0x154: {  	[tilespmem:s2], [sflag:$0x1] =	stream.linear.gather [hbm4b:s15+s2], $0x80, $0x38;
	[tilespmem:$0x8100] =	vst v63  }
0x155: {  	_ = 	snop  }
0x156: {  	[tilespmem:s5], [sflag:$0x1] =	stream.linear.gather [hbm4b:s16+s2], $0x4000, $0x38;
	[tilespmem:$0x8100] =	vst v63  }
0x157: {  	_ =	swait.ge [sflag:s4], $0x80  }
0x158: {  	[sflag:s4] =	ssyncset.done $0x0  }
0x159: {  	[sflag:s4] =	ssyncadd.s32 $0xFFFFFF80  }
0x15a: {  	_ =	swait.ge [sflag:s4], $0x4000  }
0x15b: {  	[sflag:s4] =	ssyncset.done $0x0  }
0x15c: {  	[sflag:s4] =	ssyncadd.s32 $0xFFFFC000  }
0x15d: {  	[hbm4b:s6+s7] =	stream.indirect.scatter [tilespmem:s5], [sflag:$0x2], $0x80, s2, s7, $0xb8;
	[tilespmem:$0x8100] =	vst v63  }
0x15e: {  	_ =	swait.ge [sflag:s9], $0x4000  }
0x15f: {  	[sflag:s9] =	ssyncset.done $0x0  }
0x160: {  	[sflag:s9] =	ssyncadd.s32 $0xFFFFC000  }
0x161: {  	[tilespmem:s7], [sflag:$0x1] =	stream.linear.gather [hbm4b:s17+s2], $0x80, $0x38;
	[tilespmem:$0x8100] =	vst v63  }
0x162: {  	_ = 	snop  }
0x163: {  	[tilespmem:s8], [sflag:$0x1] =	stream.linear.gather [hbm4b:s18+s2], $0x4000, $0x38;
	[tilespmem:$0x8100] =	vst v63  }
0x164: {  	_ =	swait.ge [sflag:s4], $0x80  }
0x165: {  	[sflag:s4] =	ssyncset.done $0x0  }
0x166: {  	[sflag:s4] =	ssyncadd.s32 $0xFFFFFF80  }
0x167: {  	_ =	swait.ge [sflag:s4], $0x4000  }
0x168: {  	[sflag:s4] =	ssyncset.done $0x0  }
0x169: {  	[sflag:s4] =	ssyncadd.s32 $0xFFFFC000  }
0x16a: {  	[hbm4b:s6+s7] =	stream.indirect.scatter [tilespmem:s8], [sflag:$0x2], $0x80, s7, s7, $0xb8;
	[tilespmem:$0x8100] =	vst v63  }
0x16b: {  	_ =	swait.ge [sflag:s9], $0x4000  }
0x16c: {  	[sflag:s9] =	ssyncset.done $0x0  }
0x16d: {  	[sflag:s9] =	ssyncadd.s32 $0xFFFFC000  }
0x16e: {  	[tilespmem:s2], [sflag:$0x1] =	stream.linear.gather [hbm4b:s19+s2], $0x80, $0x38;
	[tilespmem:$0x8100] =	vst v63  }
0x16f: {  	_ = 	snop  }
0x170: {  	[tilespmem:s5], [sflag:$0x1] =	stream.linear.gather [hbm4b:s20+s2], $0x4000, $0x38;
	[tilespmem:$0x8100] =	vst v63  }
0x171: {  	_ =	swait.ge [sflag:s4], $0x80  }
0x172: {  	[sflag:s4] =	ssyncset.done $0x0  }
0x173: {  	[sflag:s4] =	ssyncadd.s32 $0xFFFFFF80  }
0x174: {  	_ =	swait.ge [sflag:s4], $0x4000  }
0x175: {  	[sflag:s4] =	ssyncset.done $0x0  }
0x176: {  	[sflag:s4] =	ssyncadd.s32 $0xFFFFC000  }
0x177: {  	[hbm4b:s6+s7] =	stream.indirect.scatter [tilespmem:s5], [sflag:$0x2], $0x80, s2, s7, $0xb8;
	[tilespmem:$0x8100] =	vst v63  }
0x178: {  	_ =	swait.ge [sflag:s9], $0x4000  }
0x179: {  	[sflag:s9] =	ssyncset.done $0x0  }
0x17a: {  	[sflag:s9] =	ssyncadd.s32 $0xFFFFC000  }
0x17b: {  	[tilespmem:s7], [sflag:$0x1] =	stream.linear.gather [hbm4b:s21+s2], $0x80, $0x38;
	[tilespmem:$0x8100] =	vst v63  }
0x17c: {  	_ = 	snop  }
0x17d: {  	[tilespmem:s8], [sflag:$0x1] =	stream.linear.gather [hbm4b:s22+s2], $0x4000, $0x38;
	[tilespmem:$0x8100] =	vst v63  }
0x17e: {  	_ =	swait.ge [sflag:s4], $0x80  }
0x17f: {  	[sflag:s4] =	ssyncset.done $0x0  }
0x180: {  	[sflag:s4] =	ssyncadd.s32 $0xFFFFFF80  }
0x181: {  	_ =	swait.ge [sflag:s4], $0x4000  }
0x182: {  	[sflag:s4] =	ssyncset.done $0x0  }
0x183: {  	[sflag:s4] =	ssyncadd.s32 $0xFFFFC000  }
0x184: {  	[hbm4b:s6+s7] =	stream.indirect.scatter [tilespmem:s8], [sflag:$0x2], $0x80, s7, s7, $0xb8;
	[tilespmem:$0x8100] =	vst v63  }
0x185: {  	_ =	swait.ge [sflag:s9], $0x4000  }
0x186: {  	[sflag:s9] =	ssyncset.done $0x0  }
0x187: {  	[sflag:s9] =	ssyncadd.s32 $0xFFFFC000  }
0x188: {  	[tilespmem:s2], [sflag:$0x1] =	stream.linear.gather [hbm4b:s23+s2], $0x80, $0x38;
	[tilespmem:$0x8100] =	vst v63  }
0x189: {  	_ = 	snop  }
0x18a: {  	[tilespmem:s5], [sflag:$0x1] =	stream.linear.gather [hbm4b:s24+s2], $0x4000, $0x38;
	[tilespmem:$0x8100] =	vst v63  }
0x18b: {  	_ =	swait.ge [sflag:s4], $0x80  }
0x18c: {  	[sflag:s4] =	ssyncset.done $0x0  }
0x18d: {  	[sflag:s4] =	ssyncadd.s32 $0xFFFFFF80  }
0x18e: {  	_ =	swait.ge [sflag:s4], $0x4000  }
0x18f: {  	[sflag:s4] =	ssyncset.done $0x0  }
0x190: {  	[sflag:s4] =	ssyncadd.s32 $0xFFFFC000  }
0x191: {  	[hbm4b:s6+s7] =	stream.indirect.scatter [tilespmem:s5], [sflag:$0x2], $0x80, s2, s7, $0xb8;
	[tilespmem:$0x8100] =	vst v63  }
0x192: {  	_ =	swait.ge [sflag:s9], $0x4000  }
0x193: {  	[sflag:s9] =	ssyncset.done $0x0  }
0x194: {  	[sflag:s9] =	ssyncadd.s32 $0xFFFFC000  }
0x195: {  	[tilespmem:s7], [sflag:$0x1] =	stream.linear.gather [hbm4b:s25+s2], $0x80, $0x38;
	[tilespmem:$0x8100] =	vst v63  }
0x196: {  	_ = 	snop  }
0x197: {  	[tilespmem:s8], [sflag:$0x1] =	stream.linear.gather [hbm4b:s26+s2], $0x4000, $0x38;
	[tilespmem:$0x8100] =	vst v63  }
0x198: {  	_ =	swait.ge [sflag:s4], $0x80  }
0x199: {  	[sflag:s4] =	ssyncset.done $0x0  }
0x19a: {  	[sflag:s4] =	ssyncadd.s32 $0xFFFFFF80  }
0x19b: {  	_ =	swait.ge [sflag:s4], $0x4000  }
0x19c: {  	[sflag:s4] =	ssyncset.done $0x0  }
0x19d: {  	[sflag:s4] =	ssyncadd.s32 $0xFFFFC000  }
0x19e: {  	[hbm4b:s6+s7] =	stream.indirect.scatter [tilespmem:s8], [sflag:$0x2], $0x80, s7, s7, $0xb8;
	[tilespmem:$0x8100] =	vst v63  }
0x19f: {  	_ =	swait.ge [sflag:s9], $0x4000  }
0x1a0: {  	[sflag:s9] =	ssyncset.done $0x0  }
0x1a1: {  	[sflag:s9] =	ssyncadd.s32 $0xFFFFC000  }
0x1a2: {  	[tilespmem:s2], [sflag:$0x1] =	stream.linear.gather [hbm4b:s28+s2], $0x80, $0x38;
	[tilespmem:$0x8100] =	vst v63  }
0x1a3: {  	_ = 	snop  }
0x1a4: {  	[tilespmem:s5], [sflag:$0x1] =	stream.linear.gather [hbm4b:s29+s2], $0x4000, $0x38;
	[tilespmem:$0x8100] =	vst v63  }
0x1a5: {  	_ =	swait.ge [sflag:s4], $0x80  }
0x1a6: {  	[sflag:s4] =	ssyncset.done $0x0  }
0x1a7: {  	[sflag:s4] =	ssyncadd.s32 $0xFFFFFF80  }
0x1a8: {  	_ =	swait.ge [sflag:s4], $0x4000  }
0x1a9: {  	[sflag:s4] =	ssyncset.done $0x0  }
0x1aa: {  	[sflag:s4] =	ssyncadd.s32 $0xFFFFC000  }
0x1ab: {  	[hbm4b:s6+s7] =	stream.indirect.scatter [tilespmem:s5], [sflag:$0x2], $0x80, s2, s7, $0xb8;
	[tilespmem:$0x8100] =	vst v63  }
0x1ac: {  	_ =	swait.ge [sflag:s9], $0x4000  }
0x1ad: {  	[sflag:s9] =	ssyncset.done $0x0  }
0x1ae: {  	[sflag:s9] =	ssyncadd.s32 $0xFFFFC000  }
0x1af: {  	[tilespmem:s7], [sflag:$0x1] =	stream.linear.gather [hbm4b:s30+s2], $0x80, $0x38;
	[tilespmem:$0x8100] =	vst v63  }
0x1b0: {  	_ = 	snop  }
0x1b1: {  	[tilespmem:s8], [sflag:$0x1] =	stream.linear.gather [hbm4b:s31+s2], $0x4000, $0x38;
	[tilespmem:$0x8100] =	vst v63  }
0x1b2: {  	_ =	swait.ge [sflag:s4], $0x80  }
0x1b3: {  	[sflag:s4] =	ssyncset.done $0x0  }
0x1b4: {  	[sflag:s4] =	ssyncadd.s32 $0xFFFFFF80  }
0x1b5: {  	_ =	swait.ge [sflag:s4], $0x4000  }
0x1b6: {  	[sflag:s4] =	ssyncset.done $0x0  }
0x1b7: {  	p0 =	sne.s32 s1, $0x1;
	[sflag:s4] =	ssyncadd.s32 $0xFFFFC000  }
0x1b8: {  	[hbm4b:s6+s7] =	stream.indirect.scatter [tilespmem:s8], [sflag:$0x2], $0x80, s7, s7, $0xb8;
	[tilespmem:$0x8100] =	vst v63  }
.Ltmp1:
0x1b9: {  	_ =	swait.ge [sflag:s9], $0x4000;
	(pc) =	sbr.rel @p0 .LBB2_1-.Ltmp1, $4  }
0x1ba: {  	[sflag:s9] =	ssyncset.done $0x0  }
0x1bb: {  	[sflag:s9] =	ssyncadd.s32 $0xFFFFC000  }
0x1bc: {  	_ =	swait.ge [sflag:s9], $0x4000  }
0x1bd: {  	s1 =	sadd.s32 $0xFFFFFFFF, s1;
	[sflag:s9] =	ssyncset.done $0x0  }
.LBB2_2:
0x1be: {  	[sflag:s9] =	ssyncadd.s32 $0xFFFFC000  }
0x1bf: {  	_ =	sfence.sel $0x180000  }
0x1c0: {  	[bflag:$0x0] =	sbarrier.arrive $0xFFFF  }
0x1c1: {  	_ =	strace $0x90000047  }
0x1c2: {  	s0 =	stileid.u32;
	[bflag:$0x2] =	sbarrier.arrive $0xFFFF  }
0x1c3: {  	p0 =	sne.s32 s0, $0x0;
	s0 =	rddreg [dreg:$0x2]  }
0x1c4: {  	s0 =	sadd.s32 @!p0 $0x100000, s0  }
0x1c5: {  	[sflag:s0] =	ssyncadd.tile.s32 @!p0 $0x1;
	_ =	shalt  }
.Lfunc_end2:
_tile_overlayer_lowered:
.L_overlay_start_2:
0x1c6: {  	(tag) =	ssettag $0x2  }
0x1c7: {  	s0 =	rddreg [dreg:$0x0];
	s2 =	stileid.u32  }
0x1c8: {  	s1 =	rddreg [dreg:$0x1];
	p0 =	sne.s32 s2, $0x0  }
0x1c9: {  	s3 =	rddreg [dreg:$0x2];
	[bflag:$0x3] =	sbarrier.arrive $0xFFFF;
	s2 =	simm.s32 @!p0 $0x1C03  }
0x1ca: {  	[timem:s3], [sflag:s2] =	dma.local @!p0 [hbm:s0], s1  }
0x1cb: {  	s0 =	simm.s32 @!p0 $0x3  }
0x1cc: {  	_ =	swait.ge @!p0 [sflag:s0], s1  }
0x1cd: {  	s1 =	ssub.s32 @!p0 $0x0, s1;
	[sflag:s0] =	ssyncset.done @!p0 $0x0  }
0x1ce: {  	[sflag:s0] =	ssyncadd.s32 @!p0 s1  }
0x1cf: {  	[bflag:$0x3] =	sbarrier.arrive $0xFFFF  }
0x1d0: {  	_ =	shalt  }

</sc_bundles>
